<compile_context>
chip_gen: v7x
topology: tpu7x:2x2x1
jax: 0.10.2.dev20260603
libtpu: 0.0.44.dev20260713+nightly
codegen_flags: <defaults>
</compile_context>

<pallas_src>
import functools

import jax
import jax.numpy as jnp
from jax import lax
from jax.experimental import pallas as pl
from jax.experimental.pallas import tpu as pltpu
from jax.experimental.pallas import tpu_sc as plsc

NC = 2
NS = 16
NW = NC * NS
LANES = 16
CH = 128
BR = 1024
BE = 4096

f32 = jnp.float32


def _sc_mesh():
    return plsc.VectorSubcoreMesh(core_axis_name="c", subcore_axis_name="s",
                                  num_cores=NC, num_subcores=NS)


_SC_PARAMS = pltpu.CompilerParams(needs_layout_passes=False)



def _deg_kernel(E_pad, NP, nch0, nch1):
    @functools.partial(
        pl.kernel,
        out_type=jax.ShapeDtypeStruct((NW, NP), f32),
        mesh=_sc_mesh(),
        compiler_params=_SC_PARAMS,
        scratch_types=[
            pltpu.VMEM((NP,), f32),
            pltpu.VMEM((CH,), jnp.int32),
        ],
    )
    def kdeg(dstp, out, degl, idxb):
        cid = lax.axis_index("c")
        sid = lax.axis_index("s")
        crow0 = (cid * NS + sid) * nch0
        zero16 = jnp.zeros((LANES,), f32)
        ones16 = jnp.ones((LANES,), f32)

        def zbody(i, c):
            degl[pl.ds(i * LANES, LANES)] = zero16
            return c
        lax.fori_loop(0, NP // LANES, zbody, 0)

        def cbody(i, c):
            pltpu.sync_copy(dstp.at[pl.ds((crow0 + i) * CH, CH)], idxb)
            for j in range(CH // LANES):
                iv = idxb[pl.ds(j * LANES, LANES)]
                plsc.addupdate_scatter(degl, [iv], ones16)
            return c
        lax.fori_loop(0, nch0, cbody, 0)

        pltpu.sync_copy(degl, out.at[cid * NS + sid])

    return kdeg


def _conv_scatter_kernel(E_pad, NP, F, nch0, nch1):
    rpt = NP // NS

    @functools.partial(
        pl.kernel,
        out_type=jax.ShapeDtypeStruct((NC, NP, F), f32),
        mesh=_sc_mesh(),
        compiler_params=_SC_PARAMS,
        scratch_types=[
            pltpu.VMEM((CH,), jnp.int32),
            pltpu.VMEM((CH,), jnp.int32),
            pltpu.VMEM((CH, F), f32),
            pltpu.VMEM_SHARED((NP, F), f32),
            pltpu.SemaphoreType.DMA,
        ],
    )
    def kconv(hp, srcp, dstp, zinit, out, idx_s, idx_d, rows, acc, sem):
        cid = lax.axis_index("c")
        sid = lax.axis_index("s")
        crow0 = (cid * NS + sid) * nch0
        pltpu.sync_copy(zinit.at[pl.ds(sid * rpt, rpt)],
                        acc.at[pl.ds(sid * rpt, rpt)])
        plsc.subcore_barrier()

        def cbody(i, c):
            base = (crow0 + i) * CH
            pltpu.sync_copy(srcp.at[pl.ds(base, CH)], idx_s)
            pltpu.sync_copy(dstp.at[pl.ds(base, CH)], idx_d)
            pltpu.async_copy(hp.at[idx_s], rows, sem).wait()
            pltpu.sync_copy(rows, acc.at[idx_d], add=True)
            return c
        lax.fori_loop(0, nch0, cbody, 0)

        plsc.subcore_barrier()
        pltpu.sync_copy(acc.at[pl.ds(sid * rpt, rpt)],
                        out.at[cid, pl.ds(sid * rpt, rpt)])

    return kconv


def _edge_kernel(E_pad, NP, nch0, nch1):
    D = 256

    @functools.partial(
        pl.kernel,
        out_type=(jax.ShapeDtypeStruct((E_pad, 128), f32),
                  jax.ShapeDtypeStruct((E_pad, 128), f32)),
        mesh=_sc_mesh(),
        compiler_params=_SC_PARAMS,
        scratch_types=[
            pltpu.VMEM((CH,), jnp.int32),
            pltpu.VMEM((CH,), jnp.int32),
            pltpu.VMEM((CH, D), f32),
            pltpu.VMEM((CH, D), f32),
            pltpu.SemaphoreType.DMA,
            pltpu.SemaphoreType.DMA,
        ],
    )
    def kedge(us, ud, srcp, dstp, gs_out, gd_out,
              idx_s, idx_d, sv, dv, sem_s, sem_d):
        cid = lax.axis_index("c")
        sid = lax.axis_index("s")
        crow0 = (cid * NS + sid) * nch0

        def cbody(i, c):
            base = (crow0 + i) * CH
            pltpu.sync_copy(srcp.at[pl.ds(base, CH)], idx_s)
            pltpu.sync_copy(dstp.at[pl.ds(base, CH)], idx_d)
            cp_s = pltpu.async_copy(us.at[idx_s], sv, sem_s)
            cp_d = pltpu.async_copy(ud.at[idx_d], dv, sem_d)
            cp_s.wait()
            cp_d.wait()

            def ebody(e, c2):
                acc = jnp.zeros((LANES,), f32)
                for j in range(128 // LANES):
                    sb = sv[e, pl.ds(j * LANES, LANES)]
                    db = dv[e, pl.ds(j * LANES, LANES)]
                    t = sb - db
                    acc = acc + t * t
                sv[e, pl.ds(192, LANES)] = acc
                return c2
            lax.fori_loop(0, CH, ebody, 0)

            pltpu.sync_copy(sv.at[:, pl.ds(128, 128)], gs_out.at[pl.ds(base, CH)])
            pltpu.sync_copy(dv.at[:, pl.ds(128, 128)], gd_out.at[pl.ds(base, CH)])
            return c
        lax.fori_loop(0, nch0, cbody, 0)

    return kedge



def _t0_kernel(NP, Z, HID):
    grid = (NP // BR,)

    def body(degp, zp, w0, out_h, out_dis):
        ones = jnp.ones((NW, 1), f32)
        dis = lax.rsqrt(
            lax.dot_general(degp[...], ones, (((0,), (0,)), ((), ())),
                            preferred_element_type=f32) + 1.0)
        out_dis[...] = dis
        out_h[...] = jnp.dot(zp[...], w0[...],
                             preferred_element_type=f32) * dis

    return pl.pallas_call(
        body,
        grid=grid,
        in_specs=[
            pl.BlockSpec((NW, BR), lambda i: (0, i)),
            pl.BlockSpec((BR, Z), lambda i: (i, 0)),
            pl.BlockSpec((Z, HID), lambda i: (0, 0)),
        ],
        out_specs=[
            pl.BlockSpec((BR, HID), lambda i: (i, 0)),
            pl.BlockSpec((BR, 1), lambda i: (i, 0)),
        ],
        out_shape=[
            jax.ShapeDtypeStruct((NP, HID), f32),
            jax.ShapeDtypeStruct((NP, 1), f32),
        ],
    )


def _layer_kernel(NP, Fin, Fout):
    grid = (NP // BR,)

    def body(p, hp, b, w, dis, out):
        pb = p[...]
        x = dis[...] * (pb[0] + pb[1] + hp[...]) + b[...]
        x = jnp.maximum(x, 0.0)
        out[...] = jnp.dot(x, w[...], preferred_element_type=f32) * dis[...]

    return pl.pallas_call(
        body,
        grid=grid,
        in_specs=[
            pl.BlockSpec((NC, BR, Fin), lambda i: (0, i, 0)),
            pl.BlockSpec((BR, Fin), lambda i: (i, 0)),
            pl.BlockSpec((1, Fin), lambda i: (0, 0)),
            pl.BlockSpec((Fin, Fout), lambda i: (0, 0)),
            pl.BlockSpec((BR, 1), lambda i: (i, 0)),
        ],
        out_specs=pl.BlockSpec((BR, Fout), lambda i: (i, 0)),
        out_shape=jax.ShapeDtypeStruct((NP, Fout), f32),
    )


def _pack_kernel(NP, Z, G):
    grid = (NP // BR,)
    HID = 2 * G

    def body(p, hp, b, zp, dis, out_us, out_ud):
        pb = p[...]
        gf = dis[...] * (pb[0] + pb[1] + hp[...]) + b[...]
        g = gf[:, :G]
        zb = zp[...]
        zeros = jnp.zeros((BR, G), f32)
        out_us[...] = jnp.concatenate([zb + 1e-6, g, zeros], axis=1)
        out_ud[...] = jnp.concatenate([zb, g, zeros], axis=1)

    return pl.pallas_call(
        body,
        grid=grid,
        in_specs=[
            pl.BlockSpec((NC, BR, HID), lambda i: (0, i, 0)),
            pl.BlockSpec((BR, HID), lambda i: (i, 0)),
            pl.BlockSpec((1, HID), lambda i: (0, 0)),
            pl.BlockSpec((BR, Z), lambda i: (i, 0)),
            pl.BlockSpec((BR, 1), lambda i: (i, 0)),
        ],
        out_specs=[
            pl.BlockSpec((BR, Z + HID), lambda i: (i, 0)),
            pl.BlockSpec((BR, Z + HID), lambda i: (i, 0)),
        ],
        out_shape=[
            jax.ShapeDtypeStruct((NP, Z + HID), f32),
            jax.ShapeDtypeStruct((NP, Z + HID), f32),
        ],
    )


def _head_kernel(E_pad, G, HID):
    grid = (E_pad // BE,)

    def body(gs, gd, wr1, br1, wr2, br2, wt1, bt1, wt2, bt2, out):
        gsb = gs[...]
        gdb = gd[...]
        inp = jnp.concatenate([gsb[:, :G], gdb[:, :G]], axis=1)
        sp = gsb[:, G:G + LANES]
        dist = -jnp.sqrt(jnp.sum(sp, axis=1, keepdims=True))

        def head(w1, b1, w2, b2):
            h = jnp.dot(inp, w1[...], preferred_element_type=f32) + b1[...]
            h = jnp.maximum(h, 0.2 * h)
            return jnp.dot(h, w2[...], preferred_element_type=f32) + b2[...]

        r = head(wr1, br1, wr2, br2)
        t = head(wt1, bt1, wt2, bt2)
        out[...] = jax.nn.sigmoid((dist - r) / t)

    return pl.pallas_call(
        body,
        grid=grid,
        in_specs=[
            pl.BlockSpec((BE, 128), lambda i: (i, 0)),
            pl.BlockSpec((BE, 128), lambda i: (i, 0)),
            pl.BlockSpec((2 * G, HID), lambda i: (0, 0)),
            pl.BlockSpec((1, HID), lambda i: (0, 0)),
            pl.BlockSpec((HID, 1), lambda i: (0, 0)),
            pl.BlockSpec((1, 1), lambda i: (0, 0)),
            pl.BlockSpec((2 * G, HID), lambda i: (0, 0)),
            pl.BlockSpec((1, HID), lambda i: (0, 0)),
            pl.BlockSpec((HID, 1), lambda i: (0, 0)),
            pl.BlockSpec((1, 1), lambda i: (0, 0)),
        ],
        out_specs=pl.BlockSpec((BE, 1), lambda i: (i, 0)),
        out_shape=jax.ShapeDtypeStruct((E_pad, 1), f32),
    )



def kernel(z, edge_index, W0, b0, W1, b1, W2, b2,
           r_mlp_W1, r_mlp_b1, r_mlp_W2, r_mlp_b2,
           t_mlp_W1, t_mlp_b1, t_mlp_W2, t_mlp_b2):
    N, Z = z.shape
    E = edge_index.shape[1]
    HID = W0.shape[1]
    G = W2.shape[1]

    NP = -(-(N + 1) // BR) * BR
    EW = -(-E // (NW * CH)) * CH
    E_pad = NW * EW
    nch_all = E_pad // (NS * CH)
    nch0 = nch_all // 2
    nch1 = nch_all - nch0

    zp = jnp.concatenate([z, jnp.zeros((NP - N, Z), f32)], axis=0)
    npad2 = 2 * NS * nch0 * CH
    pad = jnp.full((npad2 - E,), N, jnp.int32)
    srcp = jnp.concatenate([edge_index[0], pad])
    dstp = jnp.concatenate([edge_index[1], pad])
    zinit_h = jnp.zeros((NP, HID), f32)
    W2p = jnp.concatenate([W2, jnp.zeros((HID, HID - G), f32)], axis=1)
    b2p = jnp.concatenate([b2, jnp.zeros((HID - G,), f32)])

    degp = _deg_kernel(E_pad, NP, nch0, nch1)(dstp)
    hp0, dis = _t0_kernel(NP, Z, HID)(degp, zp, W0)

    p0 = _conv_scatter_kernel(E_pad, NP, HID, nch0, nch1)(hp0, srcp, dstp, zinit_h)
    hp1 = _layer_kernel(NP, HID, HID)(p0, hp0, b0.reshape(1, HID), W1, dis)

    p1 = _conv_scatter_kernel(E_pad, NP, HID, nch0, nch1)(hp1, srcp, dstp, zinit_h)
    hp2 = _layer_kernel(NP, HID, HID)(p1, hp1, b1.reshape(1, HID), W2p, dis)

    p2 = _conv_scatter_kernel(E_pad, NP, HID, nch0, nch1)(hp2, srcp, dstp, zinit_h)
    us, ud = _pack_kernel(NP, Z, G)(p2, hp2, b2p.reshape(1, HID), zp, dis)

    gs, gd = _edge_kernel(E_pad, NP, nch0, nch1)(us, ud, srcp, dstp)

    probs = _head_kernel(E_pad, G, HID)(
        gs, gd,
        r_mlp_W1, r_mlp_b1.reshape(1, HID), r_mlp_W2, r_mlp_b2.reshape(1, 1),
        t_mlp_W1, t_mlp_b1.reshape(1, HID), t_mlp_W2, t_mlp_b2.reshape(1, 1))
    return probs.reshape(-1)[:E]

# --- scband reference (transcript-rebuilt; emitter-appended) ---
"""Pipeline reference for scband-distance-decoder-32487132627159 (READ-ONLY COPY).

The authoritative reference and input builder live on the scoring server;
editing this copy changes nothing except your own understanding.
"""

import jax, jax.numpy as jnp
import numpy as np

N = 10000
E = 320000
Z_DIM = 128
HID = 128


def setup_inputs(seed: int = 0) -> dict:
    key = jax.random.key(seed)
    ks = jax.random.split(key, 12)
    def w(k, shape):
        return jax.random.normal(k, shape, dtype=jnp.float32) * 0.05
    inp = {}
    inp['z'] = jax.random.normal(ks[0], (N, Z_DIM), dtype=jnp.float32)
    inp['edge_index'] = jax.random.randint(ks[1], (2, E), 0, N, dtype=jnp.int32)
    inp['W0'] = w(ks[2], (Z_DIM, HID)); inp['b0'] = jnp.zeros((HID,), jnp.float32)
    inp['W1'] = w(ks[3], (HID, HID)); inp['b1'] = jnp.zeros((HID,), jnp.float32)
    inp['W2'] = w(ks[4], (HID, HID // 2)); inp['b2'] = jnp.zeros((HID // 2,), jnp.float32)
    inp['r_mlp_W1'] = w(ks[5], (HID, HID)); inp['r_mlp_b1'] = jnp.zeros((HID,), jnp.float32)
    inp['r_mlp_W2'] = w(ks[6], (HID, 1)); inp['r_mlp_b2'] = jnp.zeros((1,), jnp.float32)
    inp['t_mlp_W1'] = w(ks[7], (HID, HID)); inp['t_mlp_b1'] = jnp.zeros((HID,), jnp.float32)
    inp['t_mlp_W2'] = w(ks[8], (HID, 1)); inp['t_mlp_b2'] = jnp.zeros((1,), jnp.float32)
    return inp


def gcn_conv(x, W, b, src, dst, n):
    # PyG GCNConv: linear transform, add self-loops, sym-normalized scatter-add, bias
    h = x @ W
    loop = jnp.arange(n, dtype=src.dtype)
    row = jnp.concatenate([src, loop])
    col = jnp.concatenate([dst, loop])
    deg = jnp.zeros((n,), x.dtype).at[col].add(1.0)
    dis = jnp.where(deg > 0, 1.0 / jnp.sqrt(deg), 0.0)
    norm = dis[row] * dis[col]
    msg = h[row] * norm[:, None]
    out = jnp.zeros((n, h.shape[1]), x.dtype).at[col].add(msg)
    return out + b


def gnn_net(z, src, dst, W0, b0, W1, b1, W2, b2):
    n = z.shape[0]
    h = gcn_conv(z, W0, b0, src, dst, n)
    h = jax.nn.relu(h)
    h = gcn_conv(h, W1, b1, src, dst, n)
    h = jax.nn.relu(h)
    h = gcn_conv(h, W2, b2, src, dst, n)
    return h


def reference(z, edge_index, W0, b0, W1, b1, W2, b2,
              r_mlp_W1, r_mlp_b1, r_mlp_W2, r_mlp_b2,
              t_mlp_W1, t_mlp_b1, t_mlp_W2, t_mlp_b2):
    src = edge_index[0]
    dst = edge_index[1]
    # F.pairwise_distance with default eps=1e-6
    dist = -jnp.sqrt(jnp.sum((z[src] - z[dst] + 1e-6) ** 2, axis=1))
    # NOTE: in the torch module self.t reuses the SAME conv blocks as self.r
    # (block_net_r passed to both), so t_gnn shares weights with r_gnn.
    r_gnn = gnn_net(z, src, dst, W0, b0, W1, b1, W2, b2)
    t_gnn = gnn_net(z, src, dst, W0, b0, W1, b1, W2, b2)
    inp_r = jnp.concatenate([r_gnn[src], r_gnn[dst]], axis=1)
    inp_t = jnp.concatenate([t_gnn[src], t_gnn[dst]], axis=1)
    def mlp(x, Wa, ba, Wb, bb):
        h = x @ Wa + ba
        h = jax.nn.leaky_relu(h, 0.2)
        return (h @ Wb + bb).squeeze(-1)
    r = mlp(inp_r, r_mlp_W1, r_mlp_b1, r_mlp_W2, r_mlp_b2)
    t = mlp(inp_t, t_mlp_W1, t_mlp_b1, t_mlp_W2, t_mlp_b2)
    probs = jax.nn.sigmoid((dist - r) / t)
    return probs

if __name__ == "__main__":
    import jax
    _d = setup_inputs()
    print(jax.jit(kernel)(*tuple(_d.values())))

</pallas_src>

<mosaic_0001>
#map = affine_map<(d0, d1) -> (0, 0)>
#map1 = affine_map<(d0, d1) -> (0)>
#map2 = affine_map<(d0, d1) -> (0, 0, 0)>
module attributes {stable_mosaic.version = 14 : i64} {
  func.func @kconv(%arg0: i32, %arg1: i32, %arg2: memref<10240x128xf32, #tpu.memory_space<hbm>>, %arg3: memref<323584xi32, #tpu.memory_space<hbm>>, %arg4: memref<323584xi32, #tpu.memory_space<hbm>>, %arg5: memref<10240x128xf32, #tpu.memory_space<hbm>>, %arg6: memref<2x10240x128xf32, #tpu.memory_space<hbm>>, %arg7: memref<128xi32, #tpu.memory_space<vmem>>, %arg8: memref<128xi32, #tpu.memory_space<vmem>>, %arg9: memref<128x128xf32, #tpu.memory_space<vmem>>, %arg10: memref<10240x128xf32, #tpu.memory_space<vmem_shared>>, %arg11: memref<!tpu.dma_semaphore, #tpu.memory_space<semaphore_mem>>) attributes {dimension_semantics = [#tpu.dimension_semantics<core_parallel>, #tpu.dimension_semantics<subcore_parallel>], iteration_bounds = array<i64: 2, 16>, scalar_prefetch = 0 : i64, scratch_operands = 5 : i64, tpu.core_type = #tpu.core_type<sc_vector_subcore>, window_params = [{transform_indices = #map}, {transform_indices = #map1}, {transform_indices = #map1}, {transform_indices = #map}, {transform_indices = #map2}]} {
    %mul3A = arith.constant 16 : i32
    %mul3A_0 = arith.muli %arg0, %mul3A : i32
    %add3A = arith.addi %mul3A_0, %arg1 : i32
    %mul3A_1 = arith.constant 79 : i32
    %mul3A_2 = arith.muli %add3A, %mul3A_1 : i32
    %mul3A_3 = arith.constant 640 : i32
    %mul3A_4 = arith.muli %arg1, %mul3A_3 : i32
    %mul3A_5 = arith.constant 640 : i32
    %mul3A_6 = arith.muli %arg1, %mul3A_5 : i32
    "tpu.region"() ({
      %run_scoped3A = tpu.sem_alloc : memref<!tpu.dma_semaphore, #tpu.memory_space<semaphore_mem>>
      %dma_start3A = arith.constant 0 : i32
      %dma_start3A_17 = tpu.memref_slice %arg10[%mul3A_6, %dma_start3A] : memref<10240x128xf32, #tpu.memory_space<vmem_shared>> -> memref<640x128xf32, #tpu.memory_space<vmem_shared>>
      %dma_start3A_18 = arith.constant 0 : i32
      %dma_start3A_19 = tpu.memref_slice %arg5[%mul3A_4, %dma_start3A_18] : memref<10240x128xf32, #tpu.memory_space<hbm>> -> memref<640x128xf32, #tpu.memory_space<hbm>>
      tpu.enqueue_dma source(%dma_start3A_19 : memref<640x128xf32, #tpu.memory_space<hbm>>) target(%dma_start3A_17 : memref<640x128xf32, #tpu.memory_space<vmem_shared>>) target_semaphore(%run_scoped3A : memref<!tpu.dma_semaphore, #tpu.memory_space<semaphore_mem>>)
      %dma_wait3A = arith.constant 0 : i32
      %dma_wait3A_20 = tpu.memref_slice %arg10[%mul3A_6, %dma_wait3A] : memref<10240x128xf32, #tpu.memory_space<vmem_shared>> -> memref<640x128xf32, #tpu.memory_space<vmem_shared>>
      %dma_wait3A_21 = arith.constant 0 : i32
      %dma_wait3A_22 = tpu.memref_slice %arg5[%mul3A_4, %dma_wait3A_21] : memref<10240x128xf32, #tpu.memory_space<hbm>> -> memref<640x128xf32, #tpu.memory_space<hbm>>
      tpu.wait_dma2 semaphore(%run_scoped3A : memref<!tpu.dma_semaphore, #tpu.memory_space<semaphore_mem>>) src(%dma_wait3A_22 : memref<640x128xf32, #tpu.memory_space<hbm>>) dst(%dma_wait3A_20 : memref<640x128xf32, #tpu.memory_space<vmem_shared>>)
      tpu.yield
    }) : () -> ()
    %barrier3A = arith.constant 0 : index
    tpu.barrier barrier_id(%barrier3A)
    %scan3A = arith.constant 0 : i32
    %scan3A_7 = arith.constant 0 : i32
    %scan3A_8 = arith.constant 79 : i32
    %scan3A_9 = arith.addi %scan3A_7, %scan3A_8 : i32
    %scan3A_10 = arith.constant 1 : i32
    scf.for %scan3A_17 = %scan3A_7 to %scan3A_9 step %scan3A_10  : i32 {
      %add3A_18 = arith.addi %mul3A_2, %scan3A_17 : i32
      %mul3A_19 = arith.constant 128 : i32
      %mul3A_20 = arith.muli %add3A_18, %mul3A_19 : i32
      "tpu.region"() ({
        %run_scoped3A = tpu.sem_alloc : memref<!tpu.dma_semaphore, #tpu.memory_space<semaphore_mem>>
        %dma_start3A_25 = tpu.memref_slice %arg3[%mul3A_20] : memref<323584xi32, #tpu.memory_space<hbm>> -> memref<128xi32, #tpu.memory_space<hbm>>
        %dma_start3A_26 = tpu.memref_slice %arg3[%mul3A_20] : memref<323584xi32, #tpu.memory_space<hbm>> -> memref<128xi32, #tpu.memory_space<hbm>>
        tpu.enqueue_dma source(%dma_start3A_26 : memref<128xi32, #tpu.memory_space<hbm>>) target(%arg7 : memref<128xi32, #tpu.memory_space<vmem>>) target_semaphore(%run_scoped3A : memref<!tpu.dma_semaphore, #tpu.memory_space<semaphore_mem>>)
        %dma_wait3A_27 = tpu.memref_slice %arg3[%mul3A_20] : memref<323584xi32, #tpu.memory_space<hbm>> -> memref<128xi32, #tpu.memory_space<hbm>>
        %dma_wait3A_28 = tpu.memref_slice %arg3[%mul3A_20] : memref<323584xi32, #tpu.memory_space<hbm>> -> memref<128xi32, #tpu.memory_space<hbm>>
        tpu.wait_dma2 semaphore(%run_scoped3A : memref<!tpu.dma_semaphore, #tpu.memory_space<semaphore_mem>>) src(%dma_wait3A_28 : memref<128xi32, #tpu.memory_space<hbm>>) dst(%arg7 : memref<128xi32, #tpu.memory_space<vmem>>)
        tpu.yield
      }) : () -> ()
      "tpu.region"() ({
        %run_scoped3A = tpu.sem_alloc : memref<!tpu.dma_semaphore, #tpu.memory_space<semaphore_mem>>
        %dma_start3A_25 = tpu.memref_slice %arg4[%mul3A_20] : memref<323584xi32, #tpu.memory_space<hbm>> -> memref<128xi32, #tpu.memory_space<hbm>>
        %dma_start3A_26 = tpu.memref_slice %arg4[%mul3A_20] : memref<323584xi32, #tpu.memory_space<hbm>> -> memref<128xi32, #tpu.memory_space<hbm>>
        tpu.enqueue_dma source(%dma_start3A_26 : memref<128xi32, #tpu.memory_space<hbm>>) target(%arg8 : memref<128xi32, #tpu.memory_space<vmem>>) target_semaphore(%run_scoped3A : memref<!tpu.dma_semaphore, #tpu.memory_space<semaphore_mem>>)
        %dma_wait3A_27 = tpu.memref_slice %arg4[%mul3A_20] : memref<323584xi32, #tpu.memory_space<hbm>> -> memref<128xi32, #tpu.memory_space<hbm>>
        %dma_wait3A_28 = tpu.memref_slice %arg4[%mul3A_20] : memref<323584xi32, #tpu.memory_space<hbm>> -> memref<128xi32, #tpu.memory_space<hbm>>
        tpu.wait_dma2 semaphore(%run_scoped3A : memref<!tpu.dma_semaphore, #tpu.memory_space<semaphore_mem>>) src(%dma_wait3A_28 : memref<128xi32, #tpu.memory_space<hbm>>) dst(%arg8 : memref<128xi32, #tpu.memory_space<vmem>>)
        tpu.yield
      }) : () -> ()
      %dma_start3A = arith.constant 0 : i32
      %dma_start3A_21 = arith.constant 0 : i32
      %dma_start3A_22 = tpu.memref_slice %arg2[%dma_start3A, %dma_start3A_21] : memref<10240x128xf32, #tpu.memory_space<hbm>> -> memref<10240x128xf32, #tpu.memory_space<hbm>>
      tpu.enqueue_indirect_dma source(%dma_start3A_22 : memref<10240x128xf32, #tpu.memory_space<hbm>>) target(%arg9 : memref<128x128xf32, #tpu.memory_space<vmem>>) offsets(%arg7 : memref<128xi32, #tpu.memory_space<vmem>>) semaphore(%arg11 : memref<!tpu.dma_semaphore, #tpu.memory_space<semaphore_mem>>)
      %dma_wait3A = arith.constant 0 : i32
      %dma_wait3A_23 = arith.constant 0 : i32
      %dma_wait3A_24 = tpu.memref_slice %arg2[%dma_wait3A, %dma_wait3A_23] : memref<10240x128xf32, #tpu.memory_space<hbm>> -> memref<10240x128xf32, #tpu.memory_space<hbm>>
      tpu.wait_indirect_dma semaphore(%arg11 : memref<!tpu.dma_semaphore, #tpu.memory_space<semaphore_mem>>) src(%dma_wait3A_24 : memref<10240x128xf32, #tpu.memory_space<hbm>>) dst(%arg9 : memref<128x128xf32, #tpu.memory_space<vmem>>)
      "tpu.region"() ({
        %run_scoped3A = tpu.sem_alloc : memref<!tpu.dma_semaphore, #tpu.memory_space<semaphore_mem>>
        %dma_start3A_25 = arith.constant 0 : i32
        %dma_start3A_26 = arith.constant 0 : i32
        %dma_start3A_27 = tpu.memref_slice %arg10[%dma_start3A_25, %dma_start3A_26] : memref<10240x128xf32, #tpu.memory_space<vmem_shared>> -> memref<10240x128xf32, #tpu.memory_space<vmem_shared>>
        tpu.enqueue_indirect_dma source(%arg9 : memref<128x128xf32, #tpu.memory_space<vmem>>) target(%dma_start3A_27 : memref<10240x128xf32, #tpu.memory_space<vmem_shared>>) offsets(%arg8 : memref<128xi32, #tpu.memory_space<vmem>>) semaphore(%run_scoped3A : memref<!tpu.dma_semaphore, #tpu.memory_space<semaphore_mem>>) {add = true}
        %dma_wait3A_28 = arith.constant 0 : i32
        %dma_wait3A_29 = arith.constant 0 : i32
        %dma_wait3A_30 = tpu.memref_slice %arg10[%dma_wait3A_28, %dma_wait3A_29] : memref<10240x128xf32, #tpu.memory_space<vmem_shared>> -> memref<10240x128xf32, #tpu.memory_space<vmem_shared>>
        tpu.wait_indirect_dma semaphore(%run_scoped3A : memref<!tpu.dma_semaphore, #tpu.memory_space<semaphore_mem>>) src(%arg9 : memref<128x128xf32, #tpu.memory_space<vmem>>) dst(%dma_wait3A_30 : memref<10240x128xf32, #tpu.memory_space<vmem_shared>>)
        tpu.yield
      }) : () -> ()
    }
    %scan3A_11 = arith.constant 79 : i32
    %barrier3A_12 = arith.constant 0 : index
    tpu.barrier barrier_id(%barrier3A_12)
    %mul3A_13 = arith.constant 640 : i32
    %mul3A_14 = arith.muli %arg1, %mul3A_13 : i32
    %mul3A_15 = arith.constant 640 : i32
    %mul3A_16 = arith.muli %arg1, %mul3A_15 : i32
    "tpu.region"() ({
      %run_scoped3A = tpu.sem_alloc : memref<!tpu.dma_semaphore, #tpu.memory_space<semaphore_mem>>
      %dma_start3A = arith.constant 0 : i32
      %dma_start3A_17 = tpu.memref_slice %arg6[%arg0, %mul3A_16, %dma_start3A] : memref<2x10240x128xf32, #tpu.memory_space<hbm>> -> memref<1x640x128xf32, #tpu.memory_space<hbm>>
      %dma_start3A_18 = tpu.memref_squeeze %dma_start3A_17 : memref<1x640x128xf32, #tpu.memory_space<hbm>> -> memref<640x128xf32, #tpu.memory_space<hbm>>
      %dma_start3A_19 = arith.constant 0 : i32
      %dma_start3A_20 = tpu.memref_slice %arg10[%mul3A_14, %dma_start3A_19] : memref<10240x128xf32, #tpu.memory_space<vmem_shared>> -> memref<640x128xf32, #tpu.memory_space<vmem_shared>>
      tpu.enqueue_dma source(%dma_start3A_20 : memref<640x128xf32, #tpu.memory_space<vmem_shared>>) target(%dma_start3A_18 : memref<640x128xf32, #tpu.memory_space<hbm>>) target_semaphore(%run_scoped3A : memref<!tpu.dma_semaphore, #tpu.memory_space<semaphore_mem>>)
      %dma_wait3A = arith.constant 0 : i32
      %dma_wait3A_21 = tpu.memref_slice %arg6[%arg0, %mul3A_16, %dma_wait3A] : memref<2x10240x128xf32, #tpu.memory_space<hbm>> -> memref<1x640x128xf32, #tpu.memory_space<hbm>>
      %dma_wait3A_22 = tpu.memref_squeeze %dma_wait3A_21 : memref<1x640x128xf32, #tpu.memory_space<hbm>> -> memref<640x128xf32, #tpu.memory_space<hbm>>
      %dma_wait3A_23 = arith.constant 0 : i32
      %dma_wait3A_24 = tpu.memref_slice %arg10[%mul3A_14, %dma_wait3A_23] : memref<10240x128xf32, #tpu.memory_space<vmem_shared>> -> memref<640x128xf32, #tpu.memory_space<vmem_shared>>
      tpu.wait_dma2 semaphore(%run_scoped3A : memref<!tpu.dma_semaphore, #tpu.memory_space<semaphore_mem>>) src(%dma_wait3A_24 : memref<640x128xf32, #tpu.memory_space<vmem_shared>>) dst(%dma_wait3A_22 : memref<640x128xf32, #tpu.memory_space<hbm>>)
      tpu.yield
    }) : () -> ()
    return
  }
}

#map = affine_map<(d0, d1) -> (0, 0)>
#map1 = affine_map<(d0, d1) -> (0)>
#map2 = affine_map<(d0, d1) -> (0, 0, 0)>
module attributes {stable_mosaic.version = 14 : i64} {
  func.func @kconv(%arg0: i32, %arg1: i32, %arg2: memref<10240x128xf32, #tpu.memory_space<hbm>>, %arg3: memref<323584xi32, #tpu.memory_space<hbm>>, %arg4: memref<323584xi32, #tpu.memory_space<hbm>>, %arg5: memref<10240x128xf32, #tpu.memory_space<hbm>>, %arg6: memref<2x10240x128xf32, #tpu.memory_space<hbm>>, %arg7: memref<128xi32, #tpu.memory_space<vmem>>, %arg8: memref<128xi32, #tpu.memory_space<vmem>>, %arg9: memref<128x128xf32, #tpu.memory_space<vmem>>, %arg10: memref<10240x128xf32, #tpu.memory_space<vmem_shared>>, %arg11: memref<!tpu.dma_semaphore, #tpu.memory_space<semaphore_mem>>) attributes {dimension_semantics = [#tpu.dimension_semantics<core_parallel>, #tpu.dimension_semantics<subcore_parallel>], iteration_bounds = array<i64: 2, 16>, scalar_prefetch = 0 : i64, scratch_operands = 5 : i64, tpu.core_type = #tpu.core_type<sc_vector_subcore>, window_params = [{transform_indices = #map}, {transform_indices = #map1}, {transform_indices = #map1}, {transform_indices = #map}, {transform_indices = #map2}]} {
    %mul3A = arith.constant 16 : i32
    %mul3A_0 = arith.muli %arg0, %mul3A : i32
    %add3A = arith.addi %mul3A_0, %arg1 : i32
    %mul3A_1 = arith.constant 79 : i32
    %mul3A_2 = arith.muli %add3A, %mul3A_1 : i32
    %mul3A_3 = arith.constant 640 : i32
    %mul3A_4 = arith.muli %arg1, %mul3A_3 : i32
    %mul3A_5 = arith.constant 640 : i32
    %mul3A_6 = arith.muli %arg1, %mul3A_5 : i32
    "tpu.region"() ({
      %run_scoped3A = tpu.sem_alloc : memref<!tpu.dma_semaphore, #tpu.memory_space<semaphore_mem>>
      %dma_start3A = arith.constant 0 : i32
      %dma_start3A_17 = tpu.memref_slice %arg10[%mul3A_6, %dma_start3A] : memref<10240x128xf32, #tpu.memory_space<vmem_shared>> -> memref<640x128xf32, #tpu.memory_space<vmem_shared>>
      %dma_start3A_18 = arith.constant 0 : i32
      %dma_start3A_19 = tpu.memref_slice %arg5[%mul3A_4, %dma_start3A_18] : memref<10240x128xf32, #tpu.memory_space<hbm>> -> memref<640x128xf32, #tpu.memory_space<hbm>>
      tpu.enqueue_dma source(%dma_start3A_19 : memref<640x128xf32, #tpu.memory_space<hbm>>) target(%dma_start3A_17 : memref<640x128xf32, #tpu.memory_space<vmem_shared>>) target_semaphore(%run_scoped3A : memref<!tpu.dma_semaphore, #tpu.memory_space<semaphore_mem>>)
      %dma_wait3A = arith.constant 0 : i32
      %dma_wait3A_20 = tpu.memref_slice %arg10[%mul3A_6, %dma_wait3A] : memref<10240x128xf32, #tpu.memory_space<vmem_shared>> -> memref<640x128xf32, #tpu.memory_space<vmem_shared>>
      %dma_wait3A_21 = arith.constant 0 : i32
      %dma_wait3A_22 = tpu.memref_slice %arg5[%mul3A_4, %dma_wait3A_21] : memref<10240x128xf32, #tpu.memory_space<hbm>> -> memref<640x128xf32, #tpu.memory_space<hbm>>
      tpu.wait_dma2 semaphore(%run_scoped3A : memref<!tpu.dma_semaphore, #tpu.memory_space<semaphore_mem>>) src(%dma_wait3A_22 : memref<640x128xf32, #tpu.memory_space<hbm>>) dst(%dma_wait3A_20 : memref<640x128xf32, #tpu.memory_space<vmem_shared>>)
      tpu.yield
    }) : () -> ()
    %barrier3A = arith.constant 0 : index
    tpu.barrier barrier_id(%barrier3A)
    %scan3A = arith.constant 0 : i32
    %scan3A_7 = arith.constant 0 : i32
    %scan3A_8 = arith.constant 79 : i32
    %scan3A_9 = arith.addi %scan3A_7, %scan3A_8 : i32
    %scan3A_10 = arith.constant 1 : i32
    scf.for %scan3A_17 = %scan3A_7 to %scan3A_9 step %scan3A_10  : i32 {
      %add3A_18 = arith.addi %mul3A_2, %scan3A_17 : i32
      %mul3A_19 = arith.constant 128 : i32
      %mul3A_20 = arith.muli %add3A_18, %mul3A_19 : i32
      "tpu.region"() ({
        %run_scoped3A = tpu.sem_alloc : memref<!tpu.dma_semaphore, #tpu.memory_space<semaphore_mem>>
        %dma_start3A_25 = tpu.memref_slice %arg3[%mul3A_20] : memref<323584xi32, #tpu.memory_space<hbm>> -> memref<128xi32, #tpu.memory_space<hbm>>
        %dma_start3A_26 = tpu.memref_slice %arg3[%mul3A_20] : memref<323584xi32, #tpu.memory_space<hbm>> -> memref<128xi32, #tpu.memory_space<hbm>>
        tpu.enqueue_dma source(%dma_start3A_26 : memref<128xi32, #tpu.memory_space<hbm>>) target(%arg7 : memref<128xi32, #tpu.memory_space<vmem>>) target_semaphore(%run_scoped3A : memref<!tpu.dma_semaphore, #tpu.memory_space<semaphore_mem>>)
        %dma_wait3A_27 = tpu.memref_slice %arg3[%mul3A_20] : memref<323584xi32, #tpu.memory_space<hbm>> -> memref<128xi32, #tpu.memory_space<hbm>>
        %dma_wait3A_28 = tpu.memref_slice %arg3[%mul3A_20] : memref<323584xi32, #tpu.memory_space<hbm>> -> memref<128xi32, #tpu.memory_space<hbm>>
        tpu.wait_dma2 semaphore(%run_scoped3A : memref<!tpu.dma_semaphore, #tpu.memory_space<semaphore_mem>>) src(%dma_wait3A_28 : memref<128xi32, #tpu.memory_space<hbm>>) dst(%arg7 : memref<128xi32, #tpu.memory_space<vmem>>)
        tpu.yield
      }) : () -> ()
      "tpu.region"() ({
        %run_scoped3A = tpu.sem_alloc : memref<!tpu.dma_semaphore, #tpu.memory_space<semaphore_mem>>
        %dma_start3A_25 = tpu.memref_slice %arg4[%mul3A_20] : memref<323584xi32, #tpu.memory_space<hbm>> -> memref<128xi32, #tpu.memory_space<hbm>>
        %dma_start3A_26 = tpu.memref_slice %arg4[%mul3A_20] : memref<323584xi32, #tpu.memory_space<hbm>> -> memref<128xi32, #tpu.memory_space<hbm>>
        tpu.enqueue_dma source(%dma_start3A_26 : memref<128xi32, #tpu.memory_space<hbm>>) target(%arg8 : memref<128xi32, #tpu.memory_space<vmem>>) target_semaphore(%run_scoped3A : memref<!tpu.dma_semaphore, #tpu.memory_space<semaphore_mem>>)
        %dma_wait3A_27 = tpu.memref_slice %arg4[%mul3A_20] : memref<323584xi32, #tpu.memory_space<hbm>> -> memref<128xi32, #tpu.memory_space<hbm>>
        %dma_wait3A_28 = tpu.memref_slice %arg4[%mul3A_20] : memref<323584xi32, #tpu.memory_space<hbm>> -> memref<128xi32, #tpu.memory_space<hbm>>
        tpu.wait_dma2 semaphore(%run_scoped3A : memref<!tpu.dma_semaphore, #tpu.memory_space<semaphore_mem>>) src(%dma_wait3A_28 : memref<128xi32, #tpu.memory_space<hbm>>) dst(%arg8 : memref<128xi32, #tpu.memory_space<vmem>>)
        tpu.yield
      }) : () -> ()
      %dma_start3A = arith.constant 0 : i32
      %dma_start3A_21 = arith.constant 0 : i32
      %dma_start3A_22 = tpu.memref_slice %arg2[%dma_start3A, %dma_start3A_21] : memref<10240x128xf32, #tpu.memory_space<hbm>> -> memref<10240x128xf32, #tpu.memory_space<hbm>>
      tpu.enqueue_indirect_dma source(%dma_start3A_22 : memref<10240x128xf32, #tpu.memory_space<hbm>>) target(%arg9 : memref<128x128xf32, #tpu.memory_space<vmem>>) offsets(%arg7 : memref<128xi32, #tpu.memory_space<vmem>>) semaphore(%arg11 : memref<!tpu.dma_semaphore, #tpu.memory_space<semaphore_mem>>)
      %dma_wait3A = arith.constant 0 : i32
      %dma_wait3A_23 = arith.constant 0 : i32
      %dma_wait3A_24 = tpu.memref_slice %arg2[%dma_wait3A, %dma_wait3A_23] : memref<10240x128xf32, #tpu.memory_space<hbm>> -> memref<10240x128xf32, #tpu.memory_space<hbm>>
      tpu.wait_indirect_dma semaphore(%arg11 : memref<!tpu.dma_semaphore, #tpu.memory_space<semaphore_mem>>) src(%dma_wait3A_24 : memref<10240x128xf32, #tpu.memory_space<hbm>>) dst(%arg9 : memref<128x128xf32, #tpu.memory_space<vmem>>)
      "tpu.region"() ({
        %run_scoped3A = tpu.sem_alloc : memref<!tpu.dma_semaphore, #tpu.memory_space<semaphore_mem>>
        %dma_start3A_25 = arith.constant 0 : i32
        %dma_start3A_26 = arith.constant 0 : i32
        %dma_start3A_27 = tpu.memref_slice %arg10[%dma_start3A_25, %dma_start3A_26] : memref<10240x128xf32, #tpu.memory_space<vmem_shared>> -> memref<10240x128xf32, #tpu.memory_space<vmem_shared>>
        tpu.enqueue_indirect_dma source(%arg9 : memref<128x128xf32, #tpu.memory_space<vmem>>) target(%dma_start3A_27 : memref<10240x128xf32, #tpu.memory_space<vmem_shared>>) offsets(%arg8 : memref<128xi32, #tpu.memory_space<vmem>>) semaphore(%run_scoped3A : memref<!tpu.dma_semaphore, #tpu.memory_space<semaphore_mem>>) {add = true}
        %dma_wait3A_28 = arith.constant 0 : i32
        %dma_wait3A_29 = arith.constant 0 : i32
        %dma_wait3A_30 = tpu.memref_slice %arg10[%dma_wait3A_28, %dma_wait3A_29] : memref<10240x128xf32, #tpu.memory_space<vmem_shared>> -> memref<10240x128xf32, #tpu.memory_space<vmem_shared>>
        tpu.wait_indirect_dma semaphore(%run_scoped3A : memref<!tpu.dma_semaphore, #tpu.memory_space<semaphore_mem>>) src(%arg9 : memref<128x128xf32, #tpu.memory_space<vmem>>) dst(%dma_wait3A_30 : memref<10240x128xf32, #tpu.memory_space<vmem_shared>>)
        tpu.yield
      }) : () -> ()
    }
    %scan3A_11 = arith.constant 79 : i32
    %barrier3A_12 = arith.constant 0 : index
    tpu.barrier barrier_id(%barrier3A_12)
    %mul3A_13 = arith.constant 640 : i32
    %mul3A_14 = arith.muli %arg1, %mul3A_13 : i32
    %mul3A_15 = arith.constant 640 : i32
    %mul3A_16 = arith.muli %arg1, %mul3A_15 : i32
    "tpu.region"() ({
      %run_scoped3A = tpu.sem_alloc : memref<!tpu.dma_semaphore, #tpu.memory_space<semaphore_mem>>
      %dma_start3A = arith.constant 0 : i32
      %dma_start3A_17 = tpu.memref_slice %arg6[%arg0, %mul3A_16, %dma_start3A] : memref<2x10240x128xf32, #tpu.memory_space<hbm>> -> memref<1x640x128xf32, #tpu.memory_space<hbm>>
      %dma_start3A_18 = tpu.memref_squeeze %dma_start3A_17 : memref<1x640x128xf32, #tpu.memory_space<hbm>> -> memref<640x128xf32, #tpu.memory_space<hbm>>
      %dma_start3A_19 = arith.constant 0 : i32
      %dma_start3A_20 = tpu.memref_slice %arg10[%mul3A_14, %dma_start3A_19] : memref<10240x128xf32, #tpu.memory_space<vmem_shared>> -> memref<640x128xf32, #tpu.memory_space<vmem_shared>>
      tpu.enqueue_dma source(%dma_start3A_20 : memref<640x128xf32, #tpu.memory_space<vmem_shared>>) target(%dma_start3A_18 : memref<640x128xf32, #tpu.memory_space<hbm>>) target_semaphore(%run_scoped3A : memref<!tpu.dma_semaphore, #tpu.memory_space<semaphore_mem>>)
      %dma_wait3A = arith.constant 0 : i32
      %dma_wait3A_21 = tpu.memref_slice %arg6[%arg0, %mul3A_16, %dma_wait3A] : memref<2x10240x128xf32, #tpu.memory_space<hbm>> -> memref<1x640x128xf32, #tpu.memory_space<hbm>>
      %dma_wait3A_22 = tpu.memref_squeeze %dma_wait3A_21 : memref<1x640x128xf32, #tpu.memory_space<hbm>> -> memref<640x128xf32, #tpu.memory_space<hbm>>
      %dma_wait3A_23 = arith.constant 0 : i32
      %dma_wait3A_24 = tpu.memref_slice %arg10[%mul3A_14, %dma_wait3A_23] : memref<10240x128xf32, #tpu.memory_space<vmem_shared>> -> memref<640x128xf32, #tpu.memory_space<vmem_shared>>
      tpu.wait_dma2 semaphore(%run_scoped3A : memref<!tpu.dma_semaphore, #tpu.memory_space<semaphore_mem>>) src(%dma_wait3A_24 : memref<640x128xf32, #tpu.memory_space<vmem_shared>>) dst(%dma_wait3A_22 : memref<640x128xf32, #tpu.memory_space<hbm>>)
      tpu.yield
    }) : () -> ()
    return
  }
}

#map = affine_map<(d0, d1) -> (0, 0)>
#map1 = affine_map<(d0, d1) -> (0)>
#map2 = affine_map<(d0, d1) -> (0, 0, 0)>
module attributes {stable_mosaic.version = 14 : i64} {
  func.func @kconv(%arg0: i32, %arg1: i32, %arg2: memref<10240x128xf32, #tpu.memory_space<hbm>>, %arg3: memref<323584xi32, #tpu.memory_space<hbm>>, %arg4: memref<323584xi32, #tpu.memory_space<hbm>>, %arg5: memref<10240x128xf32, #tpu.memory_space<hbm>>, %arg6: memref<2x10240x128xf32, #tpu.memory_space<hbm>>, %arg7: memref<128xi32, #tpu.memory_space<vmem>>, %arg8: memref<128xi32, #tpu.memory_space<vmem>>, %arg9: memref<128x128xf32, #tpu.memory_space<vmem>>, %arg10: memref<10240x128xf32, #tpu.memory_space<vmem_shared>>, %arg11: memref<!tpu.dma_semaphore, #tpu.memory_space<semaphore_mem>>) attributes {dimension_semantics = [#tpu.dimension_semantics<core_parallel>, #tpu.dimension_semantics<subcore_parallel>], iteration_bounds = array<i64: 2, 16>, scalar_prefetch = 0 : i64, scratch_operands = 5 : i64, tpu.core_type = #tpu.core_type<sc_vector_subcore>, window_params = [{transform_indices = #map}, {transform_indices = #map1}, {transform_indices = #map1}, {transform_indices = #map}, {transform_indices = #map2}]} {
    %mul3A = arith.constant 16 : i32
    %mul3A_0 = arith.muli %arg0, %mul3A : i32
    %add3A = arith.addi %mul3A_0, %arg1 : i32
    %mul3A_1 = arith.constant 79 : i32
    %mul3A_2 = arith.muli %add3A, %mul3A_1 : i32
    %mul3A_3 = arith.constant 640 : i32
    %mul3A_4 = arith.muli %arg1, %mul3A_3 : i32
    %mul3A_5 = arith.constant 640 : i32
    %mul3A_6 = arith.muli %arg1, %mul3A_5 : i32
    "tpu.region"() ({
      %run_scoped3A = tpu.sem_alloc : memref<!tpu.dma_semaphore, #tpu.memory_space<semaphore_mem>>
      %dma_start3A = arith.constant 0 : i32
      %dma_start3A_17 = tpu.memref_slice %arg10[%mul3A_6, %dma_start3A] : memref<10240x128xf32, #tpu.memory_space<vmem_shared>> -> memref<640x128xf32, #tpu.memory_space<vmem_shared>>
      %dma_start3A_18 = arith.constant 0 : i32
      %dma_start3A_19 = tpu.memref_slice %arg5[%mul3A_4, %dma_start3A_18] : memref<10240x128xf32, #tpu.memory_space<hbm>> -> memref<640x128xf32, #tpu.memory_space<hbm>>
      tpu.enqueue_dma source(%dma_start3A_19 : memref<640x128xf32, #tpu.memory_space<hbm>>) target(%dma_start3A_17 : memref<640x128xf32, #tpu.memory_space<vmem_shared>>) target_semaphore(%run_scoped3A : memref<!tpu.dma_semaphore, #tpu.memory_space<semaphore_mem>>)
      %dma_wait3A = arith.constant 0 : i32
      %dma_wait3A_20 = tpu.memref_slice %arg10[%mul3A_6, %dma_wait3A] : memref<10240x128xf32, #tpu.memory_space<vmem_shared>> -> memref<640x128xf32, #tpu.memory_space<vmem_shared>>
      %dma_wait3A_21 = arith.constant 0 : i32
      %dma_wait3A_22 = tpu.memref_slice %arg5[%mul3A_4, %dma_wait3A_21] : memref<10240x128xf32, #tpu.memory_space<hbm>> -> memref<640x128xf32, #tpu.memory_space<hbm>>
      tpu.wait_dma2 semaphore(%run_scoped3A : memref<!tpu.dma_semaphore, #tpu.memory_space<semaphore_mem>>) src(%dma_wait3A_22 : memref<640x128xf32, #tpu.memory_space<hbm>>) dst(%dma_wait3A_20 : memref<640x128xf32, #tpu.memory_space<vmem_shared>>)
      tpu.yield
    }) : () -> ()
    %barrier3A = arith.constant 0 : index
    tpu.barrier barrier_id(%barrier3A)
    %scan3A = arith.constant 0 : i32
    %scan3A_7 = arith.constant 0 : i32
    %scan3A_8 = arith.constant 79 : i32
    %scan3A_9 = arith.addi %scan3A_7, %scan3A_8 : i32
    %scan3A_10 = arith.constant 1 : i32
    scf.for %scan3A_17 = %scan3A_7 to %scan3A_9 step %scan3A_10  : i32 {
      %add3A_18 = arith.addi %mul3A_2, %scan3A_17 : i32
      %mul3A_19 = arith.constant 128 : i32
      %mul3A_20 = arith.muli %add3A_18, %mul3A_19 : i32
      "tpu.region"() ({
        %run_scoped3A = tpu.sem_alloc : memref<!tpu.dma_semaphore, #tpu.memory_space<semaphore_mem>>
        %dma_start3A_25 = tpu.memref_slice %arg3[%mul3A_20] : memref<323584xi32, #tpu.memory_space<hbm>> -> memref<128xi32, #tpu.memory_space<hbm>>
        %dma_start3A_26 = tpu.memref_slice %arg3[%mul3A_20] : memref<323584xi32, #tpu.memory_space<hbm>> -> memref<128xi32, #tpu.memory_space<hbm>>
        tpu.enqueue_dma source(%dma_start3A_26 : memref<128xi32, #tpu.memory_space<hbm>>) target(%arg7 : memref<128xi32, #tpu.memory_space<vmem>>) target_semaphore(%run_scoped3A : memref<!tpu.dma_semaphore, #tpu.memory_space<semaphore_mem>>)
        %dma_wait3A_27 = tpu.memref_slice %arg3[%mul3A_20] : memref<323584xi32, #tpu.memory_space<hbm>> -> memref<128xi32, #tpu.memory_space<hbm>>
        %dma_wait3A_28 = tpu.memref_slice %arg3[%mul3A_20] : memref<323584xi32, #tpu.memory_space<hbm>> -> memref<128xi32, #tpu.memory_space<hbm>>
        tpu.wait_dma2 semaphore(%run_scoped3A : memref<!tpu.dma_semaphore, #tpu.memory_space<semaphore_mem>>) src(%dma_wait3A_28 : memref<128xi32, #tpu.memory_space<hbm>>) dst(%arg7 : memref<128xi32, #tpu.memory_space<vmem>>)
        tpu.yield
      }) : () -> ()
      "tpu.region"() ({
        %run_scoped3A = tpu.sem_alloc : memref<!tpu.dma_semaphore, #tpu.memory_space<semaphore_mem>>
        %dma_start3A_25 = tpu.memref_slice %arg4[%mul3A_20] : memref<323584xi32, #tpu.memory_space<hbm>> -> memref<128xi32, #tpu.memory_space<hbm>>
        %dma_start3A_26 = tpu.memref_slice %arg4[%mul3A_20] : memref<323584xi32, #tpu.memory_space<hbm>> -> memref<128xi32, #tpu.memory_space<hbm>>
        tpu.enqueue_dma source(%dma_start3A_26 : memref<128xi32, #tpu.memory_space<hbm>>) target(%arg8 : memref<128xi32, #tpu.memory_space<vmem>>) target_semaphore(%run_scoped3A : memref<!tpu.dma_semaphore, #tpu.memory_space<semaphore_mem>>)
        %dma_wait3A_27 = tpu.memref_slice %arg4[%mul3A_20] : memref<323584xi32, #tpu.memory_space<hbm>> -> memref<128xi32, #tpu.memory_space<hbm>>
        %dma_wait3A_28 = tpu.memref_slice %arg4[%mul3A_20] : memref<323584xi32, #tpu.memory_space<hbm>> -> memref<128xi32, #tpu.memory_space<hbm>>
        tpu.wait_dma2 semaphore(%run_scoped3A : memref<!tpu.dma_semaphore, #tpu.memory_space<semaphore_mem>>) src(%dma_wait3A_28 : memref<128xi32, #tpu.memory_space<hbm>>) dst(%arg8 : memref<128xi32, #tpu.memory_space<vmem>>)
        tpu.yield
      }) : () -> ()
      %dma_start3A = arith.constant 0 : i32
      %dma_start3A_21 = arith.constant 0 : i32
      %dma_start3A_22 = tpu.memref_slice %arg2[%dma_start3A, %dma_start3A_21] : memref<10240x128xf32, #tpu.memory_space<hbm>> -> memref<10240x128xf32, #tpu.memory_space<hbm>>
      tpu.enqueue_indirect_dma source(%dma_start3A_22 : memref<10240x128xf32, #tpu.memory_space<hbm>>) target(%arg9 : memref<128x128xf32, #tpu.memory_space<vmem>>) offsets(%arg7 : memref<128xi32, #tpu.memory_space<vmem>>) semaphore(%arg11 : memref<!tpu.dma_semaphore, #tpu.memory_space<semaphore_mem>>)
      %dma_wait3A = arith.constant 0 : i32
      %dma_wait3A_23 = arith.constant 0 : i32
      %dma_wait3A_24 = tpu.memref_slice %arg2[%dma_wait3A, %dma_wait3A_23] : memref<10240x128xf32, #tpu.memory_space<hbm>> -> memref<10240x128xf32, #tpu.memory_space<hbm>>
      tpu.wait_indirect_dma semaphore(%arg11 : memref<!tpu.dma_semaphore, #tpu.memory_space<semaphore_mem>>) src(%dma_wait3A_24 : memref<10240x128xf32, #tpu.memory_space<hbm>>) dst(%arg9 : memref<128x128xf32, #tpu.memory_space<vmem>>)
      "tpu.region"() ({
        %run_scoped3A = tpu.sem_alloc : memref<!tpu.dma_semaphore, #tpu.memory_space<semaphore_mem>>
        %dma_start3A_25 = arith.constant 0 : i32
        %dma_start3A_26 = arith.constant 0 : i32
        %dma_start3A_27 = tpu.memref_slice %arg10[%dma_start3A_25, %dma_start3A_26] : memref<10240x128xf32, #tpu.memory_space<vmem_shared>> -> memref<10240x128xf32, #tpu.memory_space<vmem_shared>>
        tpu.enqueue_indirect_dma source(%arg9 : memref<128x128xf32, #tpu.memory_space<vmem>>) target(%dma_start3A_27 : memref<10240x128xf32, #tpu.memory_space<vmem_shared>>) offsets(%arg8 : memref<128xi32, #tpu.memory_space<vmem>>) semaphore(%run_scoped3A : memref<!tpu.dma_semaphore, #tpu.memory_space<semaphore_mem>>) {add = true}
        %dma_wait3A_28 = arith.constant 0 : i32
        %dma_wait3A_29 = arith.constant 0 : i32
        %dma_wait3A_30 = tpu.memref_slice %arg10[%dma_wait3A_28, %dma_wait3A_29] : memref<10240x128xf32, #tpu.memory_space<vmem_shared>> -> memref<10240x128xf32, #tpu.memory_space<vmem_shared>>
        tpu.wait_indirect_dma semaphore(%run_scoped3A : memref<!tpu.dma_semaphore, #tpu.memory_space<semaphore_mem>>) src(%arg9 : memref<128x128xf32, #tpu.memory_space<vmem>>) dst(%dma_wait3A_30 : memref<10240x128xf32, #tpu.memory_space<vmem_shared>>)
        tpu.yield
      }) : () -> ()
    }
    %scan3A_11 = arith.constant 79 : i32
    %barrier3A_12 = arith.constant 0 : index
    tpu.barrier barrier_id(%barrier3A_12)
    %mul3A_13 = arith.constant 640 : i32
    %mul3A_14 = arith.muli %arg1, %mul3A_13 : i32
    %mul3A_15 = arith.constant 640 : i32
    %mul3A_16 = arith.muli %arg1, %mul3A_15 : i32
    "tpu.region"() ({
      %run_scoped3A = tpu.sem_alloc : memref<!tpu.dma_semaphore, #tpu.memory_space<semaphore_mem>>
      %dma_start3A = arith.constant 0 : i32
      %dma_start3A_17 = tpu.memref_slice %arg6[%arg0, %mul3A_16, %dma_start3A] : memref<2x10240x128xf32, #tpu.memory_space<hbm>> -> memref<1x640x128xf32, #tpu.memory_space<hbm>>
      %dma_start3A_18 = tpu.memref_squeeze %dma_start3A_17 : memref<1x640x128xf32, #tpu.memory_space<hbm>> -> memref<640x128xf32, #tpu.memory_space<hbm>>
      %dma_start3A_19 = arith.constant 0 : i32
      %dma_start3A_20 = tpu.memref_slice %arg10[%mul3A_14, %dma_start3A_19] : memref<10240x128xf32, #tpu.memory_space<vmem_shared>> -> memref<640x128xf32, #tpu.memory_space<vmem_shared>>
      tpu.enqueue_dma source(%dma_start3A_20 : memref<640x128xf32, #tpu.memory_space<vmem_shared>>) target(%dma_start3A_18 : memref<640x128xf32, #tpu.memory_space<hbm>>) target_semaphore(%run_scoped3A : memref<!tpu.dma_semaphore, #tpu.memory_space<semaphore_mem>>)
      %dma_wait3A = arith.constant 0 : i32
      %dma_wait3A_21 = tpu.memref_slice %arg6[%arg0, %mul3A_16, %dma_wait3A] : memref<2x10240x128xf32, #tpu.memory_space<hbm>> -> memref<1x640x128xf32, #tpu.memory_space<hbm>>
      %dma_wait3A_22 = tpu.memref_squeeze %dma_wait3A_21 : memref<1x640x128xf32, #tpu.memory_space<hbm>> -> memref<640x128xf32, #tpu.memory_space<hbm>>
      %dma_wait3A_23 = arith.constant 0 : i32
      %dma_wait3A_24 = tpu.memref_slice %arg10[%mul3A_14, %dma_wait3A_23] : memref<10240x128xf32, #tpu.memory_space<vmem_shared>> -> memref<640x128xf32, #tpu.memory_space<vmem_shared>>
      tpu.wait_dma2 semaphore(%run_scoped3A : memref<!tpu.dma_semaphore, #tpu.memory_space<semaphore_mem>>) src(%dma_wait3A_24 : memref<640x128xf32, #tpu.memory_space<vmem_shared>>) dst(%dma_wait3A_22 : memref<640x128xf32, #tpu.memory_space<hbm>>)
      tpu.yield
    }) : () -> ()
    return
  }
}

#map = affine_map<(d0, d1) -> (0)>
#map1 = affine_map<(d0, d1) -> (0, 0)>
module attributes {stable_mosaic.version = 14 : i64} {
  func.func @kdeg(%arg0: i32, %arg1: i32, %arg2: memref<323584xi32, #tpu.memory_space<hbm>>, %arg3: memref<32x10240xf32, #tpu.memory_space<hbm>>, %arg4: memref<10240xf32, #tpu.memory_space<vmem>>, %arg5: memref<128xi32, #tpu.memory_space<vmem>>) attributes {dimension_semantics = [#tpu.dimension_semantics<core_parallel>, #tpu.dimension_semantics<subcore_parallel>], iteration_bounds = array<i64: 2, 16>, scalar_prefetch = 0 : i64, scratch_operands = 2 : i64, tpu.core_type = #tpu.core_type<sc_vector_subcore>, window_params = [{transform_indices = #map}, {transform_indices = #map1}]} {
    %mul3A = arith.constant 16 : i32
    %mul3A_0 = arith.muli %arg0, %mul3A : i32
    %add3A = arith.addi %mul3A_0, %arg1 : i32
    %mul3A_1 = arith.constant 79 : i32
    %mul3A_2 = arith.muli %add3A, %mul3A_1 : i32
    %broadcast_in_dim3A = arith.constant 0.000000e+00 : f32
    %broadcast_in_dim3A_3 = vector.broadcast %broadcast_in_dim3A : f32 to vector<16xf32>
    %broadcast_in_dim3A_4 = arith.constant 1.000000e+00 : f32
    %broadcast_in_dim3A_5 = vector.broadcast %broadcast_in_dim3A_4 : f32 to vector<16xf32>
    %scan3A = arith.constant 0 : i32
    %scan3A_6 = arith.constant 0 : i32
    %scan3A_7 = arith.constant 640 : i32
    %scan3A_8 = arith.addi %scan3A_6, %scan3A_7 : i32
    %scan3A_9 = arith.constant 1 : i32
    scf.for %scan3A_20 = %scan3A_6 to %scan3A_8 step %scan3A_9  : i32 {
      %mul3A_21 = arith.constant 16 : i32
      %mul3A_22 = arith.muli %scan3A_20, %mul3A_21 : i32
      %swap3A = arith.index_cast %mul3A_22 : i32 to index
      %swap3A_23 = tpu.vector_load %arg4[%swap3A] {strides = array<i32>} : memref<10240xf32, #tpu.memory_space<vmem>>, vector<16xf32>,
      tpu.vector_store %arg4[%swap3A], %broadcast_in_dim3A_3 {strides = array<i32>} : memref<10240xf32, #tpu.memory_space<vmem>>, vector<16xf32>,
    }
    %scan3A_10 = arith.constant 640 : i32
    %scan3A_11 = arith.constant 0 : i32
    %scan3A_12 = arith.constant 0 : i32
    %scan3A_13 = arith.constant 79 : i32
    %scan3A_14 = arith.addi %scan3A_12, %scan3A_13 : i32
    %scan3A_15 = arith.constant 1 : i32
    scf.for %scan3A_20 = %scan3A_12 to %scan3A_14 step %scan3A_15  : i32 {
      %add3A_21 = arith.addi %mul3A_2, %scan3A_20 : i32
      %mul3A_22 = arith.constant 128 : i32
      %mul3A_23 = arith.muli %add3A_21, %mul3A_22 : i32
      "tpu.region"() ({
        %run_scoped3A = tpu.sem_alloc : memref<!tpu.dma_semaphore, #tpu.memory_space<semaphore_mem>>
        %dma_start3A = tpu.memref_slice %arg2[%mul3A_23] : memref<323584xi32, #tpu.memory_space<hbm>> -> memref<128xi32, #tpu.memory_space<hbm>>
        %dma_start3A_39 = tpu.memref_slice %arg2[%mul3A_23] : memref<323584xi32, #tpu.memory_space<hbm>> -> memref<128xi32, #tpu.memory_space<hbm>>
        tpu.enqueue_dma source(%dma_start3A_39 : memref<128xi32, #tpu.memory_space<hbm>>) target(%arg5 : memref<128xi32, #tpu.memory_space<vmem>>) target_semaphore(%run_scoped3A : memref<!tpu.dma_semaphore, #tpu.memory_space<semaphore_mem>>)
        %dma_wait3A = tpu.memref_slice %arg2[%mul3A_23] : memref<323584xi32, #tpu.memory_space<hbm>> -> memref<128xi32, #tpu.memory_space<hbm>>
        %dma_wait3A_40 = tpu.memref_slice %arg2[%mul3A_23] : memref<323584xi32, #tpu.memory_space<hbm>> -> memref<128xi32, #tpu.memory_space<hbm>>
        tpu.wait_dma2 semaphore(%run_scoped3A : memref<!tpu.dma_semaphore, #tpu.memory_space<semaphore_mem>>) src(%dma_wait3A_40 : memref<128xi32, #tpu.memory_space<hbm>>) dst(%arg5 : memref<128xi32, #tpu.memory_space<vmem>>)
        tpu.yield
      }) : () -> ()
      %get3A = arith.constant 0 : index
      %get3A_24 = tpu.vector_load %arg5[%get3A] {strides = array<i32>} : memref<128xi32, #tpu.memory_space<vmem>>, vector<16xi32>,
      tpu.vector_store_idx %arg4[%get3A_24], %broadcast_in_dim3A_5 {add = true} : memref<10240xf32, #tpu.memory_space<vmem>>[vector<16xi32>], vector<16xf32>,
      %get3A_25 = arith.constant 16 : index
      %get3A_26 = tpu.vector_load %arg5[%get3A_25] {strides = array<i32>} : memref<128xi32, #tpu.memory_space<vmem>>, vector<16xi32>,
      tpu.vector_store_idx %arg4[%get3A_26], %broadcast_in_dim3A_5 {add = true} : memref<10240xf32, #tpu.memory_space<vmem>>[vector<16xi32>], vector<16xf32>,
      %get3A_27 = arith.constant 32 : index
      %get3A_28 = tpu.vector_load %arg5[%get3A_27] {strides = array<i32>} : memref<128xi32, #tpu.memory_space<vmem>>, vector<16xi32>,
      tpu.vector_store_idx %arg4[%get3A_28], %broadcast_in_dim3A_5 {add = true} : memref<10240xf32, #tpu.memory_space<vmem>>[vector<16xi32>], vector<16xf32>,
      %get3A_29 = arith.constant 48 : index
      %get3A_30 = tpu.vector_load %arg5[%get3A_29] {strides = array<i32>} : memref<128xi32, #tpu.memory_space<vmem>>, vector<16xi32>,
      tpu.vector_store_idx %arg4[%get3A_30], %broadcast_in_dim3A_5 {add = true} : memref<10240xf32, #tpu.memory_space<vmem>>[vector<16xi32>], vector<16xf32>,
      %get3A_31 = arith.constant 64 : index
      %get3A_32 = tpu.vector_load %arg5[%get3A_31] {strides = array<i32>} : memref<128xi32, #tpu.memory_space<vmem>>, vector<16xi32>,
      tpu.vector_store_idx %arg4[%get3A_32], %broadcast_in_dim3A_5 {add = true} : memref<10240xf32, #tpu.memory_space<vmem>>[vector<16xi32>], vector<16xf32>,
      %get3A_33 = arith.constant 80 : index
      %get3A_34 = tpu.vector_load %arg5[%get3A_33] {strides = array<i32>} : memref<128xi32, #tpu.memory_space<vmem>>, vector<16xi32>,
      tpu.vector_store_idx %arg4[%get3A_34], %broadcast_in_dim3A_5 {add = true} : memref<10240xf32, #tpu.memory_space<vmem>>[vector<16xi32>], vector<16xf32>,
      %get3A_35 = arith.constant 96 : index
      %get3A_36 = tpu.vector_load %arg5[%get3A_35] {strides = array<i32>} : memref<128xi32, #tpu.memory_space<vmem>>, vector<16xi32>,
      tpu.vector_store_idx %arg4[%get3A_36], %broadcast_in_dim3A_5 {add = true} : memref<10240xf32, #tpu.memory_space<vmem>>[vector<16xi32>], vector<16xf32>,
      %get3A_37 = arith.constant 112 : index
      %get3A_38 = tpu.vector_load %arg5[%get3A_37] {strides = array<i32>} : memref<128xi32, #tpu.memory_space<vmem>>, vector<16xi32>,
      tpu.vector_store_idx %arg4[%get3A_38], %broadcast_in_dim3A_5 {add = true} : memref<10240xf32, #tpu.memory_space<vmem>>[vector<16xi32>], vector<16xf32>,
    }
    %scan3A_16 = arith.constant 79 : i32
    %mul3A_17 = arith.constant 16 : i32
    %mul3A_18 = arith.muli %arg0, %mul3A_17 : i32
    %add3A_19 = arith.addi %mul3A_18, %arg1 : i32
    "tpu.region"() ({
      %run_scoped3A = tpu.sem_alloc : memref<!tpu.dma_semaphore, #tpu.memory_space<semaphore_mem>>
      %dma_start3A = arith.constant 0 : i32
      %dma_start3A_20 = tpu.memref_slice %arg3[%add3A_19, %dma_start3A] : memref<32x10240xf32, #tpu.memory_space<hbm>> -> memref<1x10240xf32, #tpu.memory_space<hbm>>
      %dma_start3A_21 = tpu.memref_squeeze %dma_start3A_20 : memref<1x10240xf32, #tpu.memory_space<hbm>> -> memref<10240xf32, #tpu.memory_space<hbm>>
      %dma_start3A_22 = arith.constant 0 : i32
      %dma_start3A_23 = tpu.memref_slice %arg3[%add3A_19, %dma_start3A_22] : memref<32x10240xf32, #tpu.memory_space<hbm>> -> memref<1x10240xf32, #tpu.memory_space<hbm>>
      %dma_start3A_24 = tpu.memref_squeeze %dma_start3A_23 : memref<1x10240xf32, #tpu.memory_space<hbm>> -> memref<10240xf32, #tpu.memory_space<hbm>>
      tpu.enqueue_dma source(%arg4 : memref<10240xf32, #tpu.memory_space<vmem>>) target(%dma_start3A_24 : memref<10240xf32, #tpu.memory_space<hbm>>) target_semaphore(%run_scoped3A : memref<!tpu.dma_semaphore, #tpu.memory_space<semaphore_mem>>)
      %dma_wait3A = arith.constant 0 : i32
      %dma_wait3A_25 = tpu.memref_slice %arg3[%add3A_19, %dma_wait3A] : memref<32x10240xf32, #tpu.memory_space<hbm>> -> memref<1x10240xf32, #tpu.memory_space<hbm>>
      %dma_wait3A_26 = tpu.memref_squeeze %dma_wait3A_25 : memref<1x10240xf32, #tpu.memory_space<hbm>> -> memref<10240xf32, #tpu.memory_space<hbm>>
      %dma_wait3A_27 = arith.constant 0 : i32
      %dma_wait3A_28 = tpu.memref_slice %arg3[%add3A_19, %dma_wait3A_27] : memref<32x10240xf32, #tpu.memory_space<hbm>> -> memref<1x10240xf32, #tpu.memory_space<hbm>>
      %dma_wait3A_29 = tpu.memref_squeeze %dma_wait3A_28 : memref<1x10240xf32, #tpu.memory_space<hbm>> -> memref<10240xf32, #tpu.memory_space<hbm>>
      tpu.wait_dma2 semaphore(%run_scoped3A : memref<!tpu.dma_semaphore, #tpu.memory_space<semaphore_mem>>) src(%arg4 : memref<10240xf32, #tpu.memory_space<vmem>>) dst(%dma_wait3A_29 : memref<10240xf32, #tpu.memory_space<hbm>>)
      tpu.yield
    }) : () -> ()
    return
  }
}

#map = affine_map<(d0, d1) -> (0, 0)>
#map1 = affine_map<(d0, d1) -> (0)>
module attributes {stable_mosaic.version = 14 : i64} {
  func.func @kedge(%arg0: i32, %arg1: i32, %arg2: memref<10240x256xf32, #tpu.memory_space<hbm>>, %arg3: memref<10240x256xf32, #tpu.memory_space<hbm>>, %arg4: memref<323584xi32, #tpu.memory_space<hbm>>, %arg5: memref<323584xi32, #tpu.memory_space<hbm>>, %arg6: memref<323584x128xf32, #tpu.memory_space<hbm>>, %arg7: memref<323584x128xf32, #tpu.memory_space<hbm>>, %arg8: memref<128xi32, #tpu.memory_space<vmem>>, %arg9: memref<128xi32, #tpu.memory_space<vmem>>, %arg10: memref<128x256xf32, #tpu.memory_space<vmem>>, %arg11: memref<128x256xf32, #tpu.memory_space<vmem>>, %arg12: memref<!tpu.dma_semaphore, #tpu.memory_space<semaphore_mem>>, %arg13: memref<!tpu.dma_semaphore, #tpu.memory_space<semaphore_mem>>) attributes {dimension_semantics = [#tpu.dimension_semantics<core_parallel>, #tpu.dimension_semantics<subcore_parallel>], iteration_bounds = array<i64: 2, 16>, scalar_prefetch = 0 : i64, scratch_operands = 6 : i64, tpu.core_type = #tpu.core_type<sc_vector_subcore>, window_params = [{transform_indices = #map}, {transform_indices = #map}, {transform_indices = #map1}, {transform_indices = #map1}, {transform_indices = #map}, {transform_indices = #map}]} {
    %mul3A = arith.constant 16 : i32
    %mul3A_0 = arith.muli %arg0, %mul3A : i32
    %add3A = arith.addi %mul3A_0, %arg1 : i32
    %mul3A_1 = arith.constant 79 : i32
    %mul3A_2 = arith.muli %add3A, %mul3A_1 : i32
    %scan3A = arith.constant 0 : i32
    %scan3A_3 = arith.constant 0 : i32
    %scan3A_4 = arith.constant 79 : i32
    %scan3A_5 = arith.addi %scan3A_3, %scan3A_4 : i32
    %scan3A_6 = arith.constant 1 : i32
    scf.for %scan3A_8 = %scan3A_3 to %scan3A_5 step %scan3A_6  : i32 {
      %add3A_9 = arith.addi %mul3A_2, %scan3A_8 : i32
      %mul3A_10 = arith.constant 128 : i32
      %mul3A_11 = arith.muli %add3A_9, %mul3A_10 : i32
      "tpu.region"() ({
        %run_scoped3A = tpu.sem_alloc : memref<!tpu.dma_semaphore, #tpu.memory_space<semaphore_mem>>
        %dma_start3A_28 = tpu.memref_slice %arg4[%mul3A_11] : memref<323584xi32, #tpu.memory_space<hbm>> -> memref<128xi32, #tpu.memory_space<hbm>>
        %dma_start3A_29 = tpu.memref_slice %arg4[%mul3A_11] : memref<323584xi32, #tpu.memory_space<hbm>> -> memref<128xi32, #tpu.memory_space<hbm>>
        tpu.enqueue_dma source(%dma_start3A_29 : memref<128xi32, #tpu.memory_space<hbm>>) target(%arg8 : memref<128xi32, #tpu.memory_space<vmem>>) target_semaphore(%run_scoped3A : memref<!tpu.dma_semaphore, #tpu.memory_space<semaphore_mem>>)
        %dma_wait3A_30 = tpu.memref_slice %arg4[%mul3A_11] : memref<323584xi32, #tpu.memory_space<hbm>> -> memref<128xi32, #tpu.memory_space<hbm>>
        %dma_wait3A_31 = tpu.memref_slice %arg4[%mul3A_11] : memref<323584xi32, #tpu.memory_space<hbm>> -> memref<128xi32, #tpu.memory_space<hbm>>
        tpu.wait_dma2 semaphore(%run_scoped3A : memref<!tpu.dma_semaphore, #tpu.memory_space<semaphore_mem>>) src(%dma_wait3A_31 : memref<128xi32, #tpu.memory_space<hbm>>) dst(%arg8 : memref<128xi32, #tpu.memory_space<vmem>>)
        tpu.yield
      }) : () -> ()
      "tpu.region"() ({
        %run_scoped3A = tpu.sem_alloc : memref<!tpu.dma_semaphore, #tpu.memory_space<semaphore_mem>>
        %dma_start3A_28 = tpu.memref_slice %arg5[%mul3A_11] : memref<323584xi32, #tpu.memory_space<hbm>> -> memref<128xi32, #tpu.memory_space<hbm>>
        %dma_start3A_29 = tpu.memref_slice %arg5[%mul3A_11] : memref<323584xi32, #tpu.memory_space<hbm>> -> memref<128xi32, #tpu.memory_space<hbm>>
        tpu.enqueue_dma source(%dma_start3A_29 : memref<128xi32, #tpu.memory_space<hbm>>) target(%arg9 : memref<128xi32, #tpu.memory_space<vmem>>) target_semaphore(%run_scoped3A : memref<!tpu.dma_semaphore, #tpu.memory_space<semaphore_mem>>)
        %dma_wait3A_30 = tpu.memref_slice %arg5[%mul3A_11] : memref<323584xi32, #tpu.memory_space<hbm>> -> memref<128xi32, #tpu.memory_space<hbm>>
        %dma_wait3A_31 = tpu.memref_slice %arg5[%mul3A_11] : memref<323584xi32, #tpu.memory_space<hbm>> -> memref<128xi32, #tpu.memory_space<hbm>>
        tpu.wait_dma2 semaphore(%run_scoped3A : memref<!tpu.dma_semaphore, #tpu.memory_space<semaphore_mem>>) src(%dma_wait3A_31 : memref<128xi32, #tpu.memory_space<hbm>>) dst(%arg9 : memref<128xi32, #tpu.memory_space<vmem>>)
        tpu.yield
      }) : () -> ()
      %dma_start3A = arith.constant 0 : i32
      %dma_start3A_12 = arith.constant 0 : i32
      %dma_start3A_13 = tpu.memref_slice %arg2[%dma_start3A, %dma_start3A_12] : memref<10240x256xf32, #tpu.memory_space<hbm>> -> memref<10240x256xf32, #tpu.memory_space<hbm>>
      tpu.enqueue_indirect_dma source(%dma_start3A_13 : memref<10240x256xf32, #tpu.memory_space<hbm>>) target(%arg10 : memref<128x256xf32, #tpu.memory_space<vmem>>) offsets(%arg8 : memref<128xi32, #tpu.memory_space<vmem>>) semaphore(%arg12 : memref<!tpu.dma_semaphore, #tpu.memory_space<semaphore_mem>>)
      %dma_start3A_14 = arith.constant 0 : i32
      %dma_start3A_15 = arith.constant 0 : i32
      %dma_start3A_16 = tpu.memref_slice %arg3[%dma_start3A_14, %dma_start3A_15] : memref<10240x256xf32, #tpu.memory_space<hbm>> -> memref<10240x256xf32, #tpu.memory_space<hbm>>
      tpu.enqueue_indirect_dma source(%dma_start3A_16 : memref<10240x256xf32, #tpu.memory_space<hbm>>) target(%arg11 : memref<128x256xf32, #tpu.memory_space<vmem>>) offsets(%arg9 : memref<128xi32, #tpu.memory_space<vmem>>) semaphore(%arg13 : memref<!tpu.dma_semaphore, #tpu.memory_space<semaphore_mem>>)
      %dma_wait3A = arith.constant 0 : i32
      %dma_wait3A_17 = arith.constant 0 : i32
      %dma_wait3A_18 = tpu.memref_slice %arg2[%dma_wait3A, %dma_wait3A_17] : memref<10240x256xf32, #tpu.memory_space<hbm>> -> memref<10240x256xf32, #tpu.memory_space<hbm>>
      tpu.wait_indirect_dma semaphore(%arg12 : memref<!tpu.dma_semaphore, #tpu.memory_space<semaphore_mem>>) src(%dma_wait3A_18 : memref<10240x256xf32, #tpu.memory_space<hbm>>) dst(%arg10 : memref<128x256xf32, #tpu.memory_space<vmem>>)
      %dma_wait3A_19 = arith.constant 0 : i32
      %dma_wait3A_20 = arith.constant 0 : i32
      %dma_wait3A_21 = tpu.memref_slice %arg3[%dma_wait3A_19, %dma_wait3A_20] : memref<10240x256xf32, #tpu.memory_space<hbm>> -> memref<10240x256xf32, #tpu.memory_space<hbm>>
      tpu.wait_indirect_dma semaphore(%arg13 : memref<!tpu.dma_semaphore, #tpu.memory_space<semaphore_mem>>) src(%dma_wait3A_21 : memref<10240x256xf32, #tpu.memory_space<hbm>>) dst(%arg11 : memref<128x256xf32, #tpu.memory_space<vmem>>)
      %scan3A_22 = arith.constant 0 : i32
      %scan3A_23 = arith.constant 0 : i32
      %scan3A_24 = arith.constant 128 : i32
      %scan3A_25 = arith.addi %scan3A_23, %scan3A_24 : i32
      %scan3A_26 = arith.constant 1 : i32
      scf.for %scan3A_28 = %scan3A_23 to %scan3A_25 step %scan3A_26  : i32 {
        %broadcast_in_dim3A = arith.constant 0.000000e+00 : f32
        %broadcast_in_dim3A_29 = vector.broadcast %broadcast_in_dim3A : f32 to vector<16xf32>
        %get3A = arith.index_cast %scan3A_28 : i32 to index
        %get3A_30 = arith.constant 0 : index
        %get3A_31 = tpu.vector_load %arg10[%get3A, %get3A_30] {strides = array<i32>} : memref<128x256xf32, #tpu.memory_space<vmem>>, vector<16xf32>,
        %get3A_32 = arith.index_cast %scan3A_28 : i32 to index
        %get3A_33 = arith.constant 0 : index
        %get3A_34 = tpu.vector_load %arg11[%get3A_32, %get3A_33] {strides = array<i32>} : memref<128x256xf32, #tpu.memory_space<vmem>>, vector<16xf32>,
        %sub3A = arith.subf %get3A_31, %get3A_34 : vector<16xf32>
        %mul3A_35 = arith.mulf %sub3A, %sub3A : vector<16xf32>
        %add3A_36 = arith.addf %broadcast_in_dim3A_29, %mul3A_35 : vector<16xf32>
        %get3A_37 = arith.index_cast %scan3A_28 : i32 to index
        %get3A_38 = arith.constant 16 : index
        %get3A_39 = tpu.vector_load %arg10[%get3A_37, %get3A_38] {strides = array<i32>} : memref<128x256xf32, #tpu.memory_space<vmem>>, vector<16xf32>,
        %get3A_40 = arith.index_cast %scan3A_28 : i32 to index
        %get3A_41 = arith.constant 16 : index
        %get3A_42 = tpu.vector_load %arg11[%get3A_40, %get3A_41] {strides = array<i32>} : memref<128x256xf32, #tpu.memory_space<vmem>>, vector<16xf32>,
        %sub3A_43 = arith.subf %get3A_39, %get3A_42 : vector<16xf32>
        %mul3A_44 = arith.mulf %sub3A_43, %sub3A_43 : vector<16xf32>
        %add3A_45 = arith.addf %add3A_36, %mul3A_44 : vector<16xf32>
        %get3A_46 = arith.index_cast %scan3A_28 : i32 to index
        %get3A_47 = arith.constant 32 : index
        %get3A_48 = tpu.vector_load %arg10[%get3A_46, %get3A_47] {strides = array<i32>} : memref<128x256xf32, #tpu.memory_space<vmem>>, vector<16xf32>,
        %get3A_49 = arith.index_cast %scan3A_28 : i32 to index
        %get3A_50 = arith.constant 32 : index
        %get3A_51 = tpu.vector_load %arg11[%get3A_49, %get3A_50] {strides = array<i32>} : memref<128x256xf32, #tpu.memory_space<vmem>>, vector<16xf32>,
        %sub3A_52 = arith.subf %get3A_48, %get3A_51 : vector<16xf32>
        %mul3A_53 = arith.mulf %sub3A_52, %sub3A_52 : vector<16xf32>
        %add3A_54 = arith.addf %add3A_45, %mul3A_53 : vector<16xf32>
        %get3A_55 = arith.index_cast %scan3A_28 : i32 to index
        %get3A_56 = arith.constant 48 : index
        %get3A_57 = tpu.vector_load %arg10[%get3A_55, %get3A_56] {strides = array<i32>} : memref<128x256xf32, #tpu.memory_space<vmem>>, vector<16xf32>,
        %get3A_58 = arith.index_cast %scan3A_28 : i32 to index
        %get3A_59 = arith.constant 48 : index
        %get3A_60 = tpu.vector_load %arg11[%get3A_58, %get3A_59] {strides = array<i32>} : memref<128x256xf32, #tpu.memory_space<vmem>>, vector<16xf32>,
        %sub3A_61 = arith.subf %get3A_57, %get3A_60 : vector<16xf32>
        %mul3A_62 = arith.mulf %sub3A_61, %sub3A_61 : vector<16xf32>
        %add3A_63 = arith.addf %add3A_54, %mul3A_62 : vector<16xf32>
        %get3A_64 = arith.index_cast %scan3A_28 : i32 to index
        %get3A_65 = arith.constant 64 : index
        %get3A_66 = tpu.vector_load %arg10[%get3A_64, %get3A_65] {strides = array<i32>} : memref<128x256xf32, #tpu.memory_space<vmem>>, vector<16xf32>,
        %get3A_67 = arith.index_cast %scan3A_28 : i32 to index
        %get3A_68 = arith.constant 64 : index
        %get3A_69 = tpu.vector_load %arg11[%get3A_67, %get3A_68] {strides = array<i32>} : memref<128x256xf32, #tpu.memory_space<vmem>>, vector<16xf32>,
        %sub3A_70 = arith.subf %get3A_66, %get3A_69 : vector<16xf32>
        %mul3A_71 = arith.mulf %sub3A_70, %sub3A_70 : vector<16xf32>
        %add3A_72 = arith.addf %add3A_63, %mul3A_71 : vector<16xf32>
        %get3A_73 = arith.index_cast %scan3A_28 : i32 to index
        %get3A_74 = arith.constant 80 : index
        %get3A_75 = tpu.vector_load %arg10[%get3A_73, %get3A_74] {strides = array<i32>} : memref<128x256xf32, #tpu.memory_space<vmem>>, vector<16xf32>,
        %get3A_76 = arith.index_cast %scan3A_28 : i32 to index
        %get3A_77 = arith.constant 80 : index
        %get3A_78 = tpu.vector_load %arg11[%get3A_76, %get3A_77] {strides = array<i32>} : memref<128x256xf32, #tpu.memory_space<vmem>>, vector<16xf32>,
        %sub3A_79 = arith.subf %get3A_75, %get3A_78 : vector<16xf32>
        %mul3A_80 = arith.mulf %sub3A_79, %sub3A_79 : vector<16xf32>
        %add3A_81 = arith.addf %add3A_72, %mul3A_80 : vector<16xf32>
        %get3A_82 = arith.index_cast %scan3A_28 : i32 to index
        %get3A_83 = arith.constant 96 : index
        %get3A_84 = tpu.vector_load %arg10[%get3A_82, %get3A_83] {strides = array<i32>} : memref<128x256xf32, #tpu.memory_space<vmem>>, vector<16xf32>,
        %get3A_85 = arith.index_cast %scan3A_28 : i32 to index
        %get3A_86 = arith.constant 96 : index
        %get3A_87 = tpu.vector_load %arg11[%get3A_85, %get3A_86] {strides = array<i32>} : memref<128x256xf32, #tpu.memory_space<vmem>>, vector<16xf32>,
        %sub3A_88 = arith.subf %get3A_84, %get3A_87 : vector<16xf32>
        %mul3A_89 = arith.mulf %sub3A_88, %sub3A_88 : vector<16xf32>
        %add3A_90 = arith.addf %add3A_81, %mul3A_89 : vector<16xf32>
        %get3A_91 = arith.index_cast %scan3A_28 : i32 to index
        %get3A_92 = arith.constant 112 : index
        %get3A_93 = tpu.vector_load %arg10[%get3A_91, %get3A_92] {strides = array<i32>} : memref<128x256xf32, #tpu.memory_space<vmem>>, vector<16xf32>,
        %get3A_94 = arith.index_cast %scan3A_28 : i32 to index
        %get3A_95 = arith.constant 112 : index
        %get3A_96 = tpu.vector_load %arg11[%get3A_94, %get3A_95] {strides = array<i32>} : memref<128x256xf32, #tpu.memory_space<vmem>>, vector<16xf32>,
        %sub3A_97 = arith.subf %get3A_93, %get3A_96 : vector<16xf32>
        %mul3A_98 = arith.mulf %sub3A_97, %sub3A_97 : vector<16xf32>
        %add3A_99 = arith.addf %add3A_90, %mul3A_98 : vector<16xf32>
        %swap3A = arith.index_cast %scan3A_28 : i32 to index
        %swap3A_100 = arith.constant 192 : index
        %swap3A_101 = tpu.vector_load %arg10[%swap3A, %swap3A_100] {strides = array<i32>} : memref<128x256xf32, #tpu.memory_space<vmem>>, vector<16xf32>,
        tpu.vector_store %arg10[%swap3A, %swap3A_100], %add3A_99 {strides = array<i32>} : memref<128x256xf32, #tpu.memory_space<vmem>>, vector<16xf32>,
      }
      %scan3A_27 = arith.constant 128 : i32
      "tpu.region"() ({
        %run_scoped3A = tpu.sem_alloc : memref<!tpu.dma_semaphore, #tpu.memory_space<semaphore_mem>>
        %dma_start3A_28 = arith.constant 0 : i32
        %dma_start3A_29 = arith.constant 128 : i32
        %dma_start3A_30 = tpu.memref_slice %arg10[%dma_start3A_28, %dma_start3A_29] : memref<128x256xf32, #tpu.memory_space<vmem>> -> memref<128x128xf32, #tpu.memory_space<vmem>>
        %dma_start3A_31 = arith.constant 0 : i32
        %dma_start3A_32 = tpu.memref_slice %arg6[%mul3A_11, %dma_start3A_31] : memref<323584x128xf32, #tpu.memory_space<hbm>> -> memref<128x128xf32, #tpu.memory_space<hbm>>
        %dma_start3A_33 = arith.constant 0 : i32
        %dma_start3A_34 = tpu.memref_slice %arg6[%mul3A_11, %dma_start3A_33] : memref<323584x128xf32, #tpu.memory_space<hbm>> -> memref<128x128xf32, #tpu.memory_space<hbm>>
        %dma_start3A_35 = arith.constant 0 : i32
        %dma_start3A_36 = arith.constant 128 : i32
        %dma_start3A_37 = tpu.memref_slice %arg10[%dma_start3A_35, %dma_start3A_36] : memref<128x256xf32, #tpu.memory_space<vmem>> -> memref<128x128xf32, #tpu.memory_space<vmem>>
        tpu.enqueue_dma source(%dma_start3A_37 : memref<128x128xf32, #tpu.memory_space<vmem>>) target(%dma_start3A_34 : memref<128x128xf32, #tpu.memory_space<hbm>>) target_semaphore(%run_scoped3A : memref<!tpu.dma_semaphore, #tpu.memory_space<semaphore_mem>>)
        %dma_wait3A_38 = arith.constant 0 : i32
        %dma_wait3A_39 = arith.constant 128 : i32
        %dma_wait3A_40 = tpu.memref_slice %arg10[%dma_wait3A_38, %dma_wait3A_39] : memref<128x256xf32, #tpu.memory_space<vmem>> -> memref<128x128xf32, #tpu.memory_space<vmem>>
        %dma_wait3A_41 = arith.constant 0 : i32
        %dma_wait3A_42 = tpu.memref_slice %arg6[%mul3A_11, %dma_wait3A_41] : memref<323584x128xf32, #tpu.memory_space<hbm>> -> memref<128x128xf32, #tpu.memory_space<hbm>>
        %dma_wait3A_43 = arith.constant 0 : i32
        %dma_wait3A_44 = tpu.memref_slice %arg6[%mul3A_11, %dma_wait3A_43] : memref<323584x128xf32, #tpu.memory_space<hbm>> -> memref<128x128xf32, #tpu.memory_space<hbm>>
        %dma_wait3A_45 = arith.constant 0 : i32
        %dma_wait3A_46 = arith.constant 128 : i32
        %dma_wait3A_47 = tpu.memref_slice %arg10[%dma_wait3A_45, %dma_wait3A_46] : memref<128x256xf32, #tpu.memory_space<vmem>> -> memref<128x128xf32, #tpu.memory_space<vmem>>
        tpu.wait_dma2 semaphore(%run_scoped3A : memref<!tpu.dma_semaphore, #tpu.memory_space<semaphore_mem>>) src(%dma_wait3A_47 : memref<128x128xf32, #tpu.memory_space<vmem>>) dst(%dma_wait3A_44 : memref<128x128xf32, #tpu.memory_space<hbm>>)
        tpu.yield
      }) : () -> ()
      "tpu.region"() ({
        %run_scoped3A = tpu.sem_alloc : memref<!tpu.dma_semaphore, #tpu.memory_space<semaphore_mem>>
        %dma_start3A_28 = arith.constant 0 : i32
        %dma_start3A_29 = arith.constant 128 : i32
        %dma_start3A_30 = tpu.memref_slice %arg11[%dma_start3A_28, %dma_start3A_29] : memref<128x256xf32, #tpu.memory_space<vmem>> -> memref<128x128xf32, #tpu.memory_space<vmem>>
        %dma_start3A_31 = arith.constant 0 : i32
        %dma_start3A_32 = tpu.memref_slice %arg7[%mul3A_11, %dma_start3A_31] : memref<323584x128xf32, #tpu.memory_space<hbm>> -> memref<128x128xf32, #tpu.memory_space<hbm>>
        %dma_start3A_33 = arith.constant 0 : i32
        %dma_start3A_34 = tpu.memref_slice %arg7[%mul3A_11, %dma_start3A_33] : memref<323584x128xf32, #tpu.memory_space<hbm>> -> memref<128x128xf32, #tpu.memory_space<hbm>>
        %dma_start3A_35 = arith.constant 0 : i32
        %dma_start3A_36 = arith.constant 128 : i32
        %dma_start3A_37 = tpu.memref_slice %arg11[%dma_start3A_35, %dma_start3A_36] : memref<128x256xf32, #tpu.memory_space<vmem>> -> memref<128x128xf32, #tpu.memory_space<vmem>>
        tpu.enqueue_dma source(%dma_start3A_37 : memref<128x128xf32, #tpu.memory_space<vmem>>) target(%dma_start3A_34 : memref<128x128xf32, #tpu.memory_space<hbm>>) target_semaphore(%run_scoped3A : memref<!tpu.dma_semaphore, #tpu.memory_space<semaphore_mem>>)
        %dma_wait3A_38 = arith.constant 0 : i32
        %dma_wait3A_39 = arith.constant 128 : i32
        %dma_wait3A_40 = tpu.memref_slice %arg11[%dma_wait3A_38, %dma_wait3A_39] : memref<128x256xf32, #tpu.memory_space<vmem>> -> memref<128x128xf32, #tpu.memory_space<vmem>>
        %dma_wait3A_41 = arith.constant 0 : i32
        %dma_wait3A_42 = tpu.memref_slice %arg7[%mul3A_11, %dma_wait3A_41] : memref<323584x128xf32, #tpu.memory_space<hbm>> -> memref<128x128xf32, #tpu.memory_space<hbm>>
        %dma_wait3A_43 = arith.constant 0 : i32
        %dma_wait3A_44 = tpu.memref_slice %arg7[%mul3A_11, %dma_wait3A_43] : memref<323584x128xf32, #tpu.memory_space<hbm>> -> memref<128x128xf32, #tpu.memory_space<hbm>>
        %dma_wait3A_45 = arith.constant 0 : i32
        %dma_wait3A_46 = arith.constant 128 : i32
        %dma_wait3A_47 = tpu.memref_slice %arg11[%dma_wait3A_45, %dma_wait3A_46] : memref<128x256xf32, #tpu.memory_space<vmem>> -> memref<128x128xf32, #tpu.memory_space<vmem>>
        tpu.wait_dma2 semaphore(%run_scoped3A : memref<!tpu.dma_semaphore, #tpu.memory_space<semaphore_mem>>) src(%dma_wait3A_47 : memref<128x128xf32, #tpu.memory_space<vmem>>) dst(%dma_wait3A_44 : memref<128x128xf32, #tpu.memory_space<hbm>>)
        tpu.yield
      }) : () -> ()
    }
    %scan3A_7 = arith.constant 79 : i32
    return
  }
}

module attributes {stable_mosaic.version = 14 : i64} {
  func.func @body(%arg0: i32, %arg1: memref<32x1024xf32, #tpu.memory_space<vmem>>, %arg2: memref<1024x128xf32, #tpu.memory_space<vmem>>, %arg3: memref<128x128xf32, #tpu.memory_space<vmem>>, %arg4: memref<1024x128xf32, #tpu.memory_space<vmem>>, %arg5: memref<1024x1xf32, #tpu.memory_space<vmem>>) attributes {dimension_semantics = [#tpu.dimension_semantics<arbitrary>], iteration_bounds = array<i64: 10>, scalar_prefetch = 0 : i64, scratch_operands = 0 : i64, tpu.core_type = #tpu.core_type<tc>, window_params = [{transform_indices = @transform_0, window_bounds = array<i64: 32, 1024>}, {transform_indices = @transform_1, window_bounds = array<i64: 1024, 128>}, {pipeline_mode = #tpu.pipeline_mode<synchronous>, transform_indices = @transform_2, window_bounds = array<i64: 128, 128>}, {transform_indices = @transform_3, window_bounds = array<i64: 1024, 128>}, {transform_indices = @transform_4, window_bounds = array<i64: 1024, 1>}]} {
    %broadcast_in_dim3A = arith.constant 1.000000e+00 : f32
    %broadcast_in_dim3A_0 = vector.broadcast %broadcast_in_dim3A : f32 to vector<32x1xf32>
    %get3A = arith.constant 0 : index
    %get3A_1 = arith.constant 0 : index
    %get3A_2 = vector.load %arg1[%get3A, %get3A_1] : memref<32x1024xf32, #tpu.memory_space<vmem>>, vector<32x1024xf32>
    %dot_general3A = arith.constant dense<0.000000e+00> : vector<1024x1xf32>
    %dot_general3A_3 = tpu.matmul %get3A_2, %broadcast_in_dim3A_0, %dot_general3A {dimension_numbers = #tpu.dot_dimension_numbers<[0], [0], [1], [1], [0, 1, 1, 1], [], []>, transpose_lhs_hint = false} : vector<32x1024xf32>, vector<32x1xf32>, vector<1024x1xf32> -> vector<1024x1xf32>
    %add3A = arith.constant 1.000000e+00 : f32
    %add3A_4 = vector.broadcast %add3A : f32 to vector<1024x1xf32>
    %add3A_5 = arith.addf %dot_general3A_3, %add3A_4 : vector<1024x1xf32>
    %rsqrt3A = math.rsqrt %add3A_5 : vector<1024x1xf32>
    %swap3A = arith.constant 0 : index
    %swap3A_6 = arith.constant 0 : index
    %swap3A_7 = vector.load %arg5[%swap3A, %swap3A_6] : memref<1024x1xf32, #tpu.memory_space<vmem>>, vector<1024x1xf32>
    tpu.vector_store %arg5[%swap3A, %swap3A_6], %rsqrt3A {strides = array<i32>} : memref<1024x1xf32, #tpu.memory_space<vmem>>, vector<1024x1xf32>,
    %get3A_8 = arith.constant 0 : index
    %get3A_9 = arith.constant 0 : index
    %get3A_10 = vector.load %arg2[%get3A_8, %get3A_9] : memref<1024x128xf32, #tpu.memory_space<vmem>>, vector<1024x128xf32>
    %get3A_11 = arith.constant 0 : index
    %get3A_12 = arith.constant 0 : index
    %get3A_13 = vector.load %arg3[%get3A_11, %get3A_12] : memref<128x128xf32, #tpu.memory_space<vmem>>, vector<128x128xf32>
    %dot_general3A_14 = arith.constant dense<0.000000e+00> : vector<1024x128xf32>
    %dot_general3A_15 = tpu.matmul %get3A_10, %get3A_13, %dot_general3A_14 {dimension_numbers = #tpu.dot_dimension_numbers<[1], [0], [0], [1], [0, 0, 1, 1], [], []>, transpose_lhs_hint = false} : vector<1024x128xf32>, vector<128x128xf32>, vector<1024x128xf32> -> vector<1024x128xf32>
    %mul3A = vector.broadcast %rsqrt3A : vector<1024x1xf32> to vector<1024x128xf32>
    %mul3A_16 = arith.mulf %dot_general3A_15, %mul3A : vector<1024x128xf32>
    %swap3A_17 = arith.constant 0 : index
    %swap3A_18 = arith.constant 0 : index
    %swap3A_19 = vector.load %arg4[%swap3A_17, %swap3A_18] : memref<1024x128xf32, #tpu.memory_space<vmem>>, vector<1024x128xf32>
    tpu.vector_store %arg4[%swap3A_17, %swap3A_18], %mul3A_16 {strides = array<i32>} : memref<1024x128xf32, #tpu.memory_space<vmem>>, vector<1024x128xf32>,
    return
  }
  func.func @transform_0(%arg0: i32) -> (i32, i32) {
    %c0_i32 = arith.constant 0 : i32
    %c0_i32_0 = arith.constant 0 : i32
    return %c0_i32, %arg0 : i32, i32
  }
  func.func @transform_1(%arg0: i32) -> (i32, i32) {
    %c0_i32 = arith.constant 0 : i32
    %c0_i32_0 = arith.constant 0 : i32
    return %arg0, %c0_i32 : i32, i32
  }
  func.func @transform_2(%arg0: i32) -> (i32, i32) {
    %c0_i32 = arith.constant 0 : i32
    %c0_i32_0 = arith.constant 0 : i32
    %c0_i32_1 = arith.constant 0 : i32
    return %c0_i32, %c0_i32_0 : i32, i32
  }
  func.func @transform_3(%arg0: i32) -> (i32, i32) {
    %c0_i32 = arith.constant 0 : i32
    %c0_i32_0 = arith.constant 0 : i32
    return %arg0, %c0_i32 : i32, i32
  }
  func.func @transform_4(%arg0: i32) -> (i32, i32) {
    %c0_i32 = arith.constant 0 : i32
    %c0_i32_0 = arith.constant 0 : i32
    return %arg0, %c0_i32 : i32, i32
  }
}

module attributes {stable_mosaic.version = 14 : i64} {
  func.func @body(%arg0: i32, %arg1: memref<2x1024x128xf32, #tpu.memory_space<vmem>>, %arg2: memref<1024x128xf32, #tpu.memory_space<vmem>>, %arg3: memref<1x128xf32, #tpu.memory_space<vmem>>, %arg4: memref<128x128xf32, #tpu.memory_space<vmem>>, %arg5: memref<1024x1xf32, #tpu.memory_space<vmem>>, %arg6: memref<1024x128xf32, #tpu.memory_space<vmem>>) attributes {dimension_semantics = [#tpu.dimension_semantics<arbitrary>], iteration_bounds = array<i64: 10>, scalar_prefetch = 0 : i64, scratch_operands = 0 : i64, tpu.core_type = #tpu.core_type<tc>, window_params = [{transform_indices = @transform_0, window_bounds = array<i64: 2, 1024, 128>}, {transform_indices = @transform_1, window_bounds = array<i64: 1024, 128>}, {pipeline_mode = #tpu.pipeline_mode<synchronous>, transform_indices = @transform_2, window_bounds = array<i64: 1, 128>}, {pipeline_mode = #tpu.pipeline_mode<synchronous>, transform_indices = @transform_3, window_bounds = array<i64: 128, 128>}, {transform_indices = @transform_4, window_bounds = array<i64: 1024, 1>}, {transform_indices = @transform_5, window_bounds = array<i64: 1024, 128>}]} {
    %get3A = arith.constant 0 : index
    %get3A_0 = arith.constant 0 : index
    %get3A_1 = arith.constant 0 : index
    %get3A_2 = vector.load %arg1[%get3A, %get3A_0, %get3A_1] : memref<2x1024x128xf32, #tpu.memory_space<vmem>>, vector<2x1024x128xf32>
    %get3A_3 = arith.constant 0 : index
    %get3A_4 = arith.constant 0 : index
    %get3A_5 = vector.load %arg5[%get3A_3, %get3A_4] : memref<1024x1xf32, #tpu.memory_space<vmem>>, vector<1024x1xf32>
    %slice3A = vector.extract_strided_slice %get3A_2 {offsets = [0, 0, 0], sizes = [1, 1024, 128], strides = [1, 1, 1]} : vector<2x1024x128xf32> to vector<1x1024x128xf32>
    %squeeze3A = vector.shape_cast %slice3A : vector<1x1024x128xf32> to vector<1024x128xf32>
    %slice3A_6 = vector.extract_strided_slice %get3A_2 {offsets = [1, 0, 0], sizes = [1, 1024, 128], strides = [1, 1, 1]} : vector<2x1024x128xf32> to vector<1x1024x128xf32>
    %squeeze3A_7 = vector.shape_cast %slice3A_6 : vector<1x1024x128xf32> to vector<1024x128xf32>
    %add3A = arith.addf %squeeze3A, %squeeze3A_7 : vector<1024x128xf32>
    %get3A_8 = arith.constant 0 : index
    %get3A_9 = arith.constant 0 : index
    %get3A_10 = vector.load %arg2[%get3A_8, %get3A_9] : memref<1024x128xf32, #tpu.memory_space<vmem>>, vector<1024x128xf32>
    %add3A_11 = arith.addf %add3A, %get3A_10 : vector<1024x128xf32>
    %mul3A = vector.broadcast %get3A_5 : vector<1024x1xf32> to vector<1024x128xf32>
    %mul3A_12 = arith.mulf %mul3A, %add3A_11 : vector<1024x128xf32>
    %get3A_13 = arith.constant 0 : index
    %get3A_14 = arith.constant 0 : index
    %get3A_15 = vector.load %arg3[%get3A_13, %get3A_14] : memref<1x128xf32, #tpu.memory_space<vmem>>, vector<1x128xf32>
    %add3A_16 = vector.broadcast %get3A_15 : vector<1x128xf32> to vector<1024x128xf32>
    %add3A_17 = arith.addf %mul3A_12, %add3A_16 : vector<1024x128xf32>
    %max3A = arith.constant 0.000000e+00 : f32
    %max3A_18 = vector.broadcast %max3A : f32 to vector<1024x128xf32>
    %max3A_19 = arith.maximumf %add3A_17, %max3A_18 : vector<1024x128xf32>
    %get3A_20 = arith.constant 0 : index
    %get3A_21 = arith.constant 0 : index
    %get3A_22 = vector.load %arg4[%get3A_20, %get3A_21] : memref<128x128xf32, #tpu.memory_space<vmem>>, vector<128x128xf32>
    %dot_general3A = arith.constant dense<0.000000e+00> : vector<1024x128xf32>
    %dot_general3A_23 = tpu.matmul %max3A_19, %get3A_22, %dot_general3A {dimension_numbers = #tpu.dot_dimension_numbers<[1], [0], [0], [1], [0, 0, 1, 1], [], []>, transpose_lhs_hint = false} : vector<1024x128xf32>, vector<128x128xf32>, vector<1024x128xf32> -> vector<1024x128xf32>
    %get3A_24 = arith.constant 0 : index
    %get3A_25 = arith.constant 0 : index
    %get3A_26 = vector.load %arg5[%get3A_24, %get3A_25] : memref<1024x1xf32, #tpu.memory_space<vmem>>, vector<1024x1xf32>
    %mul3A_27 = vector.broadcast %get3A_26 : vector<1024x1xf32> to vector<1024x128xf32>
    %mul3A_28 = arith.mulf %dot_general3A_23, %mul3A_27 : vector<1024x128xf32>
    %swap3A = arith.constant 0 : index
    %swap3A_29 = arith.constant 0 : index
    %swap3A_30 = vector.load %arg6[%swap3A, %swap3A_29] : memref<1024x128xf32, #tpu.memory_space<vmem>>, vector<1024x128xf32>
    tpu.vector_store %arg6[%swap3A, %swap3A_29], %mul3A_28 {strides = array<i32>} : memref<1024x128xf32, #tpu.memory_space<vmem>>, vector<1024x128xf32>,
    return
  }
  func.func @transform_0(%arg0: i32) -> (i32, i32, i32) {
    %c0_i32 = arith.constant 0 : i32
    %c0_i32_0 = arith.constant 0 : i32
    %c0_i32_1 = arith.constant 0 : i32
    return %c0_i32, %arg0, %c0_i32_0 : i32, i32, i32
  }
  func.func @transform_1(%arg0: i32) -> (i32, i32) {
    %c0_i32 = arith.constant 0 : i32
    %c0_i32_0 = arith.constant 0 : i32
    return %arg0, %c0_i32 : i32, i32
  }
  func.func @transform_2(%arg0: i32) -> (i32, i32) {
    %c0_i32 = arith.constant 0 : i32
    %c0_i32_0 = arith.constant 0 : i32
    %c0_i32_1 = arith.constant 0 : i32
    return %c0_i32, %c0_i32_0 : i32, i32
  }
  func.func @transform_3(%arg0: i32) -> (i32, i32) {
    %c0_i32 = arith.constant 0 : i32
    %c0_i32_0 = arith.constant 0 : i32
    %c0_i32_1 = arith.constant 0 : i32
    return %c0_i32, %c0_i32_0 : i32, i32
  }
  func.func @transform_4(%arg0: i32) -> (i32, i32) {
    %c0_i32 = arith.constant 0 : i32
    %c0_i32_0 = arith.constant 0 : i32
    return %arg0, %c0_i32 : i32, i32
  }
  func.func @transform_5(%arg0: i32) -> (i32, i32) {
    %c0_i32 = arith.constant 0 : i32
    %c0_i32_0 = arith.constant 0 : i32
    return %arg0, %c0_i32 : i32, i32
  }
}

module attributes {stable_mosaic.version = 14 : i64} {
  func.func @body(%arg0: i32, %arg1: memref<2x1024x128xf32, #tpu.memory_space<vmem>>, %arg2: memref<1024x128xf32, #tpu.memory_space<vmem>>, %arg3: memref<1x128xf32, #tpu.memory_space<vmem>>, %arg4: memref<1024x128xf32, #tpu.memory_space<vmem>>, %arg5: memref<1024x1xf32, #tpu.memory_space<vmem>>, %arg6: memref<1024x256xf32, #tpu.memory_space<vmem>>, %arg7: memref<1024x256xf32, #tpu.memory_space<vmem>>) attributes {dimension_semantics = [#tpu.dimension_semantics<arbitrary>], iteration_bounds = array<i64: 10>, scalar_prefetch = 0 : i64, scratch_operands = 0 : i64, tpu.core_type = #tpu.core_type<tc>, window_params = [{transform_indices = @transform_0, window_bounds = array<i64: 2, 1024, 128>}, {transform_indices = @transform_1, window_bounds = array<i64: 1024, 128>}, {pipeline_mode = #tpu.pipeline_mode<synchronous>, transform_indices = @transform_2, window_bounds = array<i64: 1, 128>}, {transform_indices = @transform_3, window_bounds = array<i64: 1024, 128>}, {transform_indices = @transform_4, window_bounds = array<i64: 1024, 1>}, {transform_indices = @transform_5, window_bounds = array<i64: 1024, 256>}, {transform_indices = @transform_6, window_bounds = array<i64: 1024, 256>}]} {
    %get3A = arith.constant 0 : index
    %get3A_0 = arith.constant 0 : index
    %get3A_1 = arith.constant 0 : index
    %get3A_2 = vector.load %arg1[%get3A, %get3A_0, %get3A_1] : memref<2x1024x128xf32, #tpu.memory_space<vmem>>, vector<2x1024x128xf32>
    %get3A_3 = arith.constant 0 : index
    %get3A_4 = arith.constant 0 : index
    %get3A_5 = vector.load %arg5[%get3A_3, %get3A_4] : memref<1024x1xf32, #tpu.memory_space<vmem>>, vector<1024x1xf32>
    %slice3A = vector.extract_strided_slice %get3A_2 {offsets = [0, 0, 0], sizes = [1, 1024, 128], strides = [1, 1, 1]} : vector<2x1024x128xf32> to vector<1x1024x128xf32>
    %squeeze3A = vector.shape_cast %slice3A : vector<1x1024x128xf32> to vector<1024x128xf32>
    %slice3A_6 = vector.extract_strided_slice %get3A_2 {offsets = [1, 0, 0], sizes = [1, 1024, 128], strides = [1, 1, 1]} : vector<2x1024x128xf32> to vector<1x1024x128xf32>
    %squeeze3A_7 = vector.shape_cast %slice3A_6 : vector<1x1024x128xf32> to vector<1024x128xf32>
    %add3A = arith.addf %squeeze3A, %squeeze3A_7 : vector<1024x128xf32>
    %get3A_8 = arith.constant 0 : index
    %get3A_9 = arith.constant 0 : index
    %get3A_10 = vector.load %arg2[%get3A_8, %get3A_9] : memref<1024x128xf32, #tpu.memory_space<vmem>>, vector<1024x128xf32>
    %add3A_11 = arith.addf %add3A, %get3A_10 : vector<1024x128xf32>
    %mul3A = vector.broadcast %get3A_5 : vector<1024x1xf32> to vector<1024x128xf32>
    %mul3A_12 = arith.mulf %mul3A, %add3A_11 : vector<1024x128xf32>
    %get3A_13 = arith.constant 0 : index
    %get3A_14 = arith.constant 0 : index
    %get3A_15 = vector.load %arg3[%get3A_13, %get3A_14] : memref<1x128xf32, #tpu.memory_space<vmem>>, vector<1x128xf32>
    %add3A_16 = vector.broadcast %get3A_15 : vector<1x128xf32> to vector<1024x128xf32>
    %add3A_17 = arith.addf %mul3A_12, %add3A_16 : vector<1024x128xf32>
    %slice3A_18 = vector.extract_strided_slice %add3A_17 {offsets = [0, 0], sizes = [1024, 64], strides = [1, 1]} : vector<1024x128xf32> to vector<1024x64xf32>
    %get3A_19 = arith.constant 0 : index
    %get3A_20 = arith.constant 0 : index
    %get3A_21 = vector.load %arg4[%get3A_19, %get3A_20] : memref<1024x128xf32, #tpu.memory_space<vmem>>, vector<1024x128xf32>
    %broadcast_in_dim3A = arith.constant 0.000000e+00 : f32
    %broadcast_in_dim3A_22 = vector.broadcast %broadcast_in_dim3A : f32 to vector<1024x64xf32>
    %add3A_23 = arith.constant 9.99999997E-7 : f32
    %add3A_24 = vector.broadcast %add3A_23 : f32 to vector<1024x128xf32>
    %add3A_25 = arith.addf %get3A_21, %add3A_24 : vector<1024x128xf32>
    %concatenate3A = tpu.concatenate %add3A_25, %slice3A_18, %broadcast_in_dim3A_22 in 1 : vector<1024x128xf32>, vector<1024x64xf32>, vector<1024x64xf32> -> vector<1024x256xf32>
    %swap3A = arith.constant 0 : index
    %swap3A_26 = arith.constant 0 : index
    %swap3A_27 = vector.load %arg6[%swap3A, %swap3A_26] : memref<1024x256xf32, #tpu.memory_space<vmem>>, vector<1024x256xf32>
    tpu.vector_store %arg6[%swap3A, %swap3A_26], %concatenate3A {strides = array<i32>} : memref<1024x256xf32, #tpu.memory_space<vmem>>, vector<1024x256xf32>,
    %concatenate3A_28 = tpu.concatenate %get3A_21, %slice3A_18, %broadcast_in_dim3A_22 in 1 : vector<1024x128xf32>, vector<1024x64xf32>, vector<1024x64xf32> -> vector<1024x256xf32>
    %swap3A_29 = arith.constant 0 : index
    %swap3A_30 = arith.constant 0 : index
    %swap3A_31 = vector.load %arg7[%swap3A_29, %swap3A_30] : memref<1024x256xf32, #tpu.memory_space<vmem>>, vector<1024x256xf32>
    tpu.vector_store %arg7[%swap3A_29, %swap3A_30], %concatenate3A_28 {strides = array<i32>} : memref<1024x256xf32, #tpu.memory_space<vmem>>, vector<1024x256xf32>,
    return
  }
  func.func @transform_0(%arg0: i32) -> (i32, i32, i32) {
    %c0_i32 = arith.constant 0 : i32
    %c0_i32_0 = arith.constant 0 : i32
    %c0_i32_1 = arith.constant 0 : i32
    return %c0_i32, %arg0, %c0_i32_0 : i32, i32, i32
  }
  func.func @transform_1(%arg0: i32) -> (i32, i32) {
    %c0_i32 = arith.constant 0 : i32
    %c0_i32_0 = arith.constant 0 : i32
    return %arg0, %c0_i32 : i32, i32
  }
  func.func @transform_2(%arg0: i32) -> (i32, i32) {
    %c0_i32 = arith.constant 0 : i32
    %c0_i32_0 = arith.constant 0 : i32
    %c0_i32_1 = arith.constant 0 : i32
    return %c0_i32, %c0_i32_0 : i32, i32
  }
  func.func @transform_3(%arg0: i32) -> (i32, i32) {
    %c0_i32 = arith.constant 0 : i32
    %c0_i32_0 = arith.constant 0 : i32
    return %arg0, %c0_i32 : i32, i32
  }
  func.func @transform_4(%arg0: i32) -> (i32, i32) {
    %c0_i32 = arith.constant 0 : i32
    %c0_i32_0 = arith.constant 0 : i32
    return %arg0, %c0_i32 : i32, i32
  }
  func.func @transform_5(%arg0: i32) -> (i32, i32) {
    %c0_i32 = arith.constant 0 : i32
    %c0_i32_0 = arith.constant 0 : i32
    return %arg0, %c0_i32 : i32, i32
  }
  func.func @transform_6(%arg0: i32) -> (i32, i32) {
    %c0_i32 = arith.constant 0 : i32
    %c0_i32_0 = arith.constant 0 : i32
    return %arg0, %c0_i32 : i32, i32
  }
}

module attributes {stable_mosaic.version = 14 : i64} {
  func.func @body(%arg0: i32, %arg1: memref<4096x128xf32, #tpu.memory_space<vmem>>, %arg2: memref<4096x128xf32, #tpu.memory_space<vmem>>, %arg3: memref<128x128xf32, #tpu.memory_space<vmem>>, %arg4: memref<1x128xf32, #tpu.memory_space<vmem>>, %arg5: memref<128x1xf32, #tpu.memory_space<vmem>>, %arg6: memref<1x1xf32, #tpu.memory_space<vmem>>, %arg7: memref<128x128xf32, #tpu.memory_space<vmem>>, %arg8: memref<1x128xf32, #tpu.memory_space<vmem>>, %arg9: memref<128x1xf32, #tpu.memory_space<vmem>>, %arg10: memref<1x1xf32, #tpu.memory_space<vmem>>, %arg11: memref<4096x1xf32, #tpu.memory_space<vmem>>) attributes {dimension_semantics = [#tpu.dimension_semantics<arbitrary>], iteration_bounds = array<i64: 79>, scalar_prefetch = 0 : i64, scratch_operands = 0 : i64, tpu.core_type = #tpu.core_type<tc>, window_params = [{transform_indices = @transform_0, window_bounds = array<i64: 4096, 128>}, {transform_indices = @transform_1, window_bounds = array<i64: 4096, 128>}, {pipeline_mode = #tpu.pipeline_mode<synchronous>, transform_indices = @transform_2, window_bounds = array<i64: 128, 128>}, {pipeline_mode = #tpu.pipeline_mode<synchronous>, transform_indices = @transform_3, window_bounds = array<i64: 1, 128>}, {pipeline_mode = #tpu.pipeline_mode<synchronous>, transform_indices = @transform_4, window_bounds = array<i64: 128, 1>}, {pipeline_mode = #tpu.pipeline_mode<synchronous>, transform_indices = @transform_5, window_bounds = array<i64: 1, 1>}, {pipeline_mode = #tpu.pipeline_mode<synchronous>, transform_indices = @transform_6, window_bounds = array<i64: 128, 128>}, {pipeline_mode = #tpu.pipeline_mode<synchronous>, transform_indices = @transform_7, window_bounds = array<i64: 1, 128>}, {pipeline_mode = #tpu.pipeline_mode<synchronous>, transform_indices = @transform_8, window_bounds = array<i64: 128, 1>}, {pipeline_mode = #tpu.pipeline_mode<synchronous>, transform_indices = @transform_9, window_bounds = array<i64: 1, 1>}, {transform_indices = @transform_10, window_bounds = array<i64: 4096, 1>}]} {
    %get3A = arith.constant 0 : index
    %get3A_0 = arith.constant 0 : index
    %get3A_1 = vector.load %arg1[%get3A, %get3A_0] : memref<4096x128xf32, #tpu.memory_space<vmem>>, vector<4096x128xf32>
    %get3A_2 = arith.constant 0 : index
    %get3A_3 = arith.constant 0 : index
    %get3A_4 = vector.load %arg2[%get3A_2, %get3A_3] : memref<4096x128xf32, #tpu.memory_space<vmem>>, vector<4096x128xf32>
    %slice3A = vector.extract_strided_slice %get3A_1 {offsets = [0, 0], sizes = [4096, 64], strides = [1, 1]} : vector<4096x128xf32> to vector<4096x64xf32>
    %slice3A_5 = vector.extract_strided_slice %get3A_4 {offsets = [0, 0], sizes = [4096, 64], strides = [1, 1]} : vector<4096x128xf32> to vector<4096x64xf32>
    %concatenate3A = tpu.concatenate %slice3A, %slice3A_5 in 1 : vector<4096x64xf32>, vector<4096x64xf32> -> vector<4096x128xf32>
    %slice3A_6 = vector.extract_strided_slice %get3A_1 {offsets = [0, 64], sizes = [4096, 16], strides = [1, 1]} : vector<4096x128xf32> to vector<4096x16xf32>
    %reduce_sum3A = arith.constant dense<0.000000e+00> : vector<4096xf32>
    %reduce_sum3A_7 = vector.multi_reduction <add>, %slice3A_6, %reduce_sum3A [1] : vector<4096x16xf32> to vector<4096xf32>
    %broadcast_in_dim3A = vector.shape_cast %reduce_sum3A_7 : vector<4096xf32> to vector<4096x1xf32>
    %sqrt3A = math.sqrt %broadcast_in_dim3A : vector<4096x1xf32>
    %neg3A = arith.constant 0.000000e+00 : f32
    %neg3A_8 = vector.broadcast %neg3A : f32 to vector<4096x1xf32>
    %neg3A_9 = arith.subf %neg3A_8, %sqrt3A : vector<4096x1xf32>
    %get3A_10 = arith.constant 0 : index
    %get3A_11 = arith.constant 0 : index
    %get3A_12 = vector.load %arg3[%get3A_10, %get3A_11] : memref<128x128xf32, #tpu.memory_space<vmem>>, vector<128x128xf32>
    %dot_general3A = arith.constant dense<0.000000e+00> : vector<4096x128xf32>
    %dot_general3A_13 = tpu.matmul %concatenate3A, %get3A_12, %dot_general3A {dimension_numbers = #tpu.dot_dimension_numbers<[1], [0], [0], [1], [0, 0, 1, 1], [], []>, transpose_lhs_hint = false} : vector<4096x128xf32>, vector<128x128xf32>, vector<4096x128xf32> -> vector<4096x128xf32>
    %get3A_14 = arith.constant 0 : index
    %get3A_15 = arith.constant 0 : index
    %get3A_16 = vector.load %arg4[%get3A_14, %get3A_15] : memref<1x128xf32, #tpu.memory_space<vmem>>, vector<1x128xf32>
    %add3A = vector.broadcast %get3A_16 : vector<1x128xf32> to vector<4096x128xf32>
    %add3A_17 = arith.addf %dot_general3A_13, %add3A : vector<4096x128xf32>
    %mul3A = arith.constant 2.000000e-01 : f32
    %mul3A_18 = vector.broadcast %mul3A : f32 to vector<4096x128xf32>
    %mul3A_19 = arith.mulf %mul3A_18, %add3A_17 : vector<4096x128xf32>
    %max3A = arith.maximumf %add3A_17, %mul3A_19 : vector<4096x128xf32>
    %get3A_20 = arith.constant 0 : index
    %get3A_21 = arith.constant 0 : index
    %get3A_22 = vector.load %arg5[%get3A_20, %get3A_21] : memref<128x1xf32, #tpu.memory_space<vmem>>, vector<128x1xf32>
    %dot_general3A_23 = arith.constant dense<0.000000e+00> : vector<4096x1xf32>
    %dot_general3A_24 = tpu.matmul %max3A, %get3A_22, %dot_general3A_23 {dimension_numbers = #tpu.dot_dimension_numbers<[1], [0], [0], [1], [0, 0, 1, 1], [], []>, transpose_lhs_hint = false} : vector<4096x128xf32>, vector<128x1xf32>, vector<4096x1xf32> -> vector<4096x1xf32>
    %get3A_25 = arith.constant 0 : index
    %get3A_26 = arith.constant 0 : index
    %get3A_27 = vector.load %arg6[%get3A_25, %get3A_26] : memref<1x1xf32, #tpu.memory_space<vmem>>, vector<1x1xf32>
    %add3A_28 = vector.broadcast %get3A_27 : vector<1x1xf32> to vector<4096x1xf32>
    %add3A_29 = arith.addf %dot_general3A_24, %add3A_28 : vector<4096x1xf32>
    %get3A_30 = arith.constant 0 : index
    %get3A_31 = arith.constant 0 : index
    %get3A_32 = vector.load %arg7[%get3A_30, %get3A_31] : memref<128x128xf32, #tpu.memory_space<vmem>>, vector<128x128xf32>
    %dot_general3A_33 = arith.constant dense<0.000000e+00> : vector<4096x128xf32>
    %dot_general3A_34 = tpu.matmul %concatenate3A, %get3A_32, %dot_general3A_33 {dimension_numbers = #tpu.dot_dimension_numbers<[1], [0], [0], [1], [0, 0, 1, 1], [], []>, transpose_lhs_hint = false} : vector<4096x128xf32>, vector<128x128xf32>, vector<4096x128xf32> -> vector<4096x128xf32>
    %get3A_35 = arith.constant 0 : index
    %get3A_36 = arith.constant 0 : index
    %get3A_37 = vector.load %arg8[%get3A_35, %get3A_36] : memref<1x128xf32, #tpu.memory_space<vmem>>, vector<1x128xf32>
    %add3A_38 = vector.broadcast %get3A_37 : vector<1x128xf32> to vector<4096x128xf32>
    %add3A_39 = arith.addf %dot_general3A_34, %add3A_38 : vector<4096x128xf32>
    %mul3A_40 = arith.constant 2.000000e-01 : f32
    %mul3A_41 = vector.broadcast %mul3A_40 : f32 to vector<4096x128xf32>
    %mul3A_42 = arith.mulf %mul3A_41, %add3A_39 : vector<4096x128xf32>
    %max3A_43 = arith.maximumf %add3A_39, %mul3A_42 : vector<4096x128xf32>
    %get3A_44 = arith.constant 0 : index
    %get3A_45 = arith.constant 0 : index
    %get3A_46 = vector.load %arg9[%get3A_44, %get3A_45] : memref<128x1xf32, #tpu.memory_space<vmem>>, vector<128x1xf32>
    %dot_general3A_47 = arith.constant dense<0.000000e+00> : vector<4096x1xf32>
    %dot_general3A_48 = tpu.matmul %max3A_43, %get3A_46, %dot_general3A_47 {dimension_numbers = #tpu.dot_dimension_numbers<[1], [0], [0], [1], [0, 0, 1, 1], [], []>, transpose_lhs_hint = false} : vector<4096x128xf32>, vector<128x1xf32>, vector<4096x1xf32> -> vector<4096x1xf32>
    %get3A_49 = arith.constant 0 : index
    %get3A_50 = arith.constant 0 : index
    %get3A_51 = vector.load %arg10[%get3A_49, %get3A_50] : memref<1x1xf32, #tpu.memory_space<vmem>>, vector<1x1xf32>
    %add3A_52 = vector.broadcast %get3A_51 : vector<1x1xf32> to vector<4096x1xf32>
    %add3A_53 = arith.addf %dot_general3A_48, %add3A_52 : vector<4096x1xf32>
    %sub3A = arith.subf %neg3A_9, %add3A_29 : vector<4096x1xf32>
    %div3A = arith.divf %sub3A, %add3A_53 : vector<4096x1xf32>
    %logistic3A = arith.negf %div3A : vector<4096x1xf32>
    %logistic3A_54 = math.exp %logistic3A : vector<4096x1xf32>
    %logistic3A_55 = arith.constant 1.000000e+00 : f32
    %logistic3A_56 = vector.broadcast %logistic3A_55 : f32 to vector<4096x1xf32>
    %logistic3A_57 = arith.addf %logistic3A_56, %logistic3A_54 : vector<4096x1xf32>
    %logistic3A_58 = arith.divf %logistic3A_56, %logistic3A_57 : vector<4096x1xf32>
    %swap3A = arith.constant 0 : index
    %swap3A_59 = arith.constant 0 : index
    %swap3A_60 = vector.load %arg11[%swap3A, %swap3A_59] : memref<4096x1xf32, #tpu.memory_space<vmem>>, vector<4096x1xf32>
    tpu.vector_store %arg11[%swap3A, %swap3A_59], %logistic3A_58 {strides = array<i32>} : memref<4096x1xf32, #tpu.memory_space<vmem>>, vector<4096x1xf32>,
    return
  }
  func.func @transform_0(%arg0: i32) -> (i32, i32) {
    %c0_i32 = arith.constant 0 : i32
    %c0_i32_0 = arith.constant 0 : i32
    return %arg0, %c0_i32 : i32, i32
  }
  func.func @transform_1(%arg0: i32) -> (i32, i32) {
    %c0_i32 = arith.constant 0 : i32
    %c0_i32_0 = arith.constant 0 : i32
    return %arg0, %c0_i32 : i32, i32
  }
  func.func @transform_2(%arg0: i32) -> (i32, i32) {
    %c0_i32 = arith.constant 0 : i32
    %c0_i32_0 = arith.constant 0 : i32
    %c0_i32_1 = arith.constant 0 : i32
    return %c0_i32, %c0_i32_0 : i32, i32
  }
  func.func @transform_3(%arg0: i32) -> (i32, i32) {
    %c0_i32 = arith.constant 0 : i32
    %c0_i32_0 = arith.constant 0 : i32
    %c0_i32_1 = arith.constant 0 : i32
    return %c0_i32, %c0_i32_0 : i32, i32
  }
  func.func @transform_4(%arg0: i32) -> (i32, i32) {
    %c0_i32 = arith.constant 0 : i32
    %c0_i32_0 = arith.constant 0 : i32
    %c0_i32_1 = arith.constant 0 : i32
    return %c0_i32, %c0_i32_0 : i32, i32
  }
  func.func @transform_5(%arg0: i32) -> (i32, i32) {
    %c0_i32 = arith.constant 0 : i32
    %c0_i32_0 = arith.constant 0 : i32
    %c0_i32_1 = arith.constant 0 : i32
    return %c0_i32, %c0_i32_0 : i32, i32
  }
  func.func @transform_6(%arg0: i32) -> (i32, i32) {
    %c0_i32 = arith.constant 0 : i32
    %c0_i32_0 = arith.constant 0 : i32
    %c0_i32_1 = arith.constant 0 : i32
    return %c0_i32, %c0_i32_0 : i32, i32
  }
  func.func @transform_7(%arg0: i32) -> (i32, i32) {
    %c0_i32 = arith.constant 0 : i32
    %c0_i32_0 = arith.constant 0 : i32
    %c0_i32_1 = arith.constant 0 : i32
    return %c0_i32, %c0_i32_0 : i32, i32
  }
  func.func @transform_8(%arg0: i32) -> (i32, i32) {
    %c0_i32 = arith.constant 0 : i32
    %c0_i32_0 = arith.constant 0 : i32
    %c0_i32_1 = arith.constant 0 : i32
    return %c0_i32, %c0_i32_0 : i32, i32
  }
  func.func @transform_9(%arg0: i32) -> (i32, i32) {
    %c0_i32 = arith.constant 0 : i32
    %c0_i32_0 = arith.constant 0 : i32
    %c0_i32_1 = arith.constant 0 : i32
    return %c0_i32, %c0_i32_0 : i32, i32
  }
  func.func @transform_10(%arg0: i32) -> (i32, i32) {
    %c0_i32 = arith.constant 0 : i32
    %c0_i32_0 = arith.constant 0 : i32
    return %arg0, %c0_i32 : i32, i32
  }
}

</mosaic_0001>

<sc_bundles>
// kernel: kernel.12.cloned.1.call-start
scs
__scs_entry_jumppad:
0x0: {  	(pc) =	sbr.rel $0x88, $3  }
0x1: {  	(tag) =	ssettag $0x0;
	lr =	simm.s32 $0x1  }
0x2: {  	[smem:$0x3F91] =	sst lr;
	_ =	strace $0xD0000000  }
0x3: {  	_ = 	snop  }
0x4: {  	_ = 	snop  }
0x5: {  	_ = 	snop  }
0x6: {  	_ = 	snop  }
0x7: {  	_ = 	snop  }
__scs_overlays_trampoline_lowered:
0x8: {  	[smem:$0x3FA0] =	sst s0  }
0x9: {  	[smem:$0x3FA1] =	sst s1  }
0xa: {  	[smem:$0x3FA2] =	sst s2  }
0xb: {  	[smem:$0x3FA3] =	sst s3  }
0xc: {  	[smem:$0x3FA4] =	sst s4  }
0xd: {  	[smem:$0x3FA5] =	sst s5  }
0xe: {  	[smem:$0x3FA6] =	sst s6  }
0xf: {  	[smem:$0x3FA7] =	sst s7  }
0x10: {  	[smem:$0x3FA8] =	sst s8  }
0x11: {  	[smem:$0x3FA9] =	sst s9;
	s0 =	simm.s32 @!p0 $0x0  }
0x12: {  	s1 =	sld [smem:$0x3F8F];
	s0 =	simm.s32 @p0 $0x1  }
0x13: {  	[smem:$0x3FAA] =	sst s0;
	s0 =	simm.s32 @!p1 $0x0  }
0x14: {  	s2 =	sld [smem:$0x3F8E];
	s0 =	simm.s32 @p1 $0x1  }
0x15: {  	[smem:$0x3FAB] =	sst s0;
	s0 =	simm.s32 @!p2 $0x0  }
0x16: {  	s3 =	sld [smem:$0x3FDB];
	s0 =	simm.s32 @p2 $0x1  }
0x17: {  	s4 =	simm.s32 $0x1BF5;
	[smem:$0x3FAD] =	sst s0  }
0x18: {  	s0 =	sld [smem:$0x3F90];
	_ =	swait.ge [sflag:s4], $0x0  }
0x19: {  	s7 =	sld [smem:$0x3F91]  }
0x1a: {  	s8 =	sadd.s32 $0xFFFFE003, lr  }
0x1b: {  	s9 =	sadd.s32 $0xFFFFFEF7, lr;
	s5 =	simm.s32 $0xFFFFFFFF;
	p2 =	slt.u32 s8, $0xFFFFF086  }
0x1c: {  	p1 =	slt.u32 s9, $0xF7A;
	s5 =	simm.s32 @!p2 $0x0  }
0x1d: {  	s5 =	simm.s32 @p1 $0x1;
	p0 =	seq.s32 s7, s2  }
0x1e: {  	s7 =	smul.u32 @!p0 $0xF7A, s2;
	p2 =	seq.s32 @!p0 s5, $0x0  }
0x1f: {  	s9 =	smul.u32 $0xF7A, s1;
	s8 =	simm.s32 @!p0 $0x1BF5;
	p2 =	por !p2, p0  }
0x20: {  	[sflag:s8] =	ssyncset.s32 @!p0 $0xFFFFF086;
	s6 =	sadd.s32 @!p0 s3, s7;
	s7 =	simm.s32 @!p0 $0x108  }
0x21: {  	s3 =	sadd.s32 s3, s9;
	s6 =	sadd.s32 @!p0 $0x88, s6;
	s7 =	simm.s32 @p2 $0x1082  }
0x22: {  	[simem:s7], [sflag:s8] =	dma.local @!p0 [hbm:s6], $0xF7A  }
0x23: {  	s9 =	sor.u32 $0xD0000000, s2;
	s6 =	simm.s32 $0x108;
	_ =	swait.ge @!p0 [sflag:s8], $0x0  }
0x24: {  	s3 =	sadd.s32 $0x88, s3;
	s6 =	simm.s32 @!p1 $0x1082;
	[sflag:s4] =	ssyncset.s32 $0xFFFFF086  }
0x25: {  	[simem:s6], [sflag:s4] =	dma.local [hbm:s3], $0xF7A  }
0x26: {  	[smem:$0x3F91] =	sst s1;
	(tag) =	ssettag s2;
	_ =	strace s9  }
0x27: {  	s1 =	sld [smem:$0x3FA1]  }
0x28: {  	s2 =	sld [smem:$0x3FA2]  }
0x29: {  	s4 =	sld [smem:$0x3FA4]  }
0x2a: {  	p0 =	seq.s32 s5, $0x0;
	s5 =	sld [smem:$0x3FA5]  }
0x2b: {  	s6 =	sld [smem:$0x3FA6]  }
0x2c: {  	s7 =	sld [smem:$0x3FA7]  }
0x2d: {  	s3 =	simm.s32 $0x108;
	s8 =	sld [smem:$0x3FA8]  }
0x2e: {  	s3 =	simm.s32 @!p0 $0x1082;
	s9 =	sld [smem:$0x3FA9]  }
0x2f: {  	lr =	sadd.s32 s0, s3;
	s0 =	sld [smem:$0x3FA0]  }
0x30: {  	s3 =	sld [smem:$0x3FA3]  }
0x31: {  	[smem:$0x3FAC] =	sst s10  }
0x32: {  	s10 =	sld [smem:$0x3FAA];
	_ =	sdelay $0x3  }
0x33: {  	p0 =	seq.s32 s10, $0x1;
	s10 =	sld [smem:$0x3FAC];
	_ =	sdelay $0x3  }
0x34: {  	[smem:$0x3FAC] =	sst s10  }
0x35: {  	s10 =	sld [smem:$0x3FAB];
	_ =	sdelay $0x3  }
0x36: {  	p1 =	seq.s32 s10, $0x1;
	s10 =	sld [smem:$0x3FAC];
	_ =	sdelay $0x3  }
0x37: {  	[smem:$0x3FAC] =	sst s10  }
0x38: {  	s10 =	sld [smem:$0x3FAD]  }
0x39: {  	_ = 	snop;
	(pc) =	sbr.ind lr, $3  }
0x3a: {  	_ = 	snop  }
0x3b: {  	_ = 	snop  }
0x3c: {  	p2 =	seq.s32 s10, $0x1;
	s10 =	sld [smem:$0x3FAC]  }
0x3d: {  	_ =	shalt  }
0x3e: {  	_ =	shalt  }
0x3f: {  	_ =	shalt  }
0x40: {  	_ =	shalt  }
0x41: {  	_ =	shalt  }
0x42: {  	_ =	shalt  }
0x43: {  	_ =	shalt  }
0x44: {  	_ =	shalt  }
0x45: {  	_ =	shalt  }
0x46: {  	_ =	shalt  }
0x47: {  	_ =	shalt  }
0x48: {  	_ =	shalt  }
0x49: {  	_ =	shalt  }
0x4a: {  	_ =	shalt  }
0x4b: {  	_ =	shalt  }
0x4c: {  	_ =	shalt  }
0x4d: {  	_ =	shalt  }
0x4e: {  	_ =	shalt  }
0x4f: {  	_ =	shalt  }
0x50: {  	_ =	shalt  }
0x51: {  	_ =	shalt  }
0x52: {  	_ =	shalt  }
0x53: {  	_ =	shalt  }
0x54: {  	_ =	shalt  }
0x55: {  	_ =	shalt  }
0x56: {  	_ =	shalt  }
0x57: {  	_ =	shalt  }
0x58: {  	_ =	shalt  }
0x59: {  	_ =	shalt  }
0x5a: {  	_ =	shalt  }
0x5b: {  	_ =	shalt  }
0x5c: {  	_ =	shalt  }
0x5d: {  	_ =	shalt  }
0x5e: {  	_ =	shalt  }
0x5f: {  	_ =	shalt  }
0x60: {  	_ =	shalt  }
0x61: {  	_ =	shalt  }
0x62: {  	_ =	shalt  }
0x63: {  	_ =	shalt  }
0x64: {  	_ =	shalt  }
0x65: {  	_ =	shalt  }
0x66: {  	_ =	shalt  }
0x67: {  	_ =	shalt  }
0x68: {  	_ =	shalt  }
0x69: {  	_ =	shalt  }
0x6a: {  	_ =	shalt  }
0x6b: {  	_ =	shalt  }
0x6c: {  	_ =	shalt  }
0x6d: {  	_ =	shalt  }
0x6e: {  	_ =	shalt  }
0x6f: {  	_ =	shalt  }
0x70: {  	_ =	shalt  }
0x71: {  	_ =	shalt  }
0x72: {  	_ =	shalt  }
0x73: {  	_ =	shalt  }
0x74: {  	_ =	shalt  }
0x75: {  	_ =	shalt  }
0x76: {  	_ =	shalt  }
0x77: {  	_ =	shalt  }
0x78: {  	_ =	shalt  }
0x79: {  	_ =	shalt  }
0x7a: {  	_ =	shalt  }
0x7b: {  	_ =	shalt  }
0x7c: {  	_ =	shalt  }
0x7d: {  	_ =	shalt  }
0x7e: {  	_ =	shalt  }
0x7f: {  	_ =	shalt  }
0x80: {  	_ =	shalt  }
0x81: {  	_ =	shalt  }
0x82: {  	_ =	shalt  }
0x83: {  	_ =	shalt  }
0x84: {  	_ =	shalt  }
0x85: {  	_ =	shalt  }
0x86: {  	_ =	shalt  }
0x87: {  	_ =	shalt  }
.Lfunc_end0:
.L_simem_size_0:
called_computation_lowered:
.L_overlay_start_0:
0x88: {  	s2 =	sld [smem:$0x3FD9]  }
0x89: {  	s3 =	sld [smem:$0x3FFE];
	_ =	sdelay $0x1  }
0x8a: {  	s1 =	srdreg.scid  }
0x8b: {  	s0 =	sand.u32 $0x1, s1  }
0x8c: {  	s16 =	sshll.u32 s0, $0xA;
	s2 =	sadd.s32 s3, s2  }
0x8d: {  	s2 =	sadd.s32 s2, s16  }
0x8e: {  	[smem:$0x3FB8] =	sst s2  }
0x8f: {  	_ = 	snop  }
0x90: {  	(tm) =	ssettm $0x1  }
0x91: {  	s17 =	sld [smem:$0x3FFB];
	_ =	sdelay $0x3  }
0x92: {  	_ =	strace s17  }
0x93: {  	s2 =	sld [smem:$0x3FFC];
	_ =	sdelay $0x3  }
0x94: {  	_ =	strace s2  }
0x95: {  	s2 =	sld [smem:$0x3FFD];
	_ =	sdelay $0x3  }
0x96: {  	_ =	strace s2  }
0x97: {  	_ =	strace $0x8FFFFFFF  }
0x98: {  	s18 =	sld [smem:$0x3FDB];
	_ =	sdelay $0x1  }
0x99: {  	s19 =	simm.s32 $_scs_section_size  }
0x9a: {  	s4 =	simm.s32 $_size__tile_overlayer_lowered;
	s5 =	simm.s32 $_tile_overlayer_lowered  }
0x9b: {  	s22 =	simm.s32 $0x1BFF;
	s21 =	sshll.u32 s5, $0x1;
	s2 =	sadd.s32 s19, s18  }
0x9c: {  	s6 =	simm.s32 $0x0;
	s20 =	sshll.u32 s4, $0x1;
	s4 =	sadd.s32 s21, s2  }
0x9d: {  	[timem:s6], [sflag:s22] =	dma.local [hbm:s4], s20  }
0x9e: {  	_ =	swait.ge [sflag:s22], s20  }
0x9f: {  	s3 =	ssub.s32 $0x0, s20;
	[sflag:s22] =	ssyncset.done $0x0  }
0xa0: {  	[sflag:s22] =	ssyncadd.s32 s3;
	_ =	sdelay $0x1  }
0xa1: {  	s23 =	simm.s32 $0x1B8B  }
0xa2: {  	_ =	swait.ge [sflag:s23], $0x1  }
0xa3: {  	[sflag:s23] =	ssyncset.done $0x0  }
0xa4: {  	s25 =	simm.s32 $0x1B8E;
	s24 =	sld [smem:$0x3FFE];
	[sflag:s23] =	ssyncadd.s32 $0xFFFFFFFF  }
0xa5: {  	s26 =	simm.s32 $execute0_lowered;
	[smem:$0x3FD2] =	sst s25  }
0xa6: {  	s4 =	sshll.u32 s26, $0x1;
	_ =	strace $0x80000046;
	[dreg:$0x1] =	wrdreg $0xFFFFFFFF  }
0xa7: {  	s28 =	simm.s32 $_size_execute0_lowered;
	s2 =	sadd.s32 s2, s4;
	[dreg:$0x0] =	wrdreg $0x0  }
0xa8: {  	s4 =	sshll.u32 s28, $0x1;
	[dreg:$0x2] =	wrdreg s2  }
0xa9: {  	[dreg:$0x3] =	wrdreg s4  }
0xaa: {  	[dreg:$0x4] =	wrdreg $0xC0  }
0xab: {  	_ =	task [dreg:s6], $0x5FFFF  }
0xac: {  	[dreg:$0x1] =	wrdreg $0xFFFFFFFF  }
0xad: {  	[dreg:$0x0] =	wrdreg $0x60  }
0xae: {  	[dreg:$0x2] =	wrdreg s24  }
0xaf: {  	[dreg:$0x3] =	wrdreg $0x9  }
0xb0: {  	_ =	task.clear_ibuf [dreg:s6], $0x4FFFF;
	_ =	strace $0x90000046  }
0xb1: {  	s29 =	simm.s32 $0x9;
	_ =	strace $0x80000048  }
0xb2: {  	_ =	swait.ge [sflag:s29], $0x1  }
0xb3: {  	[sflag:s29] =	ssyncadd.s32 $0xFFFFFFFF  }
0xb4: {  	_ =	strace $0x90000048  }
0xb5: {  	_ =	sfence  }
0xb6: {  	s30 =	sld [smem:$0x0];
	_ =	sdelay $0x2  }
0xb7: {  	s31 =	sshll.u32 s1, $0xD;
	s1 =	sshrl.u32 s1, $0x2  }
0xb8: {  	s3 =	sand.u32 $0x4000, s31;
	s1 =	sadd.s32 s1, s30  }
0xb9: {  	s0 =	sor.u32 s3, s0;
	s1 =	sshll.u32 s1, $0x11  }
0xba: {  	s0 =	sor.u32 s1, s0  }
0xbb: {  	s0 =	sadd.s32 $0x8F2B, s0  }
0xbc: {  	[sflag:s0] =	ssyncadd.remote.s32 $0x1  }
0xbd: {  	_ =	sfence.sel $0xFFFF  }
0xbe: {  	[dreg:$0x0] =	wrdreg $0xFFFFFFFF;
	(pc) =	sbr.abs _section_cstart, $3  }
0xbf: {  	[dreg:$0x1] =	wrdreg $0xFFFFFFFF  }
0xc0: {  	_ =	task.clear_ibuf [dreg:s6], $0x2FFFF;
	_ =	strace $0x9FFFFFFF  }
0xc1: {  	(tm) =	ssettm $0x7FFFFFFF  }
tec
execute0_lowered:
.L_overlay_start_1:
0x0: {  	(tag) =	ssettag $0x1  }
0x1: {  	s0 =	srdreg.scid;
	s4 =	rddreg [dreg:$0x0]  }
0x2: {  	s2 =	simm.s32 $0x0;
	s9 =	simm.s32 $0x400;
	s3 =	sand.u32 $0x1, s0  }
0x3: {  	s10 =	simm.s32 $0x0;
	s0 =	stileid.u32;
	s1 =	sshll.u32 s3, $0x4  }
0x4: {  	[smem:$0x7FF] =	sst s2;
	s7 =	smul.u32 $0x4F00, s3;
	s5 =	sor.u32 s0, s1  }
0x5: {  	s6 =	sshll.u32 s0, $0x7;
	s8 =	smul.u32 $0x4F0, s0;
	s5 =	sshrl.u32 s5, $0x3  }
0x6: {  	s3 =	ssub.s32 $0x2, s3;
	s1 =	rddreg [dreg:$0x1];
	s5 =	smul.u32 $0x14000, s5  }
0x7: {  	_ =	strace $0x80000047;
	s6 =	sand.u32 $0x380, s6;
	s29 =	sshrl.u32 s3, $0x1  }
0x8: {  	s7 =	sadd.s32 s7, s4;
	s30 =	ssub.s32 s3, s29;
	s5 =	sor.u32 s6, s5  }
0x9: {  	s31 =	sadd.s32 s8, s7;
	s7 =	simm.s32 $0x1;
	s5 =	sshrl.u32 s5, $0x3  }
0xa: {  	s8 =	simm.s32 $0x80;
	s6 =	simm.s32 $0x2800;
	s4 =	sadd.s32 s5, s4  }
0xb: {  	v0 =	vimm.f32 $0.0e+00;
	v1 =	vimm.f32 $1.000000000e+00;
	s5 =	sadd.s32 $0x3C00, s31;
	s3 =	sadd.s32 $0xDA00, s4;
	s4 =	smax.u32 s30, $0x1  }
.LBB2_1:
0xc: {  	s11 =	simm.s32 $0x0  }
.LBB2_2:
0xd: {  	p0 =	sne.s32 s11, $0x9FC0  }
.Ltmp0:
0xe: {  	_ = 	snop;
	(pc) =	sbr.rel @p0 .LBB2_2-.Ltmp0, $3  }
0xf: {  	_ =	sdelay $0x1  }
0x10: {  	s12 =	sshra.s32 s11, $0x2  }
0x11: {  	s11 =	sadd.s32 $0x40, s11;
	[tilespmem:s12+$0x0] =	vst v0  }
0x12: {  	s11 =	simm.s32 $0x0  }
.LBB2_4:
0x13: {  	s12 =	sadd.s32 s11, s5  }
0x14: {  	[tilespmem:s6], [sflag:$0x1] =	stream.linear.gather [hbm4b:s12+s2], $0x80, $0x38;
	[tilespmem:$0x2880] =	vst v63  }
0x15: {  	_ =	swait.ge [sflag:s7], $0x80  }
0x16: {  	[sflag:s7] =	ssyncset.done $0x0  }
0x17: {  	[sflag:s7] =	ssyncadd.s32 $0xFFFFFF80  }
0x18: {  	v2 =	vld [tilespmem:$0x2800];
	_ =	sdelay $0x7  }
0x19: {  	[tilespmem:v2+s2+$0x0] =	vst.idx.add.f32.msk $0xffff, v1  }
0x1a: {  	v2 =	vld [tilespmem:$0x2810];
	_ =	sdelay $0x7  }
0x1b: {  	[tilespmem:v2+s2+$0x0] =	vst.idx.add.f32.msk $0xffff, v1  }
0x1c: {  	v2 =	vld [tilespmem:$0x2820];
	_ =	sdelay $0x7  }
0x1d: {  	[tilespmem:v2+s2+$0x0] =	vst.idx.add.f32.msk $0xffff, v1  }
0x1e: {  	v2 =	vld [tilespmem:$0x2830];
	_ =	sdelay $0x7  }
0x1f: {  	[tilespmem:v2+s2+$0x0] =	vst.idx.add.f32.msk $0xffff, v1  }
0x20: {  	v2 =	vld [tilespmem:$0x2840];
	_ =	sdelay $0x7  }
0x21: {  	[tilespmem:v2+s2+$0x0] =	vst.idx.add.f32.msk $0xffff, v1  }
0x22: {  	v2 =	vld [tilespmem:$0x2850];
	_ =	sdelay $0x7  }
0x23: {  	[tilespmem:v2+s2+$0x0] =	vst.idx.add.f32.msk $0xffff, v1  }
0x24: {  	v2 =	vld [tilespmem:$0x2860];
	_ =	sdelay $0x7  }
0x25: {  	[tilespmem:v2+s2+$0x0] =	vst.idx.add.f32.msk $0xffff, v1  }
0x26: {  	v2 =	vld [tilespmem:$0x2870];
	_ =	sdelay $0x2  }
0x27: {  	p0 =	sne.s32 s11, $0x4E0  }
.Ltmp1:
0x28: {  	_ = 	snop;
	(pc) =	sbr.rel @p0 .LBB2_4-.Ltmp1, $2  }
0x29: {  	_ =	sdelay $0x2  }
0x2a: {  	s11 =	sadd.s32 $0x10, s11;
	[tilespmem:v2+s2+$0x0] =	vst.idx.add.f32.msk $0xffff, v1  }
0x2b: {  	s10 =	sadd.s32 $0x1, s10  }
0x2c: {  	p0 =	sne.s32 s10, s4  }
.Ltmp2:
0x2d: {  	_ = 	snop;
	(pc) =	sbr.rel @p0 .LBB2_1-.Ltmp2, $4  }
0x2e: {  	[hbm4b:s3+s8] =	stream.strided.scatter [tilespmem:s2], [sflag:$0x1], $0x2800, s9, s8, $0x38;
	[tilespmem:$0x2880] =	vst v63  }
0x2f: {  	_ =	swait.ge [sflag:s7], $0x2800  }
0x30: {  	[sflag:s7] =	ssyncset.done $0x0  }
0x31: {  	[sflag:s7] =	ssyncadd.s32 $0xFFFFD800  }
0x32: {  	_ =	sfence.sel $0x180000  }
0x33: {  	[bflag:$0x0] =	sbarrier.arrive $0xFFFF  }
0x34: {  	p0 =	sne.s32 s0, $0x0;
	_ =	strace $0x90000047  }
0x35: {  	s0 =	sadd.s32 @!p0 $0x100000, s1;
	[bflag:$0x2] =	sbarrier.arrive $0xFFFF  }
0x36: {  	[sflag:s0] =	ssyncadd.tile.s32 @!p0 $0x1;
	_ =	shalt  }
.Lfunc_end2:
_tile_overlayer_lowered:
.L_overlay_start_2:
0x37: {  	(tag) =	ssettag $0x2  }
0x38: {  	s0 =	rddreg [dreg:$0x0];
	s2 =	stileid.u32  }
0x39: {  	s1 =	rddreg [dreg:$0x1];
	p0 =	sne.s32 s2, $0x0  }
0x3a: {  	s3 =	rddreg [dreg:$0x2];
	[bflag:$0x3] =	sbarrier.arrive $0xFFFF;
	s2 =	simm.s32 @!p0 $0x1C01  }
0x3b: {  	[timem:s3], [sflag:s2] =	dma.local @!p0 [hbm:s0], s1  }
0x3c: {  	s0 =	simm.s32 @!p0 $0x1  }
0x3d: {  	_ =	swait.ge @!p0 [sflag:s0], s1  }
0x3e: {  	s1 =	ssub.s32 @!p0 $0x0, s1;
	[sflag:s0] =	ssyncset.done @!p0 $0x0  }
0x3f: {  	[sflag:s0] =	ssyncadd.s32 @!p0 s1  }
0x40: {  	[bflag:$0x3] =	sbarrier.arrive $0xFFFF  }
0x41: {  	_ =	shalt  }

// kernel: kernel.15.cloned.1.call-start
scs
__scs_entry_jumppad:
0x0: {  	(pc) =	sbr.rel $0x88, $3  }
0x1: {  	(tag) =	ssettag $0x0;
	lr =	simm.s32 $0x1  }
0x2: {  	[smem:$0x3F91] =	sst lr;
	_ =	strace $0xD0000000  }
0x3: {  	_ = 	snop  }
0x4: {  	_ = 	snop  }
0x5: {  	_ = 	snop  }
0x6: {  	_ = 	snop  }
0x7: {  	_ = 	snop  }
__scs_overlays_trampoline_lowered:
0x8: {  	[smem:$0x3FA0] =	sst s0  }
0x9: {  	[smem:$0x3FA1] =	sst s1  }
0xa: {  	[smem:$0x3FA2] =	sst s2  }
0xb: {  	[smem:$0x3FA3] =	sst s3  }
0xc: {  	[smem:$0x3FA4] =	sst s4  }
0xd: {  	[smem:$0x3FA5] =	sst s5  }
0xe: {  	[smem:$0x3FA6] =	sst s6  }
0xf: {  	[smem:$0x3FA7] =	sst s7  }
0x10: {  	[smem:$0x3FA8] =	sst s8  }
0x11: {  	[smem:$0x3FA9] =	sst s9;
	s0 =	simm.s32 @!p0 $0x0  }
0x12: {  	s1 =	sld [smem:$0x3F8F];
	s0 =	simm.s32 @p0 $0x1  }
0x13: {  	[smem:$0x3FAA] =	sst s0;
	s0 =	simm.s32 @!p1 $0x0  }
0x14: {  	s2 =	sld [smem:$0x3F8E];
	s0 =	simm.s32 @p1 $0x1  }
0x15: {  	[smem:$0x3FAB] =	sst s0;
	s0 =	simm.s32 @!p2 $0x0  }
0x16: {  	s3 =	sld [smem:$0x3FDB];
	s0 =	simm.s32 @p2 $0x1  }
0x17: {  	s4 =	simm.s32 $0x1BF5;
	[smem:$0x3FAD] =	sst s0  }
0x18: {  	s0 =	sld [smem:$0x3F90];
	_ =	swait.ge [sflag:s4], $0x0  }
0x19: {  	s7 =	sld [smem:$0x3F91]  }
0x1a: {  	s8 =	sadd.s32 $0xFFFFE003, lr  }
0x1b: {  	s9 =	sadd.s32 $0xFFFFFEF7, lr;
	s5 =	simm.s32 $0xFFFFFFFF;
	p2 =	slt.u32 s8, $0xFFFFF086  }
0x1c: {  	p1 =	slt.u32 s9, $0xF7A;
	s5 =	simm.s32 @!p2 $0x0  }
0x1d: {  	s5 =	simm.s32 @p1 $0x1;
	p0 =	seq.s32 s7, s2  }
0x1e: {  	s7 =	smul.u32 @!p0 $0xF7A, s2;
	p2 =	seq.s32 @!p0 s5, $0x0  }
0x1f: {  	s9 =	smul.u32 $0xF7A, s1;
	s8 =	simm.s32 @!p0 $0x1BF5;
	p2 =	por !p2, p0  }
0x20: {  	[sflag:s8] =	ssyncset.s32 @!p0 $0xFFFFF086;
	s6 =	sadd.s32 @!p0 s3, s7;
	s7 =	simm.s32 @!p0 $0x108  }
0x21: {  	s3 =	sadd.s32 s3, s9;
	s6 =	sadd.s32 @!p0 $0x88, s6;
	s7 =	simm.s32 @p2 $0x1082  }
0x22: {  	[simem:s7], [sflag:s8] =	dma.local @!p0 [hbm:s6], $0xF7A  }
0x23: {  	s9 =	sor.u32 $0xD0000000, s2;
	s6 =	simm.s32 $0x108;
	_ =	swait.ge @!p0 [sflag:s8], $0x0  }
0x24: {  	s3 =	sadd.s32 $0x88, s3;
	s6 =	simm.s32 @!p1 $0x1082;
	[sflag:s4] =	ssyncset.s32 $0xFFFFF086  }
0x25: {  	[simem:s6], [sflag:s4] =	dma.local [hbm:s3], $0xF7A  }
0x26: {  	[smem:$0x3F91] =	sst s1;
	(tag) =	ssettag s2;
	_ =	strace s9  }
0x27: {  	s1 =	sld [smem:$0x3FA1]  }
0x28: {  	s2 =	sld [smem:$0x3FA2]  }
0x29: {  	s4 =	sld [smem:$0x3FA4]  }
0x2a: {  	p0 =	seq.s32 s5, $0x0;
	s5 =	sld [smem:$0x3FA5]  }
0x2b: {  	s6 =	sld [smem:$0x3FA6]  }
0x2c: {  	s7 =	sld [smem:$0x3FA7]  }
0x2d: {  	s3 =	simm.s32 $0x108;
	s8 =	sld [smem:$0x3FA8]  }
0x2e: {  	s3 =	simm.s32 @!p0 $0x1082;
	s9 =	sld [smem:$0x3FA9]  }
0x2f: {  	lr =	sadd.s32 s0, s3;
	s0 =	sld [smem:$0x3FA0]  }
0x30: {  	s3 =	sld [smem:$0x3FA3]  }
0x31: {  	[smem:$0x3FAC] =	sst s10  }
0x32: {  	s10 =	sld [smem:$0x3FAA];
	_ =	sdelay $0x3  }
0x33: {  	p0 =	seq.s32 s10, $0x1;
	s10 =	sld [smem:$0x3FAC];
	_ =	sdelay $0x3  }
0x34: {  	[smem:$0x3FAC] =	sst s10  }
0x35: {  	s10 =	sld [smem:$0x3FAB];
	_ =	sdelay $0x3  }
0x36: {  	p1 =	seq.s32 s10, $0x1;
	s10 =	sld [smem:$0x3FAC];
	_ =	sdelay $0x3  }
0x37: {  	[smem:$0x3FAC] =	sst s10  }
0x38: {  	s10 =	sld [smem:$0x3FAD]  }
0x39: {  	_ = 	snop;
	(pc) =	sbr.ind lr, $3  }
0x3a: {  	_ = 	snop  }
0x3b: {  	_ = 	snop  }
0x3c: {  	p2 =	seq.s32 s10, $0x1;
	s10 =	sld [smem:$0x3FAC]  }
0x3d: {  	_ =	shalt  }
0x3e: {  	_ =	shalt  }
0x3f: {  	_ =	shalt  }
0x40: {  	_ =	shalt  }
0x41: {  	_ =	shalt  }
0x42: {  	_ =	shalt  }
0x43: {  	_ =	shalt  }
0x44: {  	_ =	shalt  }
0x45: {  	_ =	shalt  }
0x46: {  	_ =	shalt  }
0x47: {  	_ =	shalt  }
0x48: {  	_ =	shalt  }
0x49: {  	_ =	shalt  }
0x4a: {  	_ =	shalt  }
0x4b: {  	_ =	shalt  }
0x4c: {  	_ =	shalt  }
0x4d: {  	_ =	shalt  }
0x4e: {  	_ =	shalt  }
0x4f: {  	_ =	shalt  }
0x50: {  	_ =	shalt  }
0x51: {  	_ =	shalt  }
0x52: {  	_ =	shalt  }
0x53: {  	_ =	shalt  }
0x54: {  	_ =	shalt  }
0x55: {  	_ =	shalt  }
0x56: {  	_ =	shalt  }
0x57: {  	_ =	shalt  }
0x58: {  	_ =	shalt  }
0x59: {  	_ =	shalt  }
0x5a: {  	_ =	shalt  }
0x5b: {  	_ =	shalt  }
0x5c: {  	_ =	shalt  }
0x5d: {  	_ =	shalt  }
0x5e: {  	_ =	shalt  }
0x5f: {  	_ =	shalt  }
0x60: {  	_ =	shalt  }
0x61: {  	_ =	shalt  }
0x62: {  	_ =	shalt  }
0x63: {  	_ =	shalt  }
0x64: {  	_ =	shalt  }
0x65: {  	_ =	shalt  }
0x66: {  	_ =	shalt  }
0x67: {  	_ =	shalt  }
0x68: {  	_ =	shalt  }
0x69: {  	_ =	shalt  }
0x6a: {  	_ =	shalt  }
0x6b: {  	_ =	shalt  }
0x6c: {  	_ =	shalt  }
0x6d: {  	_ =	shalt  }
0x6e: {  	_ =	shalt  }
0x6f: {  	_ =	shalt  }
0x70: {  	_ =	shalt  }
0x71: {  	_ =	shalt  }
0x72: {  	_ =	shalt  }
0x73: {  	_ =	shalt  }
0x74: {  	_ =	shalt  }
0x75: {  	_ =	shalt  }
0x76: {  	_ =	shalt  }
0x77: {  	_ =	shalt  }
0x78: {  	_ =	shalt  }
0x79: {  	_ =	shalt  }
0x7a: {  	_ =	shalt  }
0x7b: {  	_ =	shalt  }
0x7c: {  	_ =	shalt  }
0x7d: {  	_ =	shalt  }
0x7e: {  	_ =	shalt  }
0x7f: {  	_ =	shalt  }
0x80: {  	_ =	shalt  }
0x81: {  	_ =	shalt  }
0x82: {  	_ =	shalt  }
0x83: {  	_ =	shalt  }
0x84: {  	_ =	shalt  }
0x85: {  	_ =	shalt  }
0x86: {  	_ =	shalt  }
0x87: {  	_ =	shalt  }
.Lfunc_end0:
.L_simem_size_0:
called_computation.1_lowered:
.L_overlay_start_0:
0x88: {  	s2 =	sld [smem:$0x3FD9]  }
0x89: {  	s3 =	sld [smem:$0x3FFE];
	_ =	sdelay $0x1  }
0x8a: {  	s1 =	srdreg.scid  }
0x8b: {  	s0 =	sand.u32 $0x1, s1  }
0x8c: {  	s16 =	sshll.u32 s0, $0xA;
	s2 =	sadd.s32 s3, s2  }
0x8d: {  	s2 =	sadd.s32 s2, s16  }
0x8e: {  	[smem:$0x3FB8] =	sst s2  }
0x8f: {  	_ = 	snop  }
0x90: {  	(tm) =	ssettm $0x1  }
0x91: {  	s17 =	sld [smem:$0x3FFB];
	_ =	sdelay $0x3  }
0x92: {  	_ =	strace s17  }
0x93: {  	s2 =	sld [smem:$0x3FFC];
	_ =	sdelay $0x3  }
0x94: {  	_ =	strace s2  }
0x95: {  	s2 =	sld [smem:$0x3FFD];
	_ =	sdelay $0x3  }
0x96: {  	_ =	strace s2  }
0x97: {  	_ =	strace $0x8FFFFFFF  }
0x98: {  	s18 =	sld [smem:$0x3FDB];
	_ =	sdelay $0x1  }
0x99: {  	s19 =	simm.s32 $_scs_section_size  }
0x9a: {  	s4 =	simm.s32 $_size__tile_overlayer_lowered;
	s5 =	simm.s32 $_tile_overlayer_lowered  }
0x9b: {  	s22 =	simm.s32 $0x1BFF;
	s21 =	sshll.u32 s5, $0x1;
	s2 =	sadd.s32 s19, s18  }
0x9c: {  	s6 =	simm.s32 $0x0;
	s20 =	sshll.u32 s4, $0x1;
	s4 =	sadd.s32 s21, s2  }
0x9d: {  	[timem:s6], [sflag:s22] =	dma.local [hbm:s4], s20  }
0x9e: {  	_ =	swait.ge [sflag:s22], s20  }
0x9f: {  	s3 =	ssub.s32 $0x0, s20;
	[sflag:s22] =	ssyncset.done $0x0  }
0xa0: {  	[sflag:s22] =	ssyncadd.s32 s3;
	_ =	sdelay $0x1  }
0xa1: {  	s23 =	simm.s32 $0x1B8B  }
0xa2: {  	_ =	swait.ge [sflag:s23], $0x1  }
0xa3: {  	[sflag:s23] =	ssyncset.done $0x0  }
0xa4: {  	s25 =	simm.s32 $0x1B8E;
	s24 =	sld [smem:$0x3FFE];
	[sflag:s23] =	ssyncadd.s32 $0xFFFFFFFF  }
0xa5: {  	s26 =	simm.s32 $execute0_lowered;
	[smem:$0x3FD2] =	sst s25  }
0xa6: {  	s4 =	sshll.u32 s26, $0x1;
	_ =	strace $0x80000049;
	[dreg:$0x1] =	wrdreg $0xFFFFFFFF  }
0xa7: {  	s28 =	simm.s32 $_size_execute0_lowered;
	s2 =	sadd.s32 s2, s4;
	[dreg:$0x0] =	wrdreg $0x0  }
0xa8: {  	s4 =	sshll.u32 s28, $0x1;
	[dreg:$0x2] =	wrdreg s2  }
0xa9: {  	[dreg:$0x3] =	wrdreg s4  }
0xaa: {  	[dreg:$0x4] =	wrdreg $0xC0  }
0xab: {  	_ =	task [dreg:s6], $0x5FFFF  }
0xac: {  	[dreg:$0x1] =	wrdreg $0xFFFFFFFF  }
0xad: {  	[dreg:$0x0] =	wrdreg $0x60  }
0xae: {  	[dreg:$0x2] =	wrdreg s24  }
0xaf: {  	[dreg:$0x3] =	wrdreg $0x41000  }
0xb0: {  	[dreg:$0x4] =	wrdreg $0x9  }
0xb1: {  	_ =	task.clear_ibuf [dreg:s6], $0x5FFFF;
	_ =	strace $0x90000049  }
0xb2: {  	s29 =	simm.s32 $0x9;
	_ =	strace $0x8000004B  }
0xb3: {  	_ =	swait.ge [sflag:s29], $0x1  }
0xb4: {  	[sflag:s29] =	ssyncadd.s32 $0xFFFFFFFF  }
0xb5: {  	_ =	strace $0x9000004B  }
0xb6: {  	_ =	sfence  }
0xb7: {  	s30 =	sld [smem:$0x0];
	_ =	sdelay $0x2  }
0xb8: {  	s31 =	sshll.u32 s1, $0xD;
	s1 =	sshrl.u32 s1, $0x2  }
0xb9: {  	s3 =	sand.u32 $0x4000, s31;
	s1 =	sadd.s32 s1, s30  }
0xba: {  	s0 =	sor.u32 s3, s0;
	s1 =	sshll.u32 s1, $0x11  }
0xbb: {  	s0 =	sor.u32 s1, s0  }
0xbc: {  	s0 =	sadd.s32 $0x8F2B, s0  }
0xbd: {  	[sflag:s0] =	ssyncadd.remote.s32 $0x1  }
0xbe: {  	_ =	sfence.sel $0xFFFF  }
0xbf: {  	[dreg:$0x0] =	wrdreg $0xFFFFFFFF;
	(pc) =	sbr.abs _section_cstart, $3  }
0xc0: {  	[dreg:$0x1] =	wrdreg $0xFFFFFFFF  }
0xc1: {  	_ =	task.clear_ibuf [dreg:s6], $0x2FFFF;
	_ =	strace $0x9FFFFFFF  }
0xc2: {  	(tm) =	ssettm $0x7FFFFFFF  }
0xc3: {  	_ =	shalt  }
tec
execute0_lowered:
.L_overlay_start_1:
0x0: {  	(tag) =	ssettag $0x1  }
0x1: {  	s5 =	rddreg [dreg:$0x0];
	s0 =	srdreg.scid  }
0x2: {  	s2 =	rddreg [dreg:$0x1];
	s1 =	stileid.u32  }
0x3: {  	s3 =	simm.s32 $0x0;
	s13 =	simm.s32 $0x80;
	s8 =	smul.u32 $0x14000, s1  }
0x4: {  	s14 =	simm.s32 $0x100;
	s15 =	simm.s32 $0x1;
	s26 =	smul.u32 $0x50000, s1  }
0x5: {  	s6 =	sand.u32 $0x1, s0;
	s0 =	rddreg [dreg:$0x2];
	s30 =	smul.u32 $0x4F0, s1  }
0x6: {  	s16 =	simm.s32 $0x0;
	[smem:$0x7FF] =	sst s3;
	s7 =	smul.u32 $0x4F00, s6  }
0x7: {  	s4 =	sadd.s32 $0x21800, s5;
	s31 =	sshll.u32 s1, $0x6;
	s9 =	smul.u32 $0x140000, s6  }
0x8: {  	_ =	strace $0x8000004A;
	s6 =	ssub.s32 $0x2, s6;
	s25 =	sshrl.u32 s8, $0x3  }
0x9: {  	s28 =	sshrl.u32 s6, $0x1;
	s29 =	sshrl.u32 s26, $0x2;
	s10 =	sadd.s32 s7, s5  }
0xa: {  	s8 =	sadd.s32 s8, s9;
	s7 =	sadd.s32 s25, s5;
	s11 =	ssub.s32 s6, s28  }
0xb: {  	s12 =	sadd.s32 s29, s2;
	s6 =	sor.u32 $0x1C02, s31;
	s8 =	sshrl.u32 s8, $0x3  }
0xc: {  	s10 =	sadd.s32 s30, s10;
	s8 =	sadd.s32 s8, s5;
	s5 =	sadd.s32 $0x49800, s7  }
0xd: {  	s9 =	sadd.s32 $0x3C00, s10;
	s10 =	sadd.s32 $0x17A00, s10;
	s7 =	sadd.s32 $0x71800, s8  }
0xe: {  	s8 =	smax.u32 s11, $0x1;
	s11 =	sshrl.u32 s12, $0x3;
	s12 =	simm.s32 $0x2  }
.LBB2_1:
0xf: {  	[spmem:s11], [sflag:s6] =	dma.local [hbm:s5], $0x2800  }
0x10: {  	_ =	swait.ge [sflag:s12], $0x2800  }
0x11: {  	[sflag:s12] =	ssyncset.done $0x0  }
0x12: {  	[sflag:s12] =	ssyncadd.s32 $0xFFFFD800  }
0x13: {  	s17 =	sadd.s32 $0x0, s10;
	[bflag:$0x0] =	sbarrier.arrive $0xFFFF  }
0x14: {  	[tilespmem:s3], [sflag:$0x2] =	stream.linear.gather [hbm4b:s17+s3], $0x80, $0x38;
	[tilespmem:$0x18100] =	vst v63  }
0x15: {  	_ =	swait.ge [sflag:s12], $0x80  }
0x16: {  	[sflag:s12] =	ssyncset.done $0x0  }
0x17: {  	s31 =	sadd.s32 $0x0, s9;
	[sflag:s12] =	ssyncadd.s32 $0xFFFFFF80  }
0x18: {  	[tilespmem:s13], [sflag:$0x2] =	stream.linear.gather [hbm4b:s31+s3], $0x80, $0x38;
	[tilespmem:$0x18100] =	vst v63  }
0x19: {  	_ =	swait.ge [sflag:s12], $0x80  }
0x1a: {  	[sflag:s12] =	ssyncset.done $0x0  }
0x1b: {  	[sflag:s12] =	ssyncadd.s32 $0xFFFFFF80  }
0x1c: {  	[tilespmem:s14], [sflag:$0x1] =	stream.indirect.gather [hbm4b:s4+s13], $0x80, s3, s13, $0xb8;
	[tilespmem:$0x18100] =	vst v63  }
0x1d: {  	_ =	swait.ge [sflag:s15], $0x4000  }
0x1e: {  	[sflag:s15] =	ssyncset.done $0x0  }
0x1f: {  	[sflag:s15] =	ssyncadd.s32 $0xFFFFC000  }
0x20: {  	[spmem:s2] =	stream.indirect.scatter.add.f32 [tilespmem:s14], [sflag:$0x2], $0x80, s13, s13, $0xb8;
	[tilespmem:$0x18100] =	vst v63  }
0x21: {  	_ =	swait.ge [sflag:s12], $0x4000  }
0x22: {  	s18 =	simm.s32 $0x20;
	s17 =	simm.s32 $0x10;
	[sflag:s12] =	ssyncset.done $0x0  }
.LBB2_2:
0x23: {  	s19 =	sadd.s32 s17, s10  }
0x24: {  	[sflag:s12] =	ssyncadd.s32 $0xFFFFC000;
	s20 =	smov.u32 s18;
	s21 =	sadd.s32 $0x10, s18  }
0x25: {  	[tilespmem:s3], [sflag:$0x2] =	stream.linear.gather [hbm4b:s19+s3], $0x80, $0x38;
	[tilespmem:$0x18100] =	vst v63  }
0x26: {  	p0 =	sne.s32 s18, $0x4E0;
	_ =	swait.ge [sflag:s12], $0x80  }
0x27: {  	[sflag:s12] =	ssyncset.done $0x0  }
0x28: {  	s18 =	sadd.s32 s17, s9;
	s17 =	smov.u32 s20;
	[sflag:s12] =	ssyncadd.s32 $0xFFFFFF80  }
0x29: {  	[tilespmem:s13], [sflag:$0x2] =	stream.linear.gather [hbm4b:s18+s3], $0x80, $0x38;
	[tilespmem:$0x18100] =	vst v63  }
0x2a: {  	_ =	swait.ge [sflag:s12], $0x80  }
0x2b: {  	[sflag:s12] =	ssyncset.done $0x0  }
0x2c: {  	[sflag:s12] =	ssyncadd.s32 $0xFFFFFF80  }
0x2d: {  	[tilespmem:s14], [sflag:$0x1] =	stream.indirect.gather [hbm4b:s4+s13], $0x80, s3, s13, $0xb8;
	[tilespmem:$0x18100] =	vst v63  }
0x2e: {  	_ =	swait.ge [sflag:s15], $0x4000  }
.Ltmp0:
0x2f: {  	[sflag:s15] =	ssyncset.done $0x0;
	(pc) =	sbr.rel @p0 .LBB2_2-.Ltmp0, $4  }
0x30: {  	[sflag:s15] =	ssyncadd.s32 $0xFFFFC000  }
0x31: {  	[spmem:s2] =	stream.indirect.scatter.add.f32 [tilespmem:s14], [sflag:$0x2], $0x80, s13, s13, $0xb8;
	[tilespmem:$0x18100] =	vst v63  }
0x32: {  	_ =	swait.ge [sflag:s12], $0x4000  }
0x33: {  	s18 =	smov.u32 s21;
	[sflag:s12] =	ssyncset.done $0x0  }
0x34: {  	s18 =	sadd.s32 s17, s10;
	[sflag:s12] =	ssyncadd.s32 $0xFFFFC000  }
0x35: {  	[tilespmem:s3], [sflag:$0x2] =	stream.linear.gather [hbm4b:s18+s3], $0x80, $0x38;
	[tilespmem:$0x18100] =	vst v63  }
0x36: {  	_ =	swait.ge [sflag:s12], $0x80  }
0x37: {  	[sflag:s12] =	ssyncset.done $0x0  }
0x38: {  	s31 =	sadd.s32 s17, s9;
	[sflag:s12] =	ssyncadd.s32 $0xFFFFFF80  }
0x39: {  	[tilespmem:s13], [sflag:$0x2] =	stream.linear.gather [hbm4b:s31+s3], $0x80, $0x38;
	[tilespmem:$0x18100] =	vst v63  }
0x3a: {  	_ =	swait.ge [sflag:s12], $0x80  }
0x3b: {  	[sflag:s12] =	ssyncset.done $0x0  }
0x3c: {  	[sflag:s12] =	ssyncadd.s32 $0xFFFFFF80  }
0x3d: {  	[tilespmem:s14], [sflag:$0x1] =	stream.indirect.gather [hbm4b:s4+s13], $0x80, s3, s13, $0xb8;
	[tilespmem:$0x18100] =	vst v63  }
0x3e: {  	_ =	swait.ge [sflag:s15], $0x4000  }
0x3f: {  	[sflag:s15] =	ssyncset.done $0x0  }
0x40: {  	[sflag:s15] =	ssyncadd.s32 $0xFFFFC000  }
0x41: {  	[spmem:s2] =	stream.indirect.scatter.add.f32 [tilespmem:s14], [sflag:$0x2], $0x80, s13, s13, $0xb8;
	[tilespmem:$0x18100] =	vst v63  }
0x42: {  	_ =	swait.ge [sflag:s12], $0x4000  }
0x43: {  	s16 =	sadd.s32 $0x1, s16;
	[sflag:s12] =	ssyncset.done $0x0  }
0x44: {  	p0 =	sne.s32 s16, s8;
	[sflag:s12] =	ssyncadd.s32 $0xFFFFC000  }
.Ltmp1:
0x45: {  	[bflag:$0x0] =	sbarrier.arrive $0xFFFF;
	(pc) =	sbr.rel @p0 .LBB2_1-.Ltmp1, $4  }
0x46: {  	[hbm:s7], [sflag:s6] =	dma.local [spmem:s11], $0x2800  }
0x47: {  	_ =	swait.ge [sflag:s12], $0x2800  }
0x48: {  	[sflag:s12] =	ssyncset.done $0x0  }
0x49: {  	[sflag:s12] =	ssyncadd.s32 $0xFFFFD800  }
0x4a: {  	_ =	sfence.sel $0x180000  }
0x4b: {  	[bflag:$0x0] =	sbarrier.arrive $0xFFFF  }
0x4c: {  	p0 =	sne.s32 s1, $0x0;
	_ =	strace $0x9000004A  }
0x4d: {  	s0 =	sadd.s32 @!p0 $0x100000, s0;
	[bflag:$0x2] =	sbarrier.arrive $0xFFFF  }
0x4e: {  	[sflag:s0] =	ssyncadd.tile.s32 @!p0 $0x1;
	_ =	shalt  }
.Lfunc_end2:
_tile_overlayer_lowered:
.L_overlay_start_2:
0x4f: {  	(tag) =	ssettag $0x2  }
0x50: {  	s0 =	rddreg [dreg:$0x0];
	s2 =	stileid.u32  }
0x51: {  	s1 =	rddreg [dreg:$0x1];
	p0 =	sne.s32 s2, $0x0  }
0x52: {  	s3 =	rddreg [dreg:$0x2];
	[bflag:$0x3] =	sbarrier.arrive $0xFFFF;
	s2 =	simm.s32 @!p0 $0x1C02  }
0x53: {  	[timem:s3], [sflag:s2] =	dma.local @!p0 [hbm:s0], s1  }
0x54: {  	s0 =	simm.s32 @!p0 $0x2  }
0x55: {  	_ =	swait.ge @!p0 [sflag:s0], s1  }
0x56: {  	s1 =	ssub.s32 @!p0 $0x0, s1;
	[sflag:s0] =	ssyncset.done @!p0 $0x0  }
0x57: {  	[sflag:s0] =	ssyncadd.s32 @!p0 s1  }
0x58: {  	[bflag:$0x3] =	sbarrier.arrive $0xFFFF  }
0x59: {  	_ =	shalt  }

// kernel: kernel.18.cloned.1.call-start
scs
__scs_entry_jumppad:
0x0: {  	(pc) =	sbr.rel $0x88, $3  }
0x1: {  	(tag) =	ssettag $0x0;
	lr =	simm.s32 $0x1  }
0x2: {  	[smem:$0x3F91] =	sst lr;
	_ =	strace $0xD0000000  }
0x3: {  	_ = 	snop  }
0x4: {  	_ = 	snop  }
0x5: {  	_ = 	snop  }
0x6: {  	_ = 	snop  }
0x7: {  	_ = 	snop  }
__scs_overlays_trampoline_lowered:
0x8: {  	[smem:$0x3FA0] =	sst s0  }
0x9: {  	[smem:$0x3FA1] =	sst s1  }
0xa: {  	[smem:$0x3FA2] =	sst s2  }
0xb: {  	[smem:$0x3FA3] =	sst s3  }
0xc: {  	[smem:$0x3FA4] =	sst s4  }
0xd: {  	[smem:$0x3FA5] =	sst s5  }
0xe: {  	[smem:$0x3FA6] =	sst s6  }
0xf: {  	[smem:$0x3FA7] =	sst s7  }
0x10: {  	[smem:$0x3FA8] =	sst s8  }
0x11: {  	[smem:$0x3FA9] =	sst s9;
	s0 =	simm.s32 @!p0 $0x0  }
0x12: {  	s1 =	sld [smem:$0x3F8F];
	s0 =	simm.s32 @p0 $0x1  }
0x13: {  	[smem:$0x3FAA] =	sst s0;
	s0 =	simm.s32 @!p1 $0x0  }
0x14: {  	s2 =	sld [smem:$0x3F8E];
	s0 =	simm.s32 @p1 $0x1  }
0x15: {  	[smem:$0x3FAB] =	sst s0;
	s0 =	simm.s32 @!p2 $0x0  }
0x16: {  	s3 =	sld [smem:$0x3FDB];
	s0 =	simm.s32 @p2 $0x1  }
0x17: {  	s4 =	simm.s32 $0x1BF5;
	[smem:$0x3FAD] =	sst s0  }
0x18: {  	s0 =	sld [smem:$0x3F90];
	_ =	swait.ge [sflag:s4], $0x0  }
0x19: {  	s7 =	sld [smem:$0x3F91]  }
0x1a: {  	s8 =	sadd.s32 $0xFFFFE003, lr  }
0x1b: {  	s9 =	sadd.s32 $0xFFFFFEF7, lr;
	s5 =	simm.s32 $0xFFFFFFFF;
	p2 =	slt.u32 s8, $0xFFFFF086  }
0x1c: {  	p1 =	slt.u32 s9, $0xF7A;
	s5 =	simm.s32 @!p2 $0x0  }
0x1d: {  	s5 =	simm.s32 @p1 $0x1;
	p0 =	seq.s32 s7, s2  }
0x1e: {  	s7 =	smul.u32 @!p0 $0xF7A, s2;
	p2 =	seq.s32 @!p0 s5, $0x0  }
0x1f: {  	s9 =	smul.u32 $0xF7A, s1;
	s8 =	simm.s32 @!p0 $0x1BF5;
	p2 =	por !p2, p0  }
0x20: {  	[sflag:s8] =	ssyncset.s32 @!p0 $0xFFFFF086;
	s6 =	sadd.s32 @!p0 s3, s7;
	s7 =	simm.s32 @!p0 $0x108  }
0x21: {  	s3 =	sadd.s32 s3, s9;
	s6 =	sadd.s32 @!p0 $0x88, s6;
	s7 =	simm.s32 @p2 $0x1082  }
0x22: {  	[simem:s7], [sflag:s8] =	dma.local @!p0 [hbm:s6], $0xF7A  }
0x23: {  	s9 =	sor.u32 $0xD0000000, s2;
	s6 =	simm.s32 $0x108;
	_ =	swait.ge @!p0 [sflag:s8], $0x0  }
0x24: {  	s3 =	sadd.s32 $0x88, s3;
	s6 =	simm.s32 @!p1 $0x1082;
	[sflag:s4] =	ssyncset.s32 $0xFFFFF086  }
0x25: {  	[simem:s6], [sflag:s4] =	dma.local [hbm:s3], $0xF7A  }
0x26: {  	[smem:$0x3F91] =	sst s1;
	(tag) =	ssettag s2;
	_ =	strace s9  }
0x27: {  	s1 =	sld [smem:$0x3FA1]  }
0x28: {  	s2 =	sld [smem:$0x3FA2]  }
0x29: {  	s4 =	sld [smem:$0x3FA4]  }
0x2a: {  	p0 =	seq.s32 s5, $0x0;
	s5 =	sld [smem:$0x3FA5]  }
0x2b: {  	s6 =	sld [smem:$0x3FA6]  }
0x2c: {  	s7 =	sld [smem:$0x3FA7]  }
0x2d: {  	s3 =	simm.s32 $0x108;
	s8 =	sld [smem:$0x3FA8]  }
0x2e: {  	s3 =	simm.s32 @!p0 $0x1082;
	s9 =	sld [smem:$0x3FA9]  }
0x2f: {  	lr =	sadd.s32 s0, s3;
	s0 =	sld [smem:$0x3FA0]  }
0x30: {  	s3 =	sld [smem:$0x3FA3]  }
0x31: {  	[smem:$0x3FAC] =	sst s10  }
0x32: {  	s10 =	sld [smem:$0x3FAA];
	_ =	sdelay $0x3  }
0x33: {  	p0 =	seq.s32 s10, $0x1;
	s10 =	sld [smem:$0x3FAC];
	_ =	sdelay $0x3  }
0x34: {  	[smem:$0x3FAC] =	sst s10  }
0x35: {  	s10 =	sld [smem:$0x3FAB];
	_ =	sdelay $0x3  }
0x36: {  	p1 =	seq.s32 s10, $0x1;
	s10 =	sld [smem:$0x3FAC];
	_ =	sdelay $0x3  }
0x37: {  	[smem:$0x3FAC] =	sst s10  }
0x38: {  	s10 =	sld [smem:$0x3FAD]  }
0x39: {  	_ = 	snop;
	(pc) =	sbr.ind lr, $3  }
0x3a: {  	_ = 	snop  }
0x3b: {  	_ = 	snop  }
0x3c: {  	p2 =	seq.s32 s10, $0x1;
	s10 =	sld [smem:$0x3FAC]  }
0x3d: {  	_ =	shalt  }
0x3e: {  	_ =	shalt  }
0x3f: {  	_ =	shalt  }
0x40: {  	_ =	shalt  }
0x41: {  	_ =	shalt  }
0x42: {  	_ =	shalt  }
0x43: {  	_ =	shalt  }
0x44: {  	_ =	shalt  }
0x45: {  	_ =	shalt  }
0x46: {  	_ =	shalt  }
0x47: {  	_ =	shalt  }
0x48: {  	_ =	shalt  }
0x49: {  	_ =	shalt  }
0x4a: {  	_ =	shalt  }
0x4b: {  	_ =	shalt  }
0x4c: {  	_ =	shalt  }
0x4d: {  	_ =	shalt  }
0x4e: {  	_ =	shalt  }
0x4f: {  	_ =	shalt  }
0x50: {  	_ =	shalt  }
0x51: {  	_ =	shalt  }
0x52: {  	_ =	shalt  }
0x53: {  	_ =	shalt  }
0x54: {  	_ =	shalt  }
0x55: {  	_ =	shalt  }
0x56: {  	_ =	shalt  }
0x57: {  	_ =	shalt  }
0x58: {  	_ =	shalt  }
0x59: {  	_ =	shalt  }
0x5a: {  	_ =	shalt  }
0x5b: {  	_ =	shalt  }
0x5c: {  	_ =	shalt  }
0x5d: {  	_ =	shalt  }
0x5e: {  	_ =	shalt  }
0x5f: {  	_ =	shalt  }
0x60: {  	_ =	shalt  }
0x61: {  	_ =	shalt  }
0x62: {  	_ =	shalt  }
0x63: {  	_ =	shalt  }
0x64: {  	_ =	shalt  }
0x65: {  	_ =	shalt  }
0x66: {  	_ =	shalt  }
0x67: {  	_ =	shalt  }
0x68: {  	_ =	shalt  }
0x69: {  	_ =	shalt  }
0x6a: {  	_ =	shalt  }
0x6b: {  	_ =	shalt  }
0x6c: {  	_ =	shalt  }
0x6d: {  	_ =	shalt  }
0x6e: {  	_ =	shalt  }
0x6f: {  	_ =	shalt  }
0x70: {  	_ =	shalt  }
0x71: {  	_ =	shalt  }
0x72: {  	_ =	shalt  }
0x73: {  	_ =	shalt  }
0x74: {  	_ =	shalt  }
0x75: {  	_ =	shalt  }
0x76: {  	_ =	shalt  }
0x77: {  	_ =	shalt  }
0x78: {  	_ =	shalt  }
0x79: {  	_ =	shalt  }
0x7a: {  	_ =	shalt  }
0x7b: {  	_ =	shalt  }
0x7c: {  	_ =	shalt  }
0x7d: {  	_ =	shalt  }
0x7e: {  	_ =	shalt  }
0x7f: {  	_ =	shalt  }
0x80: {  	_ =	shalt  }
0x81: {  	_ =	shalt  }
0x82: {  	_ =	shalt  }
0x83: {  	_ =	shalt  }
0x84: {  	_ =	shalt  }
0x85: {  	_ =	shalt  }
0x86: {  	_ =	shalt  }
0x87: {  	_ =	shalt  }
.Lfunc_end0:
.L_simem_size_0:
called_computation.2_lowered:
.L_overlay_start_0:
0x88: {  	s2 =	sld [smem:$0x3FD9]  }
0x89: {  	s3 =	sld [smem:$0x3FFE];
	_ =	sdelay $0x1  }
0x8a: {  	s1 =	srdreg.scid  }
0x8b: {  	s0 =	sand.u32 $0x1, s1  }
0x8c: {  	s16 =	sshll.u32 s0, $0xA;
	s2 =	sadd.s32 s3, s2  }
0x8d: {  	s2 =	sadd.s32 s2, s16  }
0x8e: {  	[smem:$0x3FB8] =	sst s2  }
0x8f: {  	_ = 	snop  }
0x90: {  	(tm) =	ssettm $0x1  }
0x91: {  	s17 =	sld [smem:$0x3FFB];
	_ =	sdelay $0x3  }
0x92: {  	_ =	strace s17  }
0x93: {  	s2 =	sld [smem:$0x3FFC];
	_ =	sdelay $0x3  }
0x94: {  	_ =	strace s2  }
0x95: {  	s2 =	sld [smem:$0x3FFD];
	_ =	sdelay $0x3  }
0x96: {  	_ =	strace s2  }
0x97: {  	_ =	strace $0x8FFFFFFF  }
0x98: {  	s18 =	sld [smem:$0x3FDB];
	_ =	sdelay $0x1  }
0x99: {  	s19 =	simm.s32 $_scs_section_size  }
0x9a: {  	s4 =	simm.s32 $_size__tile_overlayer_lowered;
	s5 =	simm.s32 $_tile_overlayer_lowered  }
0x9b: {  	s22 =	simm.s32 $0x1BFF;
	s21 =	sshll.u32 s5, $0x1;
	s2 =	sadd.s32 s19, s18  }
0x9c: {  	s6 =	simm.s32 $0x0;
	s20 =	sshll.u32 s4, $0x1;
	s4 =	sadd.s32 s21, s2  }
0x9d: {  	[timem:s6], [sflag:s22] =	dma.local [hbm:s4], s20  }
0x9e: {  	_ =	swait.ge [sflag:s22], s20  }
0x9f: {  	s3 =	ssub.s32 $0x0, s20;
	[sflag:s22] =	ssyncset.done $0x0  }
0xa0: {  	[sflag:s22] =	ssyncadd.s32 s3;
	_ =	sdelay $0x1  }
0xa1: {  	s23 =	simm.s32 $0x1B8B  }
0xa2: {  	_ =	swait.ge [sflag:s23], $0x1  }
0xa3: {  	[sflag:s23] =	ssyncset.done $0x0  }
0xa4: {  	s25 =	simm.s32 $0x1B8E;
	s24 =	sld [smem:$0x3FFE];
	[sflag:s23] =	ssyncadd.s32 $0xFFFFFFFF  }
0xa5: {  	s26 =	simm.s32 $execute0_lowered;
	[smem:$0x3FD2] =	sst s25  }
0xa6: {  	s4 =	sshll.u32 s26, $0x1;
	_ =	strace $0x8000004C;
	[dreg:$0x1] =	wrdreg $0xFFFFFFFF  }
0xa7: {  	s28 =	simm.s32 $_size_execute0_lowered;
	s2 =	sadd.s32 s2, s4;
	[dreg:$0x0] =	wrdreg $0x0  }
0xa8: {  	s4 =	sshll.u32 s28, $0x1;
	[dreg:$0x2] =	wrdreg s2  }
0xa9: {  	[dreg:$0x3] =	wrdreg s4  }
0xaa: {  	[dreg:$0x4] =	wrdreg $0xC0  }
0xab: {  	_ =	task [dreg:s6], $0x5FFFF  }
0xac: {  	[dreg:$0x1] =	wrdreg $0xFFFFFFFF  }
0xad: {  	[dreg:$0x0] =	wrdreg $0x60  }
0xae: {  	[dreg:$0x2] =	wrdreg s24  }
0xaf: {  	[dreg:$0x3] =	wrdreg $0x41000  }
0xb0: {  	[dreg:$0x4] =	wrdreg $0x9  }
0xb1: {  	_ =	task.clear_ibuf [dreg:s6], $0x5FFFF;
	_ =	strace $0x9000004C  }
0xb2: {  	s29 =	simm.s32 $0x9;
	_ =	strace $0x8000004E  }
0xb3: {  	_ =	swait.ge [sflag:s29], $0x1  }
0xb4: {  	[sflag:s29] =	ssyncadd.s32 $0xFFFFFFFF  }
0xb5: {  	_ =	strace $0x9000004E  }
0xb6: {  	_ =	sfence  }
0xb7: {  	s30 =	sld [smem:$0x0];
	_ =	sdelay $0x2  }
0xb8: {  	s31 =	sshll.u32 s1, $0xD;
	s1 =	sshrl.u32 s1, $0x2  }
0xb9: {  	s3 =	sand.u32 $0x4000, s31;
	s1 =	sadd.s32 s1, s30  }
0xba: {  	s0 =	sor.u32 s3, s0;
	s1 =	sshll.u32 s1, $0x11  }
0xbb: {  	s0 =	sor.u32 s1, s0  }
0xbc: {  	s0 =	sadd.s32 $0x8F2B, s0  }
0xbd: {  	[sflag:s0] =	ssyncadd.remote.s32 $0x1  }
0xbe: {  	_ =	sfence.sel $0xFFFF  }
0xbf: {  	[dreg:$0x0] =	wrdreg $0xFFFFFFFF;
	(pc) =	sbr.abs _section_cstart, $3  }
0xc0: {  	[dreg:$0x1] =	wrdreg $0xFFFFFFFF  }
0xc1: {  	_ =	task.clear_ibuf [dreg:s6], $0x2FFFF;
	_ =	strace $0x9FFFFFFF  }
0xc2: {  	(tm) =	ssettm $0x7FFFFFFF  }
0xc3: {  	_ =	shalt  }
tec
execute0_lowered:
.L_overlay_start_1:
0x0: {  	(tag) =	ssettag $0x1  }
0x1: {  	s5 =	rddreg [dreg:$0x0];
	s0 =	srdreg.scid  }
0x2: {  	s2 =	rddreg [dreg:$0x1];
	s1 =	stileid.u32  }
0x3: {  	s3 =	simm.s32 $0x0;
	s13 =	simm.s32 $0x80;
	s8 =	smul.u32 $0x14000, s1  }
0x4: {  	s14 =	simm.s32 $0x100;
	s15 =	simm.s32 $0x1;
	s26 =	smul.u32 $0x50000, s1  }
0x5: {  	s6 =	sand.u32 $0x1, s0;
	s0 =	rddreg [dreg:$0x2];
	s30 =	smul.u32 $0x4F0, s1  }
0x6: {  	s16 =	simm.s32 $0x0;
	[smem:$0x7FF] =	sst s3;
	s7 =	smul.u32 $0x4F00, s6  }
0x7: {  	s4 =	sadd.s32 $0x21800, s5;
	s31 =	sshll.u32 s1, $0x6;
	s9 =	smul.u32 $0x140000, s6  }
0x8: {  	_ =	strace $0x8000004D;
	s6 =	ssub.s32 $0x2, s6;
	s25 =	sshrl.u32 s8, $0x3  }
0x9: {  	s28 =	sshrl.u32 s6, $0x1;
	s29 =	sshrl.u32 s26, $0x2;
	s10 =	sadd.s32 s7, s5  }
0xa: {  	s8 =	sadd.s32 s8, s9;
	s7 =	sadd.s32 s25, s5;
	s11 =	ssub.s32 s6, s28  }
0xb: {  	s12 =	sadd.s32 s29, s2;
	s6 =	sor.u32 $0x1C02, s31;
	s8 =	sshrl.u32 s8, $0x3  }
0xc: {  	s10 =	sadd.s32 s30, s10;
	s8 =	sadd.s32 s8, s5;
	s5 =	sadd.s32 $0x49800, s7  }
0xd: {  	s9 =	sadd.s32 $0x3C00, s10;
	s10 =	sadd.s32 $0x17A00, s10;
	s7 =	sadd.s32 $0x71800, s8  }
0xe: {  	s8 =	smax.u32 s11, $0x1;
	s11 =	sshrl.u32 s12, $0x3;
	s12 =	simm.s32 $0x2  }
.LBB2_1:
0xf: {  	[spmem:s11], [sflag:s6] =	dma.local [hbm:s5], $0x2800  }
0x10: {  	_ =	swait.ge [sflag:s12], $0x2800  }
0x11: {  	[sflag:s12] =	ssyncset.done $0x0  }
0x12: {  	[sflag:s12] =	ssyncadd.s32 $0xFFFFD800  }
0x13: {  	s17 =	sadd.s32 $0x0, s10;
	[bflag:$0x0] =	sbarrier.arrive $0xFFFF  }
0x14: {  	[tilespmem:s3], [sflag:$0x2] =	stream.linear.gather [hbm4b:s17+s3], $0x80, $0x38;
	[tilespmem:$0x18100] =	vst v63  }
0x15: {  	_ =	swait.ge [sflag:s12], $0x80  }
0x16: {  	[sflag:s12] =	ssyncset.done $0x0  }
0x17: {  	s31 =	sadd.s32 $0x0, s9;
	[sflag:s12] =	ssyncadd.s32 $0xFFFFFF80  }
0x18: {  	[tilespmem:s13], [sflag:$0x2] =	stream.linear.gather [hbm4b:s31+s3], $0x80, $0x38;
	[tilespmem:$0x18100] =	vst v63  }
0x19: {  	_ =	swait.ge [sflag:s12], $0x80  }
0x1a: {  	[sflag:s12] =	ssyncset.done $0x0  }
0x1b: {  	[sflag:s12] =	ssyncadd.s32 $0xFFFFFF80  }
0x1c: {  	[tilespmem:s14], [sflag:$0x1] =	stream.indirect.gather [hbm4b:s4+s13], $0x80, s3, s13, $0xb8;
	[tilespmem:$0x18100] =	vst v63  }
0x1d: {  	_ =	swait.ge [sflag:s15], $0x4000  }
0x1e: {  	[sflag:s15] =	ssyncset.done $0x0  }
0x1f: {  	[sflag:s15] =	ssyncadd.s32 $0xFFFFC000  }
0x20: {  	[spmem:s2] =	stream.indirect.scatter.add.f32 [tilespmem:s14], [sflag:$0x2], $0x80, s13, s13, $0xb8;
	[tilespmem:$0x18100] =	vst v63  }
0x21: {  	_ =	swait.ge [sflag:s12], $0x4000  }
0x22: {  	s18 =	simm.s32 $0x20;
	s17 =	simm.s32 $0x10;
	[sflag:s12] =	ssyncset.done $0x0  }
.LBB2_2:
0x23: {  	s19 =	sadd.s32 s17, s10  }
0x24: {  	[sflag:s12] =	ssyncadd.s32 $0xFFFFC000;
	s20 =	smov.u32 s18;
	s21 =	sadd.s32 $0x10, s18  }
0x25: {  	[tilespmem:s3], [sflag:$0x2] =	stream.linear.gather [hbm4b:s19+s3], $0x80, $0x38;
	[tilespmem:$0x18100] =	vst v63  }
0x26: {  	p0 =	sne.s32 s18, $0x4E0;
	_ =	swait.ge [sflag:s12], $0x80  }
0x27: {  	[sflag:s12] =	ssyncset.done $0x0  }
0x28: {  	s18 =	sadd.s32 s17, s9;
	s17 =	smov.u32 s20;
	[sflag:s12] =	ssyncadd.s32 $0xFFFFFF80  }
0x29: {  	[tilespmem:s13], [sflag:$0x2] =	stream.linear.gather [hbm4b:s18+s3], $0x80, $0x38;
	[tilespmem:$0x18100] =	vst v63  }
0x2a: {  	_ =	swait.ge [sflag:s12], $0x80  }
0x2b: {  	[sflag:s12] =	ssyncset.done $0x0  }
0x2c: {  	[sflag:s12] =	ssyncadd.s32 $0xFFFFFF80  }
0x2d: {  	[tilespmem:s14], [sflag:$0x1] =	stream.indirect.gather [hbm4b:s4+s13], $0x80, s3, s13, $0xb8;
	[tilespmem:$0x18100] =	vst v63  }
0x2e: {  	_ =	swait.ge [sflag:s15], $0x4000  }
.Ltmp0:
0x2f: {  	[sflag:s15] =	ssyncset.done $0x0;
	(pc) =	sbr.rel @p0 .LBB2_2-.Ltmp0, $4  }
0x30: {  	[sflag:s15] =	ssyncadd.s32 $0xFFFFC000  }
0x31: {  	[spmem:s2] =	stream.indirect.scatter.add.f32 [tilespmem:s14], [sflag:$0x2], $0x80, s13, s13, $0xb8;
	[tilespmem:$0x18100] =	vst v63  }
0x32: {  	_ =	swait.ge [sflag:s12], $0x4000  }
0x33: {  	s18 =	smov.u32 s21;
	[sflag:s12] =	ssyncset.done $0x0  }
0x34: {  	s18 =	sadd.s32 s17, s10;
	[sflag:s12] =	ssyncadd.s32 $0xFFFFC000  }
0x35: {  	[tilespmem:s3], [sflag:$0x2] =	stream.linear.gather [hbm4b:s18+s3], $0x80, $0x38;
	[tilespmem:$0x18100] =	vst v63  }
0x36: {  	_ =	swait.ge [sflag:s12], $0x80  }
0x37: {  	[sflag:s12] =	ssyncset.done $0x0  }
0x38: {  	s31 =	sadd.s32 s17, s9;
	[sflag:s12] =	ssyncadd.s32 $0xFFFFFF80  }
0x39: {  	[tilespmem:s13], [sflag:$0x2] =	stream.linear.gather [hbm4b:s31+s3], $0x80, $0x38;
	[tilespmem:$0x18100] =	vst v63  }
0x3a: {  	_ =	swait.ge [sflag:s12], $0x80  }
0x3b: {  	[sflag:s12] =	ssyncset.done $0x0  }
0x3c: {  	[sflag:s12] =	ssyncadd.s32 $0xFFFFFF80  }
0x3d: {  	[tilespmem:s14], [sflag:$0x1] =	stream.indirect.gather [hbm4b:s4+s13], $0x80, s3, s13, $0xb8;
	[tilespmem:$0x18100] =	vst v63  }
0x3e: {  	_ =	swait.ge [sflag:s15], $0x4000  }
0x3f: {  	[sflag:s15] =	ssyncset.done $0x0  }
0x40: {  	[sflag:s15] =	ssyncadd.s32 $0xFFFFC000  }
0x41: {  	[spmem:s2] =	stream.indirect.scatter.add.f32 [tilespmem:s14], [sflag:$0x2], $0x80, s13, s13, $0xb8;
	[tilespmem:$0x18100] =	vst v63  }
0x42: {  	_ =	swait.ge [sflag:s12], $0x4000  }
0x43: {  	s16 =	sadd.s32 $0x1, s16;
	[sflag:s12] =	ssyncset.done $0x0  }
0x44: {  	p0 =	sne.s32 s16, s8;
	[sflag:s12] =	ssyncadd.s32 $0xFFFFC000  }
.Ltmp1:
0x45: {  	[bflag:$0x0] =	sbarrier.arrive $0xFFFF;
	(pc) =	sbr.rel @p0 .LBB2_1-.Ltmp1, $4  }
0x46: {  	[hbm:s7], [sflag:s6] =	dma.local [spmem:s11], $0x2800  }
0x47: {  	_ =	swait.ge [sflag:s12], $0x2800  }
0x48: {  	[sflag:s12] =	ssyncset.done $0x0  }
0x49: {  	[sflag:s12] =	ssyncadd.s32 $0xFFFFD800  }
0x4a: {  	_ =	sfence.sel $0x180000  }
0x4b: {  	[bflag:$0x0] =	sbarrier.arrive $0xFFFF  }
0x4c: {  	p0 =	sne.s32 s1, $0x0;
	_ =	strace $0x9000004D  }
0x4d: {  	s0 =	sadd.s32 @!p0 $0x100000, s0;
	[bflag:$0x2] =	sbarrier.arrive $0xFFFF  }
0x4e: {  	[sflag:s0] =	ssyncadd.tile.s32 @!p0 $0x1;
	_ =	shalt  }
.Lfunc_end2:
_tile_overlayer_lowered:
.L_overlay_start_2:
0x4f: {  	(tag) =	ssettag $0x2  }
0x50: {  	s0 =	rddreg [dreg:$0x0];
	s2 =	stileid.u32  }
0x51: {  	s1 =	rddreg [dreg:$0x1];
	p0 =	sne.s32 s2, $0x0  }
0x52: {  	s3 =	rddreg [dreg:$0x2];
	[bflag:$0x3] =	sbarrier.arrive $0xFFFF;
	s2 =	simm.s32 @!p0 $0x1C02  }
0x53: {  	[timem:s3], [sflag:s2] =	dma.local @!p0 [hbm:s0], s1  }
0x54: {  	s0 =	simm.s32 @!p0 $0x2  }
0x55: {  	_ =	swait.ge @!p0 [sflag:s0], s1  }
0x56: {  	s1 =	ssub.s32 @!p0 $0x0, s1;
	[sflag:s0] =	ssyncset.done @!p0 $0x0  }
0x57: {  	[sflag:s0] =	ssyncadd.s32 @!p0 s1  }
0x58: {  	[bflag:$0x3] =	sbarrier.arrive $0xFFFF  }
0x59: {  	_ =	shalt  }

// kernel: kernel.21.cloned.1.call-start
scs
__scs_entry_jumppad:
0x0: {  	(pc) =	sbr.rel $0x88, $3  }
0x1: {  	(tag) =	ssettag $0x0;
	lr =	simm.s32 $0x1  }
0x2: {  	[smem:$0x3F91] =	sst lr;
	_ =	strace $0xD0000000  }
0x3: {  	_ = 	snop  }
0x4: {  	_ = 	snop  }
0x5: {  	_ = 	snop  }
0x6: {  	_ = 	snop  }
0x7: {  	_ = 	snop  }
__scs_overlays_trampoline_lowered:
0x8: {  	[smem:$0x3FA0] =	sst s0  }
0x9: {  	[smem:$0x3FA1] =	sst s1  }
0xa: {  	[smem:$0x3FA2] =	sst s2  }
0xb: {  	[smem:$0x3FA3] =	sst s3  }
0xc: {  	[smem:$0x3FA4] =	sst s4  }
0xd: {  	[smem:$0x3FA5] =	sst s5  }
0xe: {  	[smem:$0x3FA6] =	sst s6  }
0xf: {  	[smem:$0x3FA7] =	sst s7  }
0x10: {  	[smem:$0x3FA8] =	sst s8  }
0x11: {  	[smem:$0x3FA9] =	sst s9;
	s0 =	simm.s32 @!p0 $0x0  }
0x12: {  	s1 =	sld [smem:$0x3F8F];
	s0 =	simm.s32 @p0 $0x1  }
0x13: {  	[smem:$0x3FAA] =	sst s0;
	s0 =	simm.s32 @!p1 $0x0  }
0x14: {  	s2 =	sld [smem:$0x3F8E];
	s0 =	simm.s32 @p1 $0x1  }
0x15: {  	[smem:$0x3FAB] =	sst s0;
	s0 =	simm.s32 @!p2 $0x0  }
0x16: {  	s3 =	sld [smem:$0x3FDB];
	s0 =	simm.s32 @p2 $0x1  }
0x17: {  	s4 =	simm.s32 $0x1BF5;
	[smem:$0x3FAD] =	sst s0  }
0x18: {  	s0 =	sld [smem:$0x3F90];
	_ =	swait.ge [sflag:s4], $0x0  }
0x19: {  	s7 =	sld [smem:$0x3F91]  }
0x1a: {  	s8 =	sadd.s32 $0xFFFFE003, lr  }
0x1b: {  	s9 =	sadd.s32 $0xFFFFFEF7, lr;
	s5 =	simm.s32 $0xFFFFFFFF;
	p2 =	slt.u32 s8, $0xFFFFF086  }
0x1c: {  	p1 =	slt.u32 s9, $0xF7A;
	s5 =	simm.s32 @!p2 $0x0  }
0x1d: {  	s5 =	simm.s32 @p1 $0x1;
	p0 =	seq.s32 s7, s2  }
0x1e: {  	s7 =	smul.u32 @!p0 $0xF7A, s2;
	p2 =	seq.s32 @!p0 s5, $0x0  }
0x1f: {  	s9 =	smul.u32 $0xF7A, s1;
	s8 =	simm.s32 @!p0 $0x1BF5;
	p2 =	por !p2, p0  }
0x20: {  	[sflag:s8] =	ssyncset.s32 @!p0 $0xFFFFF086;
	s6 =	sadd.s32 @!p0 s3, s7;
	s7 =	simm.s32 @!p0 $0x108  }
0x21: {  	s3 =	sadd.s32 s3, s9;
	s6 =	sadd.s32 @!p0 $0x88, s6;
	s7 =	simm.s32 @p2 $0x1082  }
0x22: {  	[simem:s7], [sflag:s8] =	dma.local @!p0 [hbm:s6], $0xF7A  }
0x23: {  	s9 =	sor.u32 $0xD0000000, s2;
	s6 =	simm.s32 $0x108;
	_ =	swait.ge @!p0 [sflag:s8], $0x0  }
0x24: {  	s3 =	sadd.s32 $0x88, s3;
	s6 =	simm.s32 @!p1 $0x1082;
	[sflag:s4] =	ssyncset.s32 $0xFFFFF086  }
0x25: {  	[simem:s6], [sflag:s4] =	dma.local [hbm:s3], $0xF7A  }
0x26: {  	[smem:$0x3F91] =	sst s1;
	(tag) =	ssettag s2;
	_ =	strace s9  }
0x27: {  	s1 =	sld [smem:$0x3FA1]  }
0x28: {  	s2 =	sld [smem:$0x3FA2]  }
0x29: {  	s4 =	sld [smem:$0x3FA4]  }
0x2a: {  	p0 =	seq.s32 s5, $0x0;
	s5 =	sld [smem:$0x3FA5]  }
0x2b: {  	s6 =	sld [smem:$0x3FA6]  }
0x2c: {  	s7 =	sld [smem:$0x3FA7]  }
0x2d: {  	s3 =	simm.s32 $0x108;
	s8 =	sld [smem:$0x3FA8]  }
0x2e: {  	s3 =	simm.s32 @!p0 $0x1082;
	s9 =	sld [smem:$0x3FA9]  }
0x2f: {  	lr =	sadd.s32 s0, s3;
	s0 =	sld [smem:$0x3FA0]  }
0x30: {  	s3 =	sld [smem:$0x3FA3]  }
0x31: {  	[smem:$0x3FAC] =	sst s10  }
0x32: {  	s10 =	sld [smem:$0x3FAA];
	_ =	sdelay $0x3  }
0x33: {  	p0 =	seq.s32 s10, $0x1;
	s10 =	sld [smem:$0x3FAC];
	_ =	sdelay $0x3  }
0x34: {  	[smem:$0x3FAC] =	sst s10  }
0x35: {  	s10 =	sld [smem:$0x3FAB];
	_ =	sdelay $0x3  }
0x36: {  	p1 =	seq.s32 s10, $0x1;
	s10 =	sld [smem:$0x3FAC];
	_ =	sdelay $0x3  }
0x37: {  	[smem:$0x3FAC] =	sst s10  }
0x38: {  	s10 =	sld [smem:$0x3FAD]  }
0x39: {  	_ = 	snop;
	(pc) =	sbr.ind lr, $3  }
0x3a: {  	_ = 	snop  }
0x3b: {  	_ = 	snop  }
0x3c: {  	p2 =	seq.s32 s10, $0x1;
	s10 =	sld [smem:$0x3FAC]  }
0x3d: {  	_ =	shalt  }
0x3e: {  	_ =	shalt  }
0x3f: {  	_ =	shalt  }
0x40: {  	_ =	shalt  }
0x41: {  	_ =	shalt  }
0x42: {  	_ =	shalt  }
0x43: {  	_ =	shalt  }
0x44: {  	_ =	shalt  }
0x45: {  	_ =	shalt  }
0x46: {  	_ =	shalt  }
0x47: {  	_ =	shalt  }
0x48: {  	_ =	shalt  }
0x49: {  	_ =	shalt  }
0x4a: {  	_ =	shalt  }
0x4b: {  	_ =	shalt  }
0x4c: {  	_ =	shalt  }
0x4d: {  	_ =	shalt  }
0x4e: {  	_ =	shalt  }
0x4f: {  	_ =	shalt  }
0x50: {  	_ =	shalt  }
0x51: {  	_ =	shalt  }
0x52: {  	_ =	shalt  }
0x53: {  	_ =	shalt  }
0x54: {  	_ =	shalt  }
0x55: {  	_ =	shalt  }
0x56: {  	_ =	shalt  }
0x57: {  	_ =	shalt  }
0x58: {  	_ =	shalt  }
0x59: {  	_ =	shalt  }
0x5a: {  	_ =	shalt  }
0x5b: {  	_ =	shalt  }
0x5c: {  	_ =	shalt  }
0x5d: {  	_ =	shalt  }
0x5e: {  	_ =	shalt  }
0x5f: {  	_ =	shalt  }
0x60: {  	_ =	shalt  }
0x61: {  	_ =	shalt  }
0x62: {  	_ =	shalt  }
0x63: {  	_ =	shalt  }
0x64: {  	_ =	shalt  }
0x65: {  	_ =	shalt  }
0x66: {  	_ =	shalt  }
0x67: {  	_ =	shalt  }
0x68: {  	_ =	shalt  }
0x69: {  	_ =	shalt  }
0x6a: {  	_ =	shalt  }
0x6b: {  	_ =	shalt  }
0x6c: {  	_ =	shalt  }
0x6d: {  	_ =	shalt  }
0x6e: {  	_ =	shalt  }
0x6f: {  	_ =	shalt  }
0x70: {  	_ =	shalt  }
0x71: {  	_ =	shalt  }
0x72: {  	_ =	shalt  }
0x73: {  	_ =	shalt  }
0x74: {  	_ =	shalt  }
0x75: {  	_ =	shalt  }
0x76: {  	_ =	shalt  }
0x77: {  	_ =	shalt  }
0x78: {  	_ =	shalt  }
0x79: {  	_ =	shalt  }
0x7a: {  	_ =	shalt  }
0x7b: {  	_ =	shalt  }
0x7c: {  	_ =	shalt  }
0x7d: {  	_ =	shalt  }
0x7e: {  	_ =	shalt  }
0x7f: {  	_ =	shalt  }
0x80: {  	_ =	shalt  }
0x81: {  	_ =	shalt  }
0x82: {  	_ =	shalt  }
0x83: {  	_ =	shalt  }
0x84: {  	_ =	shalt  }
0x85: {  	_ =	shalt  }
0x86: {  	_ =	shalt  }
0x87: {  	_ =	shalt  }
.Lfunc_end0:
.L_simem_size_0:
called_computation.3_lowered:
.L_overlay_start_0:
0x88: {  	s2 =	sld [smem:$0x3FD9]  }
0x89: {  	s3 =	sld [smem:$0x3FFE];
	_ =	sdelay $0x1  }
0x8a: {  	s1 =	srdreg.scid  }
0x8b: {  	s0 =	sand.u32 $0x1, s1  }
0x8c: {  	s16 =	sshll.u32 s0, $0xA;
	s2 =	sadd.s32 s3, s2  }
0x8d: {  	s2 =	sadd.s32 s2, s16  }
0x8e: {  	[smem:$0x3FB8] =	sst s2  }
0x8f: {  	_ = 	snop  }
0x90: {  	(tm) =	ssettm $0x1  }
0x91: {  	s17 =	sld [smem:$0x3FFB];
	_ =	sdelay $0x3  }
0x92: {  	_ =	strace s17  }
0x93: {  	s2 =	sld [smem:$0x3FFC];
	_ =	sdelay $0x3  }
0x94: {  	_ =	strace s2  }
0x95: {  	s2 =	sld [smem:$0x3FFD];
	_ =	sdelay $0x3  }
0x96: {  	_ =	strace s2  }
0x97: {  	_ =	strace $0x8FFFFFFF  }
0x98: {  	s18 =	sld [smem:$0x3FDB];
	_ =	sdelay $0x1  }
0x99: {  	s19 =	simm.s32 $_scs_section_size  }
0x9a: {  	s4 =	simm.s32 $_size__tile_overlayer_lowered;
	s5 =	simm.s32 $_tile_overlayer_lowered  }
0x9b: {  	s22 =	simm.s32 $0x1BFF;
	s21 =	sshll.u32 s5, $0x1;
	s2 =	sadd.s32 s19, s18  }
0x9c: {  	s6 =	simm.s32 $0x0;
	s20 =	sshll.u32 s4, $0x1;
	s4 =	sadd.s32 s21, s2  }
0x9d: {  	[timem:s6], [sflag:s22] =	dma.local [hbm:s4], s20  }
0x9e: {  	_ =	swait.ge [sflag:s22], s20  }
0x9f: {  	s3 =	ssub.s32 $0x0, s20;
	[sflag:s22] =	ssyncset.done $0x0  }
0xa0: {  	[sflag:s22] =	ssyncadd.s32 s3;
	_ =	sdelay $0x1  }
0xa1: {  	s23 =	simm.s32 $0x1B8B  }
0xa2: {  	_ =	swait.ge [sflag:s23], $0x1  }
0xa3: {  	[sflag:s23] =	ssyncset.done $0x0  }
0xa4: {  	s25 =	simm.s32 $0x1B8E;
	s24 =	sld [smem:$0x3FFE];
	[sflag:s23] =	ssyncadd.s32 $0xFFFFFFFF  }
0xa5: {  	s26 =	simm.s32 $execute0_lowered;
	[smem:$0x3FD2] =	sst s25  }
0xa6: {  	s4 =	sshll.u32 s26, $0x1;
	_ =	strace $0x8000004F;
	[dreg:$0x1] =	wrdreg $0xFFFFFFFF  }
0xa7: {  	s28 =	simm.s32 $_size_execute0_lowered;
	s2 =	sadd.s32 s2, s4;
	[dreg:$0x0] =	wrdreg $0x0  }
0xa8: {  	s4 =	sshll.u32 s28, $0x1;
	[dreg:$0x2] =	wrdreg s2  }
0xa9: {  	[dreg:$0x3] =	wrdreg s4  }
0xaa: {  	[dreg:$0x4] =	wrdreg $0xC0  }
0xab: {  	_ =	task [dreg:s6], $0x5FFFF  }
0xac: {  	[dreg:$0x1] =	wrdreg $0xFFFFFFFF  }
0xad: {  	[dreg:$0x0] =	wrdreg $0x60  }
0xae: {  	[dreg:$0x2] =	wrdreg s24  }
0xaf: {  	[dreg:$0x3] =	wrdreg $0x41000  }
0xb0: {  	[dreg:$0x4] =	wrdreg $0x9  }
0xb1: {  	_ =	task.clear_ibuf [dreg:s6], $0x5FFFF;
	_ =	strace $0x9000004F  }
0xb2: {  	s29 =	simm.s32 $0x9;
	_ =	strace $0x80000051  }
0xb3: {  	_ =	swait.ge [sflag:s29], $0x1  }
0xb4: {  	[sflag:s29] =	ssyncadd.s32 $0xFFFFFFFF  }
0xb5: {  	_ =	strace $0x90000051  }
0xb6: {  	_ =	sfence  }
0xb7: {  	s30 =	sld [smem:$0x0];
	_ =	sdelay $0x2  }
0xb8: {  	s31 =	sshll.u32 s1, $0xD;
	s1 =	sshrl.u32 s1, $0x2  }
0xb9: {  	s3 =	sand.u32 $0x4000, s31;
	s1 =	sadd.s32 s1, s30  }
0xba: {  	s0 =	sor.u32 s3, s0;
	s1 =	sshll.u32 s1, $0x11  }
0xbb: {  	s0 =	sor.u32 s1, s0  }
0xbc: {  	s0 =	sadd.s32 $0x8F2B, s0  }
0xbd: {  	[sflag:s0] =	ssyncadd.remote.s32 $0x1  }
0xbe: {  	_ =	sfence.sel $0xFFFF  }
0xbf: {  	[dreg:$0x0] =	wrdreg $0xFFFFFFFF;
	(pc) =	sbr.abs _section_cstart, $3  }
0xc0: {  	[dreg:$0x1] =	wrdreg $0xFFFFFFFF  }
0xc1: {  	_ =	task.clear_ibuf [dreg:s6], $0x2FFFF;
	_ =	strace $0x9FFFFFFF  }
0xc2: {  	(tm) =	ssettm $0x7FFFFFFF  }
0xc3: {  	_ =	shalt  }
tec
execute0_lowered:
.L_overlay_start_1:
0x0: {  	(tag) =	ssettag $0x1  }
0x1: {  	s5 =	rddreg [dreg:$0x0];
	s0 =	srdreg.scid  }
0x2: {  	s2 =	rddreg [dreg:$0x1];
	s1 =	stileid.u32  }
0x3: {  	s3 =	simm.s32 $0x0;
	s13 =	simm.s32 $0x80;
	s8 =	smul.u32 $0x14000, s1  }
0x4: {  	s14 =	simm.s32 $0x100;
	s15 =	simm.s32 $0x1;
	s26 =	smul.u32 $0x50000, s1  }
0x5: {  	s6 =	sand.u32 $0x1, s0;
	s0 =	rddreg [dreg:$0x2];
	s30 =	smul.u32 $0x4F0, s1  }
0x6: {  	s16 =	simm.s32 $0x0;
	[smem:$0x7FF] =	sst s3;
	s7 =	smul.u32 $0x4F00, s6  }
0x7: {  	s4 =	sadd.s32 $0x21800, s5;
	s31 =	sshll.u32 s1, $0x6;
	s9 =	smul.u32 $0x140000, s6  }
0x8: {  	_ =	strace $0x80000050;
	s6 =	ssub.s32 $0x2, s6;
	s25 =	sshrl.u32 s8, $0x3  }
0x9: {  	s28 =	sshrl.u32 s6, $0x1;
	s29 =	sshrl.u32 s26, $0x2;
	s10 =	sadd.s32 s7, s5  }
0xa: {  	s8 =	sadd.s32 s8, s9;
	s7 =	sadd.s32 s25, s5;
	s11 =	ssub.s32 s6, s28  }
0xb: {  	s12 =	sadd.s32 s29, s2;
	s6 =	sor.u32 $0x1C02, s31;
	s8 =	sshrl.u32 s8, $0x3  }
0xc: {  	s10 =	sadd.s32 s30, s10;
	s8 =	sadd.s32 s8, s5;
	s5 =	sadd.s32 $0x49800, s7  }
0xd: {  	s9 =	sadd.s32 $0x3C00, s10;
	s10 =	sadd.s32 $0x17A00, s10;
	s7 =	sadd.s32 $0x71800, s8  }
0xe: {  	s8 =	smax.u32 s11, $0x1;
	s11 =	sshrl.u32 s12, $0x3;
	s12 =	simm.s32 $0x2  }
.LBB2_1:
0xf: {  	[spmem:s11], [sflag:s6] =	dma.local [hbm:s5], $0x2800  }
0x10: {  	_ =	swait.ge [sflag:s12], $0x2800  }
0x11: {  	[sflag:s12] =	ssyncset.done $0x0  }
0x12: {  	[sflag:s12] =	ssyncadd.s32 $0xFFFFD800  }
0x13: {  	s17 =	sadd.s32 $0x0, s10;
	[bflag:$0x0] =	sbarrier.arrive $0xFFFF  }
0x14: {  	[tilespmem:s3], [sflag:$0x2] =	stream.linear.gather [hbm4b:s17+s3], $0x80, $0x38;
	[tilespmem:$0x18100] =	vst v63  }
0x15: {  	_ =	swait.ge [sflag:s12], $0x80  }
0x16: {  	[sflag:s12] =	ssyncset.done $0x0  }
0x17: {  	s31 =	sadd.s32 $0x0, s9;
	[sflag:s12] =	ssyncadd.s32 $0xFFFFFF80  }
0x18: {  	[tilespmem:s13], [sflag:$0x2] =	stream.linear.gather [hbm4b:s31+s3], $0x80, $0x38;
	[tilespmem:$0x18100] =	vst v63  }
0x19: {  	_ =	swait.ge [sflag:s12], $0x80  }
0x1a: {  	[sflag:s12] =	ssyncset.done $0x0  }
0x1b: {  	[sflag:s12] =	ssyncadd.s32 $0xFFFFFF80  }
0x1c: {  	[tilespmem:s14], [sflag:$0x1] =	stream.indirect.gather [hbm4b:s4+s13], $0x80, s3, s13, $0xb8;
	[tilespmem:$0x18100] =	vst v63  }
0x1d: {  	_ =	swait.ge [sflag:s15], $0x4000  }
0x1e: {  	[sflag:s15] =	ssyncset.done $0x0  }
0x1f: {  	[sflag:s15] =	ssyncadd.s32 $0xFFFFC000  }
0x20: {  	[spmem:s2] =	stream.indirect.scatter.add.f32 [tilespmem:s14], [sflag:$0x2], $0x80, s13, s13, $0xb8;
	[tilespmem:$0x18100] =	vst v63  }
0x21: {  	_ =	swait.ge [sflag:s12], $0x4000  }
0x22: {  	s18 =	simm.s32 $0x20;
	s17 =	simm.s32 $0x10;
	[sflag:s12] =	ssyncset.done $0x0  }
.LBB2_2:
0x23: {  	s19 =	sadd.s32 s17, s10  }
0x24: {  	[sflag:s12] =	ssyncadd.s32 $0xFFFFC000;
	s20 =	smov.u32 s18;
	s21 =	sadd.s32 $0x10, s18  }
0x25: {  	[tilespmem:s3], [sflag:$0x2] =	stream.linear.gather [hbm4b:s19+s3], $0x80, $0x38;
	[tilespmem:$0x18100] =	vst v63  }
0x26: {  	p0 =	sne.s32 s18, $0x4E0;
	_ =	swait.ge [sflag:s12], $0x80  }
0x27: {  	[sflag:s12] =	ssyncset.done $0x0  }
0x28: {  	s18 =	sadd.s32 s17, s9;
	s17 =	smov.u32 s20;
	[sflag:s12] =	ssyncadd.s32 $0xFFFFFF80  }
0x29: {  	[tilespmem:s13], [sflag:$0x2] =	stream.linear.gather [hbm4b:s18+s3], $0x80, $0x38;
	[tilespmem:$0x18100] =	vst v63  }
0x2a: {  	_ =	swait.ge [sflag:s12], $0x80  }
0x2b: {  	[sflag:s12] =	ssyncset.done $0x0  }
0x2c: {  	[sflag:s12] =	ssyncadd.s32 $0xFFFFFF80  }
0x2d: {  	[tilespmem:s14], [sflag:$0x1] =	stream.indirect.gather [hbm4b:s4+s13], $0x80, s3, s13, $0xb8;
	[tilespmem:$0x18100] =	vst v63  }
0x2e: {  	_ =	swait.ge [sflag:s15], $0x4000  }
.Ltmp0:
0x2f: {  	[sflag:s15] =	ssyncset.done $0x0;
	(pc) =	sbr.rel @p0 .LBB2_2-.Ltmp0, $4  }
0x30: {  	[sflag:s15] =	ssyncadd.s32 $0xFFFFC000  }
0x31: {  	[spmem:s2] =	stream.indirect.scatter.add.f32 [tilespmem:s14], [sflag:$0x2], $0x80, s13, s13, $0xb8;
	[tilespmem:$0x18100] =	vst v63  }
0x32: {  	_ =	swait.ge [sflag:s12], $0x4000  }
0x33: {  	s18 =	smov.u32 s21;
	[sflag:s12] =	ssyncset.done $0x0  }
0x34: {  	s18 =	sadd.s32 s17, s10;
	[sflag:s12] =	ssyncadd.s32 $0xFFFFC000  }
0x35: {  	[tilespmem:s3], [sflag:$0x2] =	stream.linear.gather [hbm4b:s18+s3], $0x80, $0x38;
	[tilespmem:$0x18100] =	vst v63  }
0x36: {  	_ =	swait.ge [sflag:s12], $0x80  }
0x37: {  	[sflag:s12] =	ssyncset.done $0x0  }
0x38: {  	s31 =	sadd.s32 s17, s9;
	[sflag:s12] =	ssyncadd.s32 $0xFFFFFF80  }
0x39: {  	[tilespmem:s13], [sflag:$0x2] =	stream.linear.gather [hbm4b:s31+s3], $0x80, $0x38;
	[tilespmem:$0x18100] =	vst v63  }
0x3a: {  	_ =	swait.ge [sflag:s12], $0x80  }
0x3b: {  	[sflag:s12] =	ssyncset.done $0x0  }
0x3c: {  	[sflag:s12] =	ssyncadd.s32 $0xFFFFFF80  }
0x3d: {  	[tilespmem:s14], [sflag:$0x1] =	stream.indirect.gather [hbm4b:s4+s13], $0x80, s3, s13, $0xb8;
	[tilespmem:$0x18100] =	vst v63  }
0x3e: {  	_ =	swait.ge [sflag:s15], $0x4000  }
0x3f: {  	[sflag:s15] =	ssyncset.done $0x0  }
0x40: {  	[sflag:s15] =	ssyncadd.s32 $0xFFFFC000  }
0x41: {  	[spmem:s2] =	stream.indirect.scatter.add.f32 [tilespmem:s14], [sflag:$0x2], $0x80, s13, s13, $0xb8;
	[tilespmem:$0x18100] =	vst v63  }
0x42: {  	_ =	swait.ge [sflag:s12], $0x4000  }
0x43: {  	s16 =	sadd.s32 $0x1, s16;
	[sflag:s12] =	ssyncset.done $0x0  }
0x44: {  	p0 =	sne.s32 s16, s8;
	[sflag:s12] =	ssyncadd.s32 $0xFFFFC000  }
.Ltmp1:
0x45: {  	[bflag:$0x0] =	sbarrier.arrive $0xFFFF;
	(pc) =	sbr.rel @p0 .LBB2_1-.Ltmp1, $4  }
0x46: {  	[hbm:s7], [sflag:s6] =	dma.local [spmem:s11], $0x2800  }
0x47: {  	_ =	swait.ge [sflag:s12], $0x2800  }
0x48: {  	[sflag:s12] =	ssyncset.done $0x0  }
0x49: {  	[sflag:s12] =	ssyncadd.s32 $0xFFFFD800  }
0x4a: {  	_ =	sfence.sel $0x180000  }
0x4b: {  	[bflag:$0x0] =	sbarrier.arrive $0xFFFF  }
0x4c: {  	p0 =	sne.s32 s1, $0x0;
	_ =	strace $0x90000050  }
0x4d: {  	s0 =	sadd.s32 @!p0 $0x100000, s0;
	[bflag:$0x2] =	sbarrier.arrive $0xFFFF  }
0x4e: {  	[sflag:s0] =	ssyncadd.tile.s32 @!p0 $0x1;
	_ =	shalt  }
.Lfunc_end2:
_tile_overlayer_lowered:
.L_overlay_start_2:
0x4f: {  	(tag) =	ssettag $0x2  }
0x50: {  	s0 =	rddreg [dreg:$0x0];
	s2 =	stileid.u32  }
0x51: {  	s1 =	rddreg [dreg:$0x1];
	p0 =	sne.s32 s2, $0x0  }
0x52: {  	s3 =	rddreg [dreg:$0x2];
	[bflag:$0x3] =	sbarrier.arrive $0xFFFF;
	s2 =	simm.s32 @!p0 $0x1C02  }
0x53: {  	[timem:s3], [sflag:s2] =	dma.local @!p0 [hbm:s0], s1  }
0x54: {  	s0 =	simm.s32 @!p0 $0x2  }
0x55: {  	_ =	swait.ge @!p0 [sflag:s0], s1  }
0x56: {  	s1 =	ssub.s32 @!p0 $0x0, s1;
	[sflag:s0] =	ssyncset.done @!p0 $0x0  }
0x57: {  	[sflag:s0] =	ssyncadd.s32 @!p0 s1  }
0x58: {  	[bflag:$0x3] =	sbarrier.arrive $0xFFFF  }
0x59: {  	_ =	shalt  }

// kernel: kernel.24.cloned.1.call-start
scs
__scs_entry_jumppad:
0x0: {  	(pc) =	sbr.rel $0x88, $3  }
0x1: {  	(tag) =	ssettag $0x0;
	lr =	simm.s32 $0x1  }
0x2: {  	[smem:$0x3F91] =	sst lr;
	_ =	strace $0xD0000000  }
0x3: {  	_ = 	snop  }
0x4: {  	_ = 	snop  }
0x5: {  	_ = 	snop  }
0x6: {  	_ = 	snop  }
0x7: {  	_ = 	snop  }
__scs_overlays_trampoline_lowered:
0x8: {  	[smem:$0x3FA0] =	sst s0  }
0x9: {  	[smem:$0x3FA1] =	sst s1  }
0xa: {  	[smem:$0x3FA2] =	sst s2  }
0xb: {  	[smem:$0x3FA3] =	sst s3  }
0xc: {  	[smem:$0x3FA4] =	sst s4  }
0xd: {  	[smem:$0x3FA5] =	sst s5  }
0xe: {  	[smem:$0x3FA6] =	sst s6  }
0xf: {  	[smem:$0x3FA7] =	sst s7  }
0x10: {  	[smem:$0x3FA8] =	sst s8  }
0x11: {  	[smem:$0x3FA9] =	sst s9;
	s0 =	simm.s32 @!p0 $0x0  }
0x12: {  	s1 =	sld [smem:$0x3F8F];
	s0 =	simm.s32 @p0 $0x1  }
0x13: {  	[smem:$0x3FAA] =	sst s0;
	s0 =	simm.s32 @!p1 $0x0  }
0x14: {  	s2 =	sld [smem:$0x3F8E];
	s0 =	simm.s32 @p1 $0x1  }
0x15: {  	[smem:$0x3FAB] =	sst s0;
	s0 =	simm.s32 @!p2 $0x0  }
0x16: {  	s3 =	sld [smem:$0x3FDB];
	s0 =	simm.s32 @p2 $0x1  }
0x17: {  	s4 =	simm.s32 $0x1BF5;
	[smem:$0x3FAD] =	sst s0  }
0x18: {  	s0 =	sld [smem:$0x3F90];
	_ =	swait.ge [sflag:s4], $0x0  }
0x19: {  	s7 =	sld [smem:$0x3F91]  }
0x1a: {  	s8 =	sadd.s32 $0xFFFFE003, lr  }
0x1b: {  	s9 =	sadd.s32 $0xFFFFFEF7, lr;
	s5 =	simm.s32 $0xFFFFFFFF;
	p2 =	slt.u32 s8, $0xFFFFF086  }
0x1c: {  	p1 =	slt.u32 s9, $0xF7A;
	s5 =	simm.s32 @!p2 $0x0  }
0x1d: {  	s5 =	simm.s32 @p1 $0x1;
	p0 =	seq.s32 s7, s2  }
0x1e: {  	s7 =	smul.u32 @!p0 $0xF7A, s2;
	p2 =	seq.s32 @!p0 s5, $0x0  }
0x1f: {  	s9 =	smul.u32 $0xF7A, s1;
	s8 =	simm.s32 @!p0 $0x1BF5;
	p2 =	por !p2, p0  }
0x20: {  	[sflag:s8] =	ssyncset.s32 @!p0 $0xFFFFF086;
	s6 =	sadd.s32 @!p0 s3, s7;
	s7 =	simm.s32 @!p0 $0x108  }
0x21: {  	s3 =	sadd.s32 s3, s9;
	s6 =	sadd.s32 @!p0 $0x88, s6;
	s7 =	simm.s32 @p2 $0x1082  }
0x22: {  	[simem:s7], [sflag:s8] =	dma.local @!p0 [hbm:s6], $0xF7A  }
0x23: {  	s9 =	sor.u32 $0xD0000000, s2;
	s6 =	simm.s32 $0x108;
	_ =	swait.ge @!p0 [sflag:s8], $0x0  }
0x24: {  	s3 =	sadd.s32 $0x88, s3;
	s6 =	simm.s32 @!p1 $0x1082;
	[sflag:s4] =	ssyncset.s32 $0xFFFFF086  }
0x25: {  	[simem:s6], [sflag:s4] =	dma.local [hbm:s3], $0xF7A  }
0x26: {  	[smem:$0x3F91] =	sst s1;
	(tag) =	ssettag s2;
	_ =	strace s9  }
0x27: {  	s1 =	sld [smem:$0x3FA1]  }
0x28: {  	s2 =	sld [smem:$0x3FA2]  }
0x29: {  	s4 =	sld [smem:$0x3FA4]  }
0x2a: {  	p0 =	seq.s32 s5, $0x0;
	s5 =	sld [smem:$0x3FA5]  }
0x2b: {  	s6 =	sld [smem:$0x3FA6]  }
0x2c: {  	s7 =	sld [smem:$0x3FA7]  }
0x2d: {  	s3 =	simm.s32 $0x108;
	s8 =	sld [smem:$0x3FA8]  }
0x2e: {  	s3 =	simm.s32 @!p0 $0x1082;
	s9 =	sld [smem:$0x3FA9]  }
0x2f: {  	lr =	sadd.s32 s0, s3;
	s0 =	sld [smem:$0x3FA0]  }
0x30: {  	s3 =	sld [smem:$0x3FA3]  }
0x31: {  	[smem:$0x3FAC] =	sst s10  }
0x32: {  	s10 =	sld [smem:$0x3FAA];
	_ =	sdelay $0x3  }
0x33: {  	p0 =	seq.s32 s10, $0x1;
	s10 =	sld [smem:$0x3FAC];
	_ =	sdelay $0x3  }
0x34: {  	[smem:$0x3FAC] =	sst s10  }
0x35: {  	s10 =	sld [smem:$0x3FAB];
	_ =	sdelay $0x3  }
0x36: {  	p1 =	seq.s32 s10, $0x1;
	s10 =	sld [smem:$0x3FAC];
	_ =	sdelay $0x3  }
0x37: {  	[smem:$0x3FAC] =	sst s10  }
0x38: {  	s10 =	sld [smem:$0x3FAD]  }
0x39: {  	_ = 	snop;
	(pc) =	sbr.ind lr, $3  }
0x3a: {  	_ = 	snop  }
0x3b: {  	_ = 	snop  }
0x3c: {  	p2 =	seq.s32 s10, $0x1;
	s10 =	sld [smem:$0x3FAC]  }
0x3d: {  	_ =	shalt  }
0x3e: {  	_ =	shalt  }
0x3f: {  	_ =	shalt  }
0x40: {  	_ =	shalt  }
0x41: {  	_ =	shalt  }
0x42: {  	_ =	shalt  }
0x43: {  	_ =	shalt  }
0x44: {  	_ =	shalt  }
0x45: {  	_ =	shalt  }
0x46: {  	_ =	shalt  }
0x47: {  	_ =	shalt  }
0x48: {  	_ =	shalt  }
0x49: {  	_ =	shalt  }
0x4a: {  	_ =	shalt  }
0x4b: {  	_ =	shalt  }
0x4c: {  	_ =	shalt  }
0x4d: {  	_ =	shalt  }
0x4e: {  	_ =	shalt  }
0x4f: {  	_ =	shalt  }
0x50: {  	_ =	shalt  }
0x51: {  	_ =	shalt  }
0x52: {  	_ =	shalt  }
0x53: {  	_ =	shalt  }
0x54: {  	_ =	shalt  }
0x55: {  	_ =	shalt  }
0x56: {  	_ =	shalt  }
0x57: {  	_ =	shalt  }
0x58: {  	_ =	shalt  }
0x59: {  	_ =	shalt  }
0x5a: {  	_ =	shalt  }
0x5b: {  	_ =	shalt  }
0x5c: {  	_ =	shalt  }
0x5d: {  	_ =	shalt  }
0x5e: {  	_ =	shalt  }
0x5f: {  	_ =	shalt  }
0x60: {  	_ =	shalt  }
0x61: {  	_ =	shalt  }
0x62: {  	_ =	shalt  }
0x63: {  	_ =	shalt  }
0x64: {  	_ =	shalt  }
0x65: {  	_ =	shalt  }
0x66: {  	_ =	shalt  }
0x67: {  	_ =	shalt  }
0x68: {  	_ =	shalt  }
0x69: {  	_ =	shalt  }
0x6a: {  	_ =	shalt  }
0x6b: {  	_ =	shalt  }
0x6c: {  	_ =	shalt  }
0x6d: {  	_ =	shalt  }
0x6e: {  	_ =	shalt  }
0x6f: {  	_ =	shalt  }
0x70: {  	_ =	shalt  }
0x71: {  	_ =	shalt  }
0x72: {  	_ =	shalt  }
0x73: {  	_ =	shalt  }
0x74: {  	_ =	shalt  }
0x75: {  	_ =	shalt  }
0x76: {  	_ =	shalt  }
0x77: {  	_ =	shalt  }
0x78: {  	_ =	shalt  }
0x79: {  	_ =	shalt  }
0x7a: {  	_ =	shalt  }
0x7b: {  	_ =	shalt  }
0x7c: {  	_ =	shalt  }
0x7d: {  	_ =	shalt  }
0x7e: {  	_ =	shalt  }
0x7f: {  	_ =	shalt  }
0x80: {  	_ =	shalt  }
0x81: {  	_ =	shalt  }
0x82: {  	_ =	shalt  }
0x83: {  	_ =	shalt  }
0x84: {  	_ =	shalt  }
0x85: {  	_ =	shalt  }
0x86: {  	_ =	shalt  }
0x87: {  	_ =	shalt  }
.Lfunc_end0:
.L_simem_size_0:
called_computation.4_lowered:
.L_overlay_start_0:
0x88: {  	s2 =	sld [smem:$0x3FD9]  }
0x89: {  	s3 =	sld [smem:$0x3FFE];
	_ =	sdelay $0x1  }
0x8a: {  	s1 =	srdreg.scid  }
0x8b: {  	s0 =	sand.u32 $0x1, s1  }
0x8c: {  	s16 =	sshll.u32 s0, $0xA;
	s2 =	sadd.s32 s3, s2  }
0x8d: {  	s2 =	sadd.s32 s2, s16  }
0x8e: {  	[smem:$0x3FB8] =	sst s2  }
0x8f: {  	_ = 	snop  }
0x90: {  	(tm) =	ssettm $0x1  }
0x91: {  	s17 =	sld [smem:$0x3FFB];
	_ =	sdelay $0x3  }
0x92: {  	_ =	strace s17  }
0x93: {  	s2 =	sld [smem:$0x3FFC];
	_ =	sdelay $0x3  }
0x94: {  	_ =	strace s2  }
0x95: {  	s2 =	sld [smem:$0x3FFD];
	_ =	sdelay $0x3  }
0x96: {  	_ =	strace s2  }
0x97: {  	_ =	strace $0x8FFFFFFF  }
0x98: {  	s18 =	sld [smem:$0x3FDB];
	_ =	sdelay $0x1  }
0x99: {  	s19 =	simm.s32 $_scs_section_size  }
0x9a: {  	s4 =	simm.s32 $_size__tile_overlayer_lowered;
	s5 =	simm.s32 $_tile_overlayer_lowered  }
0x9b: {  	s22 =	simm.s32 $0x1BFF;
	s21 =	sshll.u32 s5, $0x1;
	s2 =	sadd.s32 s19, s18  }
0x9c: {  	s6 =	simm.s32 $0x0;
	s20 =	sshll.u32 s4, $0x1;
	s4 =	sadd.s32 s21, s2  }
0x9d: {  	[timem:s6], [sflag:s22] =	dma.local [hbm:s4], s20  }
0x9e: {  	_ =	swait.ge [sflag:s22], s20  }
0x9f: {  	s3 =	ssub.s32 $0x0, s20;
	[sflag:s22] =	ssyncset.done $0x0  }
0xa0: {  	[sflag:s22] =	ssyncadd.s32 s3;
	_ =	sdelay $0x1  }
0xa1: {  	s23 =	simm.s32 $0x1B8B  }
0xa2: {  	_ =	swait.ge [sflag:s23], $0x1  }
0xa3: {  	[sflag:s23] =	ssyncset.done $0x0  }
0xa4: {  	s25 =	simm.s32 $0x1B8E;
	s24 =	sld [smem:$0x3FFE];
	[sflag:s23] =	ssyncadd.s32 $0xFFFFFFFF  }
0xa5: {  	s26 =	simm.s32 $execute0_lowered;
	[smem:$0x3FD2] =	sst s25  }
0xa6: {  	s4 =	sshll.u32 s26, $0x1;
	_ =	strace $0x80000052;
	[dreg:$0x1] =	wrdreg $0xFFFFFFFF  }
0xa7: {  	s28 =	simm.s32 $_size_execute0_lowered;
	s2 =	sadd.s32 s2, s4;
	[dreg:$0x0] =	wrdreg $0x0  }
0xa8: {  	s4 =	sshll.u32 s28, $0x1;
	[dreg:$0x2] =	wrdreg s2  }
0xa9: {  	[dreg:$0x3] =	wrdreg s4  }
0xaa: {  	[dreg:$0x4] =	wrdreg $0xC0  }
0xab: {  	_ =	task [dreg:s6], $0x5FFFF  }
0xac: {  	[dreg:$0x1] =	wrdreg $0xFFFFFFFF  }
0xad: {  	[dreg:$0x0] =	wrdreg $0x60  }
0xae: {  	[dreg:$0x2] =	wrdreg s24  }
0xaf: {  	[dreg:$0x3] =	wrdreg $0x9  }
0xb0: {  	_ =	task.clear_ibuf [dreg:s6], $0x4FFFF;
	_ =	strace $0x90000052  }
0xb1: {  	s29 =	simm.s32 $0x9;
	_ =	strace $0x80000054  }
0xb2: {  	_ =	swait.ge [sflag:s29], $0x1  }
0xb3: {  	[sflag:s29] =	ssyncadd.s32 $0xFFFFFFFF  }
0xb4: {  	_ =	strace $0x90000054  }
0xb5: {  	_ =	sfence  }
0xb6: {  	s30 =	sld [smem:$0x0];
	_ =	sdelay $0x2  }
0xb7: {  	s31 =	sshll.u32 s1, $0xD;
	s1 =	sshrl.u32 s1, $0x2  }
0xb8: {  	s3 =	sand.u32 $0x4000, s31;
	s1 =	sadd.s32 s1, s30  }
0xb9: {  	s0 =	sor.u32 s3, s0;
	s1 =	sshll.u32 s1, $0x11  }
0xba: {  	s0 =	sor.u32 s1, s0  }
0xbb: {  	s0 =	sadd.s32 $0x8F2B, s0  }
0xbc: {  	[sflag:s0] =	ssyncadd.remote.s32 $0x1  }
0xbd: {  	_ =	sfence.sel $0xFFFF  }
0xbe: {  	[dreg:$0x0] =	wrdreg $0xFFFFFFFF;
	(pc) =	sbr.abs _section_cstart, $3  }
0xbf: {  	[dreg:$0x1] =	wrdreg $0xFFFFFFFF  }
0xc0: {  	_ =	task.clear_ibuf [dreg:s6], $0x2FFFF;
	_ =	strace $0x9FFFFFFF  }
0xc1: {  	(tm) =	ssettm $0x7FFFFFFF  }
tec
execute0_lowered:
.L_overlay_start_1:
0x0: {  	(tag) =	ssettag $0x1  }
0x1: {  	s0 =	rddreg [dreg:$0x0];
	s1 =	simm.s32 $0x0  }
0x2: {  	s4 =	srdreg.scid;
	s11 =	stileid.u32;
	s23 =	simm.s32 $0x1  }
0x3: {  	s24 =	simm.s32 $0x2;
	s22 =	simm.s32 $0x9D00;
	s25 =	simm.s32 $0xA500  }
0x4: {  	s28 =	simm.s32 $0xB500;
	s29 =	simm.s32 $0xBD00;
	s30 =	simm.s32 $0xC500  }
0x5: {  	s31 =	simm.s32 $0xCD00;
	s12 =	simm.s32 $0xED00;
	s13 =	simm.s32 $0xF500  }
0x6: {  	s14 =	simm.s32 $0xFD00;
	s16 =	simm.s32 $0x0;
	[smem:$0x7FF] =	sst s1  }
0x7: {  	s2 =	sadd.s32 $0x21800, s0;
	s3 =	sadd.s32 $0xC1800, s0;
	s4 =	sand.u32 $0x1, s4  }
0x8: {  	s5 =	sadd.s32 $0x17A00, s0;
	s6 =	sadd.s32 $0x3C00, s0;
	s7 =	sadd.s32 $0x111800, s0  }
0x9: {  	_ =	strace $0x80000053;
	s8 =	ssub.s32 $0x2, s4;
	s4 =	sshll.u32 s4, $0x4  }
0xa: {  	s9 =	sshrl.u32 s8, $0x1;
	s4 =	sor.u32 s11, s4;
	s11 =	simm.s32 $0x3  }
0xb: {  	v2 =	vlaneseq.u32;
	s10 =	ssub.s32 s8, s9;
	s8 =	sadd.s32 $0x601800, s0;
	s9 =	smul.u32 $0x4F, s4  }
0xc: {  	vm0 =	vmmov $0xffff;
	v1 =	vshrl.u32 v2, $0x3;
	s0 =	simm.s32 $0xD500;
	s4 =	simm.s32 $0xDD00;
	s26 =	smax.u32 s10, $0x1  }
0xd: {  	v0 =	vand.u32 $0x7, v2;
	v2 =	vor.u32 $0x8, v2;
	v1 =	vmul.u32 $0x8, v1;
	s10 =	simm.s32 $0xE500;
	[dreg:$0x2] =	wrdreg s26;
	s26 =	simm.s32 $0xAD00  }
.LBB2_1:
0xe: {  	[dreg:$0x3] =	wrdreg s16;
	s15 =	simm.s32 $0x0  }
.LBB2_2:
0xf: {  	s16 =	sadd.s32 s9, s15  }
0x10: {  	s18 =	sshll.u32 s16, $0x4  }
0x11: {  	s17 =	simm.s32 $0x0;
	s19 =	sadd.s32 s5, s18  }
0x12: {  	[tilespmem:s17], [sflag:$0x3] =	stream.linear.gather [hbm4b:s19+s17], $0x80, $0x38;
	[tilespmem:$0x10100] =	vst v63  }
0x13: {  	_ =	swait.ge [sflag:s11], $0x80  }
0x14: {  	[sflag:s11] =	ssyncset.done $0x0  }
0x15: {  	s20 =	simm.s32 $0x80;
	s18 =	sadd.s32 s6, s18;
	[sflag:s11] =	ssyncadd.s32 $0xFFFFFF80  }
0x16: {  	[tilespmem:s20], [sflag:$0x3] =	stream.linear.gather [hbm4b:s18+s17], $0x80, $0x38;
	[tilespmem:$0x10100] =	vst v63  }
0x17: {  	_ =	swait.ge [sflag:s11], $0x80  }
0x18: {  	[sflag:s11] =	ssyncset.done $0x0  }
0x19: {  	[sflag:s11] =	ssyncadd.s32 $0xFFFFFF80  }
0x1a: {  	v3 =	vld [tilespmem:$0x0];
	_ =	sdelay $0x4  }
0x1b: {  	v4 =	vshll.u32 v3, $0x1  }
0x1c: {  	v3 =	vand.u32 $0x7, v3;
	v4 =	vand.u32 $0xFFFFFFF0, v4  }
0x1d: {  	v3 =	vor.u32 v3, v4  }
0x1e: {  	v4 =	vperm.xlane v3, v0;
	_ =	sdelay $0x1  }
0x1f: {  	v3 =	vperm.xlane v3, v2;
	v4 =	vadd.s32 v1, v4;
	_ =	sdelay $0x1  }
0x20: {  	v3 =	vadd.s32 v1, v3;
	_ =	sdelay $0x1  }
0x21: {  	s21 =	simm.s32 $0x100  }
0x22: {  	[tilespmem:s21], [sflag:$0x1] =	stream.indirect_vreg.gather [hbm4b:s2+s17], $0x80, v4, vm0, $0xb8;
	[tilespmem:$0x10100] =	vst v63  }
0x23: {  	s19 =	simm.s32 $0x900  }
0x24: {  	[tilespmem:s19], [sflag:$0x1] =	stream.indirect_vreg.gather [hbm4b:s2+s17], $0x80, v3, vm0, $0xb8;
	[tilespmem:$0x10100] =	vst v63  }
0x25: {  	v3 =	vld [tilespmem:$0x10];
	_ =	sdelay $0x4  }
0x26: {  	v4 =	vshll.u32 v3, $0x1  }
0x27: {  	v3 =	vand.u32 $0x7, v3;
	v4 =	vand.u32 $0xFFFFFFF0, v4  }
0x28: {  	v3 =	vor.u32 v3, v4  }
0x29: {  	v4 =	vperm.xlane v3, v0;
	_ =	sdelay $0x1  }
0x2a: {  	v3 =	vperm.xlane v3, v2;
	v4 =	vadd.s32 v1, v4;
	_ =	sdelay $0x1  }
0x2b: {  	v3 =	vadd.s32 v1, v3;
	_ =	sdelay $0x1  }
0x2c: {  	s20 =	simm.s32 $0x1100  }
0x2d: {  	[tilespmem:s20], [sflag:$0x1] =	stream.indirect_vreg.gather [hbm4b:s2+s17], $0x80, v4, vm0, $0xb8;
	[tilespmem:$0x10100] =	vst v63  }
0x2e: {  	s21 =	simm.s32 $0x1900  }
0x2f: {  	[tilespmem:s21], [sflag:$0x1] =	stream.indirect_vreg.gather [hbm4b:s2+s17], $0x80, v3, vm0, $0xb8;
	[tilespmem:$0x10100] =	vst v63  }
0x30: {  	v3 =	vld [tilespmem:$0x20];
	_ =	sdelay $0x4  }
0x31: {  	v4 =	vshll.u32 v3, $0x1  }
0x32: {  	v3 =	vand.u32 $0x7, v3;
	v4 =	vand.u32 $0xFFFFFFF0, v4  }
0x33: {  	v3 =	vor.u32 v3, v4  }
0x34: {  	v4 =	vperm.xlane v3, v0;
	_ =	sdelay $0x1  }
0x35: {  	v3 =	vperm.xlane v3, v2;
	v4 =	vadd.s32 v1, v4;
	_ =	sdelay $0x1  }
0x36: {  	v3 =	vadd.s32 v1, v3;
	_ =	sdelay $0x1  }
0x37: {  	s19 =	simm.s32 $0x2100  }
0x38: {  	[tilespmem:s19], [sflag:$0x1] =	stream.indirect_vreg.gather [hbm4b:s2+s17], $0x80, v4, vm0, $0xb8;
	[tilespmem:$0x10100] =	vst v63  }
0x39: {  	s20 =	simm.s32 $0x2900  }
0x3a: {  	[tilespmem:s20], [sflag:$0x1] =	stream.indirect_vreg.gather [hbm4b:s2+s17], $0x80, v3, vm0, $0xb8;
	[tilespmem:$0x10100] =	vst v63  }
0x3b: {  	v3 =	vld [tilespmem:$0x30];
	_ =	sdelay $0x4  }
0x3c: {  	v4 =	vshll.u32 v3, $0x1  }
0x3d: {  	v3 =	vand.u32 $0x7, v3;
	v4 =	vand.u32 $0xFFFFFFF0, v4  }
0x3e: {  	v3 =	vor.u32 v3, v4  }
0x3f: {  	v4 =	vperm.xlane v3, v0;
	_ =	sdelay $0x1  }
0x40: {  	v3 =	vperm.xlane v3, v2;
	v4 =	vadd.s32 v1, v4;
	_ =	sdelay $0x1  }
0x41: {  	v3 =	vadd.s32 v1, v3;
	_ =	sdelay $0x1  }
0x42: {  	s21 =	simm.s32 $0x3100  }
0x43: {  	[tilespmem:s21], [sflag:$0x1] =	stream.indirect_vreg.gather [hbm4b:s2+s17], $0x80, v4, vm0, $0xb8;
	[tilespmem:$0x10100] =	vst v63  }
0x44: {  	s19 =	simm.s32 $0x3900  }
0x45: {  	[tilespmem:s19], [sflag:$0x1] =	stream.indirect_vreg.gather [hbm4b:s2+s17], $0x80, v3, vm0, $0xb8;
	[tilespmem:$0x10100] =	vst v63  }
0x46: {  	v3 =	vld [tilespmem:$0x40];
	_ =	sdelay $0x4  }
0x47: {  	v4 =	vshll.u32 v3, $0x1  }
0x48: {  	v3 =	vand.u32 $0x7, v3;
	v4 =	vand.u32 $0xFFFFFFF0, v4  }
0x49: {  	v3 =	vor.u32 v3, v4  }
0x4a: {  	v4 =	vperm.xlane v3, v0;
	_ =	sdelay $0x1  }
0x4b: {  	v3 =	vperm.xlane v3, v2;
	v4 =	vadd.s32 v1, v4;
	_ =	sdelay $0x1  }
0x4c: {  	v3 =	vadd.s32 v1, v3;
	_ =	sdelay $0x1  }
0x4d: {  	s20 =	simm.s32 $0x4100  }
0x4e: {  	[tilespmem:s20], [sflag:$0x1] =	stream.indirect_vreg.gather [hbm4b:s2+s17], $0x80, v4, vm0, $0xb8;
	[tilespmem:$0x10100] =	vst v63  }
0x4f: {  	s21 =	simm.s32 $0x4900  }
0x50: {  	[tilespmem:s21], [sflag:$0x1] =	stream.indirect_vreg.gather [hbm4b:s2+s17], $0x80, v3, vm0, $0xb8;
	[tilespmem:$0x10100] =	vst v63  }
0x51: {  	v3 =	vld [tilespmem:$0x50];
	_ =	sdelay $0x4  }
0x52: {  	v4 =	vshll.u32 v3, $0x1  }
0x53: {  	v3 =	vand.u32 $0x7, v3;
	v4 =	vand.u32 $0xFFFFFFF0, v4  }
0x54: {  	v3 =	vor.u32 v3, v4  }
0x55: {  	v4 =	vperm.xlane v3, v0;
	_ =	sdelay $0x1  }
0x56: {  	v3 =	vperm.xlane v3, v2;
	v4 =	vadd.s32 v1, v4;
	_ =	sdelay $0x1  }
0x57: {  	v3 =	vadd.s32 v1, v3;
	_ =	sdelay $0x1  }
0x58: {  	s19 =	simm.s32 $0x5100  }
0x59: {  	[tilespmem:s19], [sflag:$0x1] =	stream.indirect_vreg.gather [hbm4b:s2+s17], $0x80, v4, vm0, $0xb8;
	[tilespmem:$0x10100] =	vst v63  }
0x5a: {  	s20 =	simm.s32 $0x5900  }
0x5b: {  	[tilespmem:s20], [sflag:$0x1] =	stream.indirect_vreg.gather [hbm4b:s2+s17], $0x80, v3, vm0, $0xb8;
	[tilespmem:$0x10100] =	vst v63  }
0x5c: {  	v3 =	vld [tilespmem:$0x60];
	_ =	sdelay $0x4  }
0x5d: {  	v4 =	vshll.u32 v3, $0x1  }
0x5e: {  	v3 =	vand.u32 $0x7, v3;
	v4 =	vand.u32 $0xFFFFFFF0, v4  }
0x5f: {  	v3 =	vor.u32 v3, v4  }
0x60: {  	v4 =	vperm.xlane v3, v0;
	_ =	sdelay $0x1  }
0x61: {  	v3 =	vperm.xlane v3, v2;
	v4 =	vadd.s32 v1, v4;
	_ =	sdelay $0x1  }
0x62: {  	v3 =	vadd.s32 v1, v3;
	_ =	sdelay $0x1  }
0x63: {  	s21 =	simm.s32 $0x6100  }
0x64: {  	[tilespmem:s21], [sflag:$0x1] =	stream.indirect_vreg.gather [hbm4b:s2+s17], $0x80, v4, vm0, $0xb8;
	[tilespmem:$0x10100] =	vst v63  }
0x65: {  	s19 =	simm.s32 $0x6900  }
0x66: {  	[tilespmem:s19], [sflag:$0x1] =	stream.indirect_vreg.gather [hbm4b:s2+s17], $0x80, v3, vm0, $0xb8;
	[tilespmem:$0x10100] =	vst v63  }
0x67: {  	v3 =	vld [tilespmem:$0x70];
	_ =	sdelay $0x4  }
0x68: {  	v4 =	vshll.u32 v3, $0x1  }
0x69: {  	v3 =	vand.u32 $0x7, v3;
	v4 =	vand.u32 $0xFFFFFFF0, v4  }
0x6a: {  	v3 =	vor.u32 v3, v4  }
0x6b: {  	v4 =	vperm.xlane v3, v0;
	_ =	sdelay $0x1  }
0x6c: {  	v3 =	vperm.xlane v3, v2;
	v4 =	vadd.s32 v1, v4;
	_ =	sdelay $0x1  }
0x6d: {  	v3 =	vadd.s32 v1, v3;
	_ =	sdelay $0x1  }
0x6e: {  	s20 =	simm.s32 $0x7100  }
0x6f: {  	[tilespmem:s20], [sflag:$0x1] =	stream.indirect_vreg.gather [hbm4b:s2+s17], $0x80, v4, vm0, $0xb8;
	[tilespmem:$0x10100] =	vst v63  }
0x70: {  	s21 =	simm.s32 $0x7900  }
0x71: {  	[tilespmem:s21], [sflag:$0x1] =	stream.indirect_vreg.gather [hbm4b:s2+s17], $0x80, v3, vm0, $0xb8;
	[tilespmem:$0x10100] =	vst v63  }
0x72: {  	v3 =	vld [tilespmem:$0x80];
	_ =	sdelay $0x4  }
0x73: {  	v4 =	vshll.u32 v3, $0x1  }
0x74: {  	v3 =	vand.u32 $0x7, v3;
	v4 =	vand.u32 $0xFFFFFFF0, v4  }
0x75: {  	v3 =	vor.u32 v3, v4  }
0x76: {  	v4 =	vperm.xlane v3, v0;
	_ =	sdelay $0x1  }
0x77: {  	v3 =	vperm.xlane v3, v2;
	v4 =	vadd.s32 v1, v4;
	_ =	sdelay $0x1  }
0x78: {  	v3 =	vadd.s32 v1, v3;
	_ =	sdelay $0x1  }
0x79: {  	s19 =	simm.s32 $0x8100  }
0x7a: {  	[tilespmem:s19], [sflag:$0x2] =	stream.indirect_vreg.gather [hbm4b:s3+s17], $0x80, v4, vm0, $0xb8;
	[tilespmem:$0x10100] =	vst v63  }
0x7b: {  	s20 =	simm.s32 $0x8900  }
0x7c: {  	[tilespmem:s20], [sflag:$0x2] =	stream.indirect_vreg.gather [hbm4b:s3+s17], $0x80, v3, vm0, $0xb8;
	[tilespmem:$0x10100] =	vst v63  }
0x7d: {  	v3 =	vld [tilespmem:$0x90];
	_ =	sdelay $0x4  }
0x7e: {  	v4 =	vshll.u32 v3, $0x1  }
0x7f: {  	v3 =	vand.u32 $0x7, v3;
	v4 =	vand.u32 $0xFFFFFFF0, v4  }
0x80: {  	v3 =	vor.u32 v3, v4  }
0x81: {  	v4 =	vperm.xlane v3, v0;
	_ =	sdelay $0x1  }
0x82: {  	v3 =	vperm.xlane v3, v2;
	v4 =	vadd.s32 v1, v4;
	_ =	sdelay $0x1  }
0x83: {  	v3 =	vadd.s32 v1, v3;
	_ =	sdelay $0x1  }
0x84: {  	s21 =	simm.s32 $0x9100  }
0x85: {  	[tilespmem:s21], [sflag:$0x2] =	stream.indirect_vreg.gather [hbm4b:s3+s17], $0x80, v4, vm0, $0xb8;
	[tilespmem:$0x10100] =	vst v63  }
0x86: {  	s19 =	simm.s32 $0x9900  }
0x87: {  	[tilespmem:s19], [sflag:$0x2] =	stream.indirect_vreg.gather [hbm4b:s3+s17], $0x80, v3, vm0, $0xb8;
	[tilespmem:$0x10100] =	vst v63  }
0x88: {  	v3 =	vld [tilespmem:$0xA0];
	_ =	sdelay $0x4  }
0x89: {  	v4 =	vshll.u32 v3, $0x1  }
0x8a: {  	v3 =	vand.u32 $0x7, v3;
	v4 =	vand.u32 $0xFFFFFFF0, v4  }
0x8b: {  	v3 =	vor.u32 v3, v4  }
0x8c: {  	v4 =	vperm.xlane v3, v0;
	_ =	sdelay $0x1  }
0x8d: {  	v3 =	vperm.xlane v3, v2;
	v4 =	vadd.s32 v1, v4;
	_ =	sdelay $0x1  }
0x8e: {  	v3 =	vadd.s32 v1, v3;
	_ =	sdelay $0x1  }
0x8f: {  	s20 =	simm.s32 $0xA100  }
0x90: {  	[tilespmem:s20], [sflag:$0x2] =	stream.indirect_vreg.gather [hbm4b:s3+s17], $0x80, v4, vm0, $0xb8;
	[tilespmem:$0x10100] =	vst v63  }
0x91: {  	s21 =	simm.s32 $0xA900  }
0x92: {  	[tilespmem:s21], [sflag:$0x2] =	stream.indirect_vreg.gather [hbm4b:s3+s17], $0x80, v3, vm0, $0xb8;
	[tilespmem:$0x10100] =	vst v63  }
0x93: {  	v3 =	vld [tilespmem:$0xB0];
	_ =	sdelay $0x4  }
0x94: {  	v4 =	vshll.u32 v3, $0x1  }
0x95: {  	v3 =	vand.u32 $0x7, v3;
	v4 =	vand.u32 $0xFFFFFFF0, v4  }
0x96: {  	v3 =	vor.u32 v3, v4  }
0x97: {  	v4 =	vperm.xlane v3, v0;
	_ =	sdelay $0x1  }
0x98: {  	v3 =	vperm.xlane v3, v2;
	v4 =	vadd.s32 v1, v4;
	_ =	sdelay $0x1  }
0x99: {  	v3 =	vadd.s32 v1, v3;
	_ =	sdelay $0x1  }
0x9a: {  	s19 =	simm.s32 $0xB100  }
0x9b: {  	[tilespmem:s19], [sflag:$0x2] =	stream.indirect_vreg.gather [hbm4b:s3+s17], $0x80, v4, vm0, $0xb8;
	[tilespmem:$0x10100] =	vst v63  }
0x9c: {  	s20 =	simm.s32 $0xB900  }
0x9d: {  	[tilespmem:s20], [sflag:$0x2] =	stream.indirect_vreg.gather [hbm4b:s3+s17], $0x80, v3, vm0, $0xb8;
	[tilespmem:$0x10100] =	vst v63  }
0x9e: {  	v3 =	vld [tilespmem:$0xC0];
	_ =	sdelay $0x4  }
0x9f: {  	v4 =	vshll.u32 v3, $0x1  }
0xa0: {  	v3 =	vand.u32 $0x7, v3;
	v4 =	vand.u32 $0xFFFFFFF0, v4  }
0xa1: {  	v3 =	vor.u32 v3, v4  }
0xa2: {  	v4 =	vperm.xlane v3, v0;
	_ =	sdelay $0x1  }
0xa3: {  	v3 =	vperm.xlane v3, v2;
	v4 =	vadd.s32 v1, v4;
	_ =	sdelay $0x1  }
0xa4: {  	v3 =	vadd.s32 v1, v3;
	_ =	sdelay $0x1  }
0xa5: {  	s21 =	simm.s32 $0xC100  }
0xa6: {  	[tilespmem:s21], [sflag:$0x2] =	stream.indirect_vreg.gather [hbm4b:s3+s17], $0x80, v4, vm0, $0xb8;
	[tilespmem:$0x10100] =	vst v63  }
0xa7: {  	s19 =	simm.s32 $0xC900  }
0xa8: {  	[tilespmem:s19], [sflag:$0x2] =	stream.indirect_vreg.gather [hbm4b:s3+s17], $0x80, v3, vm0, $0xb8;
	[tilespmem:$0x10100] =	vst v63  }
0xa9: {  	v3 =	vld [tilespmem:$0xD0];
	_ =	sdelay $0x4  }
0xaa: {  	v4 =	vshll.u32 v3, $0x1  }
0xab: {  	v3 =	vand.u32 $0x7, v3;
	v4 =	vand.u32 $0xFFFFFFF0, v4  }
0xac: {  	v3 =	vor.u32 v3, v4  }
0xad: {  	v4 =	vperm.xlane v3, v0;
	_ =	sdelay $0x1  }
0xae: {  	v3 =	vperm.xlane v3, v2;
	v4 =	vadd.s32 v1, v4;
	_ =	sdelay $0x1  }
0xaf: {  	v3 =	vadd.s32 v1, v3;
	_ =	sdelay $0x1  }
0xb0: {  	s20 =	simm.s32 $0xD100  }
0xb1: {  	[tilespmem:s20], [sflag:$0x2] =	stream.indirect_vreg.gather [hbm4b:s3+s17], $0x80, v4, vm0, $0xb8;
	[tilespmem:$0x10100] =	vst v63  }
0xb2: {  	s21 =	simm.s32 $0xD900  }
0xb3: {  	[tilespmem:s21], [sflag:$0x2] =	stream.indirect_vreg.gather [hbm4b:s3+s17], $0x80, v3, vm0, $0xb8;
	[tilespmem:$0x10100] =	vst v63  }
0xb4: {  	v3 =	vld [tilespmem:$0xE0];
	_ =	sdelay $0x4  }
0xb5: {  	v4 =	vshll.u32 v3, $0x1  }
0xb6: {  	v3 =	vand.u32 $0x7, v3;
	v4 =	vand.u32 $0xFFFFFFF0, v4  }
0xb7: {  	v3 =	vor.u32 v3, v4  }
0xb8: {  	v4 =	vperm.xlane v3, v0;
	_ =	sdelay $0x1  }
0xb9: {  	v3 =	vperm.xlane v3, v2;
	v4 =	vadd.s32 v1, v4;
	_ =	sdelay $0x1  }
0xba: {  	v3 =	vadd.s32 v1, v3;
	_ =	sdelay $0x1  }
0xbb: {  	s19 =	simm.s32 $0xE100  }
0xbc: {  	[tilespmem:s19], [sflag:$0x2] =	stream.indirect_vreg.gather [hbm4b:s3+s17], $0x80, v4, vm0, $0xb8;
	[tilespmem:$0x10100] =	vst v63  }
0xbd: {  	s20 =	simm.s32 $0xE900  }
0xbe: {  	[tilespmem:s20], [sflag:$0x2] =	stream.indirect_vreg.gather [hbm4b:s3+s17], $0x80, v3, vm0, $0xb8;
	[tilespmem:$0x10100] =	vst v63  }
0xbf: {  	v3 =	vld [tilespmem:$0xF0];
	_ =	sdelay $0x4  }
0xc0: {  	v4 =	vshll.u32 v3, $0x1  }
0xc1: {  	v3 =	vand.u32 $0x7, v3;
	v4 =	vand.u32 $0xFFFFFFF0, v4  }
0xc2: {  	v3 =	vor.u32 v3, v4  }
0xc3: {  	v4 =	vperm.xlane v3, v0;
	_ =	sdelay $0x1  }
0xc4: {  	v3 =	vperm.xlane v3, v2;
	v4 =	vadd.s32 v1, v4;
	_ =	sdelay $0x1  }
0xc5: {  	v3 =	vadd.s32 v1, v3;
	_ =	sdelay $0x1  }
0xc6: {  	s21 =	simm.s32 $0xF100  }
0xc7: {  	[tilespmem:s21], [sflag:$0x2] =	stream.indirect_vreg.gather [hbm4b:s3+s17], $0x80, v4, vm0, $0xb8;
	[tilespmem:$0x10100] =	vst v63  }
0xc8: {  	s19 =	simm.s32 $0xF900  }
0xc9: {  	[tilespmem:s19], [sflag:$0x2] =	stream.indirect_vreg.gather [hbm4b:s3+s17], $0x80, v3, vm0, $0xb8;
	[tilespmem:$0x10100] =	vst v63  }
0xca: {  	_ =	swait.ge [sflag:s23], $0x8000  }
0xcb: {  	[sflag:s23] =	ssyncset.done $0x0  }
0xcc: {  	[sflag:s23] =	ssyncadd.s32 $0xFFFF8000  }
0xcd: {  	_ =	swait.ge [sflag:s24], $0x8000  }
0xce: {  	s20 =	sand.u32 $0x7800, s17;
	s17 =	sand.u32 $0x380, s17;
	[sflag:s24] =	ssyncset.done $0x0  }
0xcf: {  	s17 =	sor.u32 s17, s20;
	[sflag:s24] =	ssyncadd.s32 $0xFFFF8000  }
0xd0: {  	v3 =	vld [tilespmem:s17+$0x100]  }
0xd1: {  	v4 =	vld [tilespmem:s17+$0x8100]  }
0xd2: {  	v5 =	vld [tilespmem:s17+$0x110]  }
0xd3: {  	v6 =	vld [tilespmem:s17+$0x8110]  }
0xd4: {  	v7 =	vld [tilespmem:s17+$0x120]  }
0xd5: {  	v8 =	vld [tilespmem:s17+$0x8120]  }
0xd6: {  	v9 =	vld [tilespmem:s17+$0x130]  }
0xd7: {  	v10 =	vld [tilespmem:s17+$0x8130]  }
0xd8: {  	v11 =	vld [tilespmem:s17+$0x140];
	v3 =	vsub.f32 v3, v4;
	v4 =	vsub.f32 v5, v6  }
0xd9: {  	v12 =	vld [tilespmem:s17+$0x8140]  }
0xda: {  	v13 =	vld [tilespmem:s17+$0x150];
	v6 =	vsub.f32 v7, v8;
	v5 =	vmul.f32 v3, v3;
	v4 =	vmul.f32 v4, v4  }
0xdb: {  	v7 =	vld [tilespmem:s17+$0x8150]  }
0xdc: {  	v9 =	vsub.f32 v9, v10;
	v3 =	vld [tilespmem:s17+$0x160];
	v8 =	vmul.f32 v6, v6;
	v4 =	vadd.f32 v4, v5  }
0xdd: {  	s21 =	simm.s32 $0x100;
	s19 =	simm.s32 $0x80;
	v5 =	vld [tilespmem:s17+$0x8160]  }
0xde: {  	s18 =	sand.u32 $0x7800, s21;
	s20 =	sand.u32 $0x380, s19;
	v11 =	vsub.f32 v11, v12;
	v6 =	vld [tilespmem:s17+$0x170];
	v9 =	vmul.f32 v9, v9;
	v10 =	vadd.f32 v8, v4  }
0xdf: {  	s18 =	sor.u32 s20, s18;
	v8 =	vld [tilespmem:s17+$0x8170]  }
0xe0: {  	v4 =	vld [tilespmem:s18+$0x100];
	v9 =	vadd.f32 v9, v10;
	v10 =	vmul.f32 v11, v11;
	v11 =	vsub.f32 v13, v7  }
0xe1: {  	s20 =	simm.s32 $0x200;
	v7 =	vld [tilespmem:s18+$0x8100]  }
.LBB2_3:
0xe2: {  	p0 =	sne.s32 s20, $0x7F00;
	v12 =	vld [tilespmem:s18+$0x110];
	v9 =	vadd.f32 v10, v9;
	v10 =	vmul.f32 v11, v11;
	v3 =	vsub.f32 v3, v5  }
0xe3: {  	v5 =	vld [tilespmem:s18+$0x8110]  }
0xe4: {  	v11 =	vld [tilespmem:s18+$0x120];
	v9 =	vadd.f32 v10, v9;
	v3 =	vmul.f32 v3, v3;
	v6 =	vsub.f32 v6, v8  }
0xe5: {  	v8 =	vld [tilespmem:s18+$0x8120]  }
0xe6: {  	v10 =	vld [tilespmem:s18+$0x130];
	v3 =	vadd.f32 v3, v9;
	v6 =	vmul.f32 v6, v6  }
0xe7: {  	v4 =	vsub.f32 v4, v7;
	v7 =	vld [tilespmem:s18+$0x8130]  }
0xe8: {  	v5 =	vsub.f32 v12, v5;
	v9 =	vld [tilespmem:s18+$0x140];
	v3 =	vadd.f32 v6, v3  }
0xe9: {  	v6 =	vld [tilespmem:s18+$0x8140]  }
0xea: {  	v4 =	vmul.f32 v4, v4;
	v5 =	vmul.f32 v5, v5;
	v8 =	vsub.f32 v11, v8;
	v11 =	vld [tilespmem:s18+$0x150];
	[tilespmem:s17+$0x540] =	vst v3;
	s17 =	smov.u32 s18  }
0xeb: {  	v12 =	vld [tilespmem:s17+$0x8150]  }
0xec: {  	v4 =	vadd.f32 v5, v4;
	v8 =	vmul.f32 v8, v8;
	v7 =	vsub.f32 v10, v7;
	v3 =	vld [tilespmem:s17+$0x160]  }
.Ltmp0:
0xed: {  	s19 =	sadd.s32 $0x80, s19;
	v5 =	vld [tilespmem:s17+$0x8160];
	(pc) =	sbr.rel @p0 .LBB2_3-.Ltmp0, $4  }
0xee: {  	s21 =	sand.u32 $0x380, s19;
	s18 =	sand.u32 $0x7800, s20;
	v10 =	vadd.f32 v8, v4;
	v7 =	vmul.f32 v7, v7;
	v13 =	vsub.f32 v9, v6;
	v6 =	vld [tilespmem:s17+$0x170]  }
0xef: {  	s18 =	sor.u32 s21, s18;
	v8 =	vld [tilespmem:s17+$0x8170]  }
0xf0: {  	v4 =	vld [tilespmem:s18+$0x100];
	v9 =	vadd.f32 v7, v10;
	v10 =	vmul.f32 v13, v13;
	v11 =	vsub.f32 v11, v12  }
0xf1: {  	s20 =	sadd.s32 $0x100, s20;
	v7 =	vld [tilespmem:s18+$0x8100]  }
0xf2: {  	v12 =	vld [tilespmem:s18+$0x110];
	v9 =	vadd.f32 v10, v9;
	v43 =	vmul.f32 v11, v11;
	v3 =	vsub.f32 v3, v5  }
0xf3: {  	v44 =	vld [tilespmem:s18+$0x8110]  }
0xf4: {  	v45 =	vld [tilespmem:s18+$0x120];
	v9 =	vadd.f32 v43, v9;
	v3 =	vmul.f32 v3, v3;
	v6 =	vsub.f32 v6, v8  }
0xf5: {  	v46 =	vld [tilespmem:s18+$0x8120]  }
0xf6: {  	v47 =	vld [tilespmem:s18+$0x130];
	v3 =	vadd.f32 v3, v9;
	v6 =	vmul.f32 v6, v6  }
0xf7: {  	v48 =	vld [tilespmem:s18+$0x8130];
	v4 =	vsub.f32 v4, v7  }
0xf8: {  	v49 =	vld [tilespmem:s18+$0x140];
	v5 =	vsub.f32 v12, v44;
	v3 =	vadd.f32 v6, v3  }
0xf9: {  	v50 =	vld [tilespmem:s18+$0x8140]  }
0xfa: {  	v51 =	vld [tilespmem:s18+$0x150];
	v8 =	vsub.f32 v45, v46;
	v4 =	vmul.f32 v4, v4;
	v5 =	vmul.f32 v5, v5;
	[tilespmem:s17+$0x540] =	vst v3  }
0xfb: {  	v3 =	vld [tilespmem:s18+$0x8150]  }
0xfc: {  	v53 =	vsub.f32 v47, v48;
	v52 =	vmul.f32 v8, v8;
	v4 =	vadd.f32 v5, v4;
	v54 =	vld [tilespmem:s18+$0x160]  }
0xfd: {  	v55 =	vld [tilespmem:s18+$0x8160]  }
0xfe: {  	v6 =	vsub.f32 v49, v50;
	v56 =	vmul.f32 v53, v53;
	v57 =	vld [tilespmem:s18+$0x170];
	v4 =	vadd.f32 v52, v4  }
0xff: {  	v58 =	vld [tilespmem:s18+$0x8170]  }
0x100: {  	v59 =	vmul.f32 v6, v6;
	v4 =	vadd.f32 v56, v4;
	v3 =	vsub.f32 v51, v3;
	_ =	sdelay $0x1  }
0x101: {  	v60 =	vsub.f32 v54, v55;
	v4 =	vadd.f32 v59, v4;
	v3 =	vmul.f32 v3, v3;
	_ =	sdelay $0x1  }
0x102: {  	v62 =	vsub.f32 v57, v58;
	v61 =	vmul.f32 v60, v60;
	v3 =	vadd.f32 v3, v4;
	_ =	sdelay $0x1  }
0x103: {  	v63 =	vmul.f32 v62, v62;
	v3 =	vadd.f32 v61, v3;
	_ =	sdelay $0x1  }
0x104: {  	v3 =	vadd.f32 v63, v3  }
0x105: {  	s16 =	sshll.u32 s16, $0xB  }
0x106: {  	s20 =	simm.s32 $0x500;
	s17 =	sadd.s32 s7, s16;
	[tilespmem:s18+$0x540] =	vst v3  }
0x107: {  	[hbm4b:s17+s1] =	stream.linear.scatter [tilespmem:s20], [sflag:$0x3], $0x400, $0x38;
	[tilespmem:$0x10100] =	vst v63  }
0x108: {  	s19 =	simm.s32 $0xD00;
	s21 =	sadd.s32 $0x80, s17  }
0x109: {  	[hbm4b:s21+s1] =	stream.linear.scatter [tilespmem:s19], [sflag:$0x3], $0x400, $0x38;
	[tilespmem:$0x10100] =	vst v63  }
0x10a: {  	s20 =	sadd.s32 $0x100, s17;
	s21 =	simm.s32 $0x1500  }
0x10b: {  	[hbm4b:s20+s1] =	stream.linear.scatter [tilespmem:s21], [sflag:$0x3], $0x400, $0x38;
	[tilespmem:$0x10100] =	vst v63  }
0x10c: {  	s20 =	sadd.s32 $0x180, s17;
	s21 =	simm.s32 $0x1D00  }
0x10d: {  	[hbm4b:s20+s1] =	stream.linear.scatter [tilespmem:s21], [sflag:$0x3], $0x400, $0x38;
	[tilespmem:$0x10100] =	vst v63  }
0x10e: {  	s20 =	sadd.s32 $0x200, s17;
	s21 =	simm.s32 $0x2500  }
0x10f: {  	[hbm4b:s20+s1] =	stream.linear.scatter [tilespmem:s21], [sflag:$0x3], $0x400, $0x38;
	[tilespmem:$0x10100] =	vst v63  }
0x110: {  	s20 =	sadd.s32 $0x280, s17;
	s21 =	simm.s32 $0x2D00  }
0x111: {  	[hbm4b:s20+s1] =	stream.linear.scatter [tilespmem:s21], [sflag:$0x3], $0x400, $0x38;
	[tilespmem:$0x10100] =	vst v63  }
0x112: {  	s20 =	sadd.s32 $0x300, s17;
	s21 =	simm.s32 $0x3500  }
0x113: {  	[hbm4b:s20+s1] =	stream.linear.scatter [tilespmem:s21], [sflag:$0x3], $0x400, $0x38;
	[tilespmem:$0x10100] =	vst v63  }
0x114: {  	s20 =	sadd.s32 $0x380, s17;
	s21 =	simm.s32 $0x3D00  }
0x115: {  	[hbm4b:s20+s1] =	stream.linear.scatter [tilespmem:s21], [sflag:$0x3], $0x400, $0x38;
	[tilespmem:$0x10100] =	vst v63  }
0x116: {  	s20 =	sadd.s32 $0x400, s17;
	s21 =	simm.s32 $0x4500  }
0x117: {  	[hbm4b:s20+s1] =	stream.linear.scatter [tilespmem:s21], [sflag:$0x3], $0x400, $0x38;
	[tilespmem:$0x10100] =	vst v63  }
0x118: {  	s20 =	sadd.s32 $0x480, s17;
	s21 =	simm.s32 $0x4D00  }
0x119: {  	[hbm4b:s20+s1] =	stream.linear.scatter [tilespmem:s21], [sflag:$0x3], $0x400, $0x38;
	[tilespmem:$0x10100] =	vst v63  }
0x11a: {  	s20 =	sadd.s32 $0x500, s17;
	s21 =	simm.s32 $0x5500  }
0x11b: {  	[hbm4b:s20+s1] =	stream.linear.scatter [tilespmem:s21], [sflag:$0x3], $0x400, $0x38;
	[tilespmem:$0x10100] =	vst v63  }
0x11c: {  	s20 =	sadd.s32 $0x580, s17;
	s21 =	simm.s32 $0x5D00  }
0x11d: {  	[hbm4b:s20+s1] =	stream.linear.scatter [tilespmem:s21], [sflag:$0x3], $0x400, $0x38;
	[tilespmem:$0x10100] =	vst v63  }
0x11e: {  	s20 =	sadd.s32 $0x600, s17;
	s21 =	simm.s32 $0x6500  }
0x11f: {  	[hbm4b:s20+s1] =	stream.linear.scatter [tilespmem:s21], [sflag:$0x3], $0x400, $0x38;
	[tilespmem:$0x10100] =	vst v63  }
0x120: {  	s20 =	sadd.s32 $0x680, s17;
	s21 =	simm.s32 $0x6D00  }
0x121: {  	[hbm4b:s20+s1] =	stream.linear.scatter [tilespmem:s21], [sflag:$0x3], $0x400, $0x38;
	[tilespmem:$0x10100] =	vst v63  }
0x122: {  	s20 =	sadd.s32 $0x700, s17;
	s21 =	simm.s32 $0x7500  }
0x123: {  	[hbm4b:s20+s1] =	stream.linear.scatter [tilespmem:s21], [sflag:$0x3], $0x400, $0x38;
	[tilespmem:$0x10100] =	vst v63  }
0x124: {  	s17 =	sadd.s32 $0x780, s17;
	s20 =	simm.s32 $0x7D00  }
0x125: {  	[hbm4b:s17+s1] =	stream.linear.scatter [tilespmem:s20], [sflag:$0x3], $0x400, $0x38;
	[tilespmem:$0x10100] =	vst v63  }
0x126: {  	_ =	swait.ge [sflag:s11], $0x4000  }
0x127: {  	[sflag:s11] =	ssyncset.done $0x0  }
0x128: {  	s16 =	sadd.s32 s8, s16;
	s21 =	simm.s32 $0x8500;
	[sflag:s11] =	ssyncadd.s32 $0xFFFFC000  }
0x129: {  	[hbm4b:s16+s1] =	stream.linear.scatter [tilespmem:s21], [sflag:$0x3], $0x400, $0x38;
	[tilespmem:$0x10100] =	vst v63  }
0x12a: {  	s18 =	sadd.s32 $0x80, s16;
	s19 =	simm.s32 $0x8D00  }
0x12b: {  	[hbm4b:s18+s1] =	stream.linear.scatter [tilespmem:s19], [sflag:$0x3], $0x400, $0x38;
	[tilespmem:$0x10100] =	vst v63  }
0x12c: {  	s20 =	sadd.s32 $0x100, s16;
	s21 =	simm.s32 $0x9500  }
0x12d: {  	[hbm4b:s20+s1] =	stream.linear.scatter [tilespmem:s21], [sflag:$0x3], $0x400, $0x38;
	[tilespmem:$0x10100] =	vst v63  }
0x12e: {  	s18 =	sadd.s32 $0x180, s16  }
0x12f: {  	[hbm4b:s18+s1] =	stream.linear.scatter [tilespmem:s22], [sflag:$0x3], $0x400, $0x38;
	[tilespmem:$0x10100] =	vst v63  }
0x130: {  	s19 =	sadd.s32 $0x200, s16  }
0x131: {  	[hbm4b:s19+s1] =	stream.linear.scatter [tilespmem:s25], [sflag:$0x3], $0x400, $0x38;
	[tilespmem:$0x10100] =	vst v63  }
0x132: {  	s20 =	sadd.s32 $0x280, s16  }
0x133: {  	[hbm4b:s20+s1] =	stream.linear.scatter [tilespmem:s26], [sflag:$0x3], $0x400, $0x38;
	[tilespmem:$0x10100] =	vst v63  }
0x134: {  	s21 =	sadd.s32 $0x300, s16  }
0x135: {  	[hbm4b:s21+s1] =	stream.linear.scatter [tilespmem:s28], [sflag:$0x3], $0x400, $0x38;
	[tilespmem:$0x10100] =	vst v63  }
0x136: {  	s18 =	sadd.s32 $0x380, s16  }
0x137: {  	[hbm4b:s18+s1] =	stream.linear.scatter [tilespmem:s29], [sflag:$0x3], $0x400, $0x38;
	[tilespmem:$0x10100] =	vst v63  }
0x138: {  	s19 =	sadd.s32 $0x400, s16  }
0x139: {  	[hbm4b:s19+s1] =	stream.linear.scatter [tilespmem:s30], [sflag:$0x3], $0x400, $0x38;
	[tilespmem:$0x10100] =	vst v63  }
0x13a: {  	s20 =	sadd.s32 $0x480, s16  }
0x13b: {  	[hbm4b:s20+s1] =	stream.linear.scatter [tilespmem:s31], [sflag:$0x3], $0x400, $0x38;
	[tilespmem:$0x10100] =	vst v63  }
0x13c: {  	s21 =	sadd.s32 $0x500, s16  }
0x13d: {  	[hbm4b:s21+s1] =	stream.linear.scatter [tilespmem:s0], [sflag:$0x3], $0x400, $0x38;
	[tilespmem:$0x10100] =	vst v63  }
0x13e: {  	s18 =	sadd.s32 $0x580, s16  }
0x13f: {  	[hbm4b:s18+s1] =	stream.linear.scatter [tilespmem:s4], [sflag:$0x3], $0x400, $0x38;
	[tilespmem:$0x10100] =	vst v63  }
0x140: {  	s19 =	sadd.s32 $0x600, s16  }
0x141: {  	[hbm4b:s19+s1] =	stream.linear.scatter [tilespmem:s10], [sflag:$0x3], $0x400, $0x38;
	[tilespmem:$0x10100] =	vst v63  }
0x142: {  	s15 =	sadd.s32 $0x1, s15;
	s20 =	sadd.s32 $0x680, s16  }
0x143: {  	[hbm4b:s20+s1] =	stream.linear.scatter [tilespmem:s12], [sflag:$0x3], $0x400, $0x38;
	[tilespmem:$0x10100] =	vst v63  }
0x144: {  	p0 =	sne.s32 s15, $0x4F;
	s21 =	sadd.s32 $0x700, s16  }
0x145: {  	[hbm4b:s21+s1] =	stream.linear.scatter [tilespmem:s13], [sflag:$0x3], $0x400, $0x38;
	[tilespmem:$0x10100] =	vst v63  }
.Ltmp1:
0x146: {  	s16 =	sadd.s32 $0x780, s16;
	(pc) =	sbr.rel @p0 .LBB2_2-.Ltmp1, $4  }
0x147: {  	[hbm4b:s16+s1] =	stream.linear.scatter [tilespmem:s14], [sflag:$0x3], $0x400, $0x38;
	[tilespmem:$0x10100] =	vst v63  }
0x148: {  	_ =	swait.ge [sflag:s11], $0x4000  }
0x149: {  	[sflag:s11] =	ssyncset.done $0x0  }
0x14a: {  	[sflag:s11] =	ssyncadd.s32 $0xFFFFC000  }
0x14b: {  	s16 =	rddreg [dreg:$0x3]  }
0x14c: {  	s15 =	rddreg [dreg:$0x2];
	s16 =	sadd.s32 $0x1, s16  }
0x14d: {  	p0 =	sne.s32 s16, s15  }
.Ltmp2:
0x14e: {  	_ = 	snop;
	(pc) =	sbr.rel @p0 .LBB2_1-.Ltmp2, $1  }
0x14f: {  	_ =	sdelay $0x3  }
0x150: {  	_ =	sfence.sel $0x180000  }
0x151: {  	[bflag:$0x0] =	sbarrier.arrive $0xFFFF  }
0x152: {  	_ =	strace $0x90000053  }
0x153: {  	s0 =	stileid.u32;
	[bflag:$0x2] =	sbarrier.arrive $0xFFFF  }
0x154: {  	p0 =	sne.s32 s0, $0x0;
	s0 =	rddreg [dreg:$0x1]  }
0x155: {  	s0 =	sadd.s32 @!p0 $0x100000, s0  }
0x156: {  	[sflag:s0] =	ssyncadd.tile.s32 @!p0 $0x1;
	_ =	shalt  }
.Lfunc_end2:
_tile_overlayer_lowered:
.L_overlay_start_2:
0x157: {  	(tag) =	ssettag $0x2  }
0x158: {  	s0 =	rddreg [dreg:$0x0];
	s2 =	stileid.u32  }
0x159: {  	s1 =	rddreg [dreg:$0x1];
	p0 =	sne.s32 s2, $0x0  }
0x15a: {  	s3 =	rddreg [dreg:$0x2];
	[bflag:$0x3] =	sbarrier.arrive $0xFFFF;
	s2 =	simm.s32 @!p0 $0x1C03  }
0x15b: {  	[timem:s3], [sflag:s2] =	dma.local @!p0 [hbm:s0], s1  }
0x15c: {  	s0 =	simm.s32 @!p0 $0x3  }
0x15d: {  	_ =	swait.ge @!p0 [sflag:s0], s1  }
0x15e: {  	s1 =	ssub.s32 @!p0 $0x0, s1;
	[sflag:s0] =	ssyncset.done @!p0 $0x0  }
0x15f: {  	[sflag:s0] =	ssyncadd.s32 @!p0 s1  }
0x160: {  	[bflag:$0x3] =	sbarrier.arrive $0xFFFF  }
0x161: {  	_ =	shalt  }

</sc_bundles>
